<compile_context>
chip_gen: v7x
topology: tpu7x:2x2x1
jax: 0.10.2.dev20260603
libtpu: 0.0.44.dev20260713+nightly
codegen_flags: <defaults>
</compile_context>

<pallas_src>
import functools

import jax
import jax.numpy as jnp
from jax import lax
from jax.experimental import pallas as pl
from jax.experimental.pallas import tpu as pltpu
from jax.experimental.pallas import tpu_sc as plsc

N_NODES = 10000
N_EDGES = 320000
NC = 2
NS = 16
NW = NC * NS
E_PER_TILE = N_EDGES // NW
CH = 250
NB = 4
NCH = E_PER_TILE // CH
RPT = 632
N_PAD = RPT * NS


def _make_seg_agg(D, table_is_ones):
    mesh = plsc.VectorSubcoreMesh(core_axis_name="c", subcore_axis_name="s")

    scratch = (
        [pltpu.VMEM((NCH, CH), jnp.int32)] * 2
        + [pltpu.VMEM((CH, D), jnp.float32)] * NB
        + [pltpu.VMEM_SHARED((N_PAD, D), jnp.float32)]
        + [pltpu.SemaphoreType.DMA] * (NB + 1)
    )

    @functools.partial(
        pl.kernel,
        out_type=jax.ShapeDtypeStruct((NC, N_PAD, D), jnp.float32),
        mesh=mesh,
        scratch_types=scratch,
        compiler_params=pltpu.CompilerParams(use_tc_tiling_on_sc=False),
    )
    def k(table_hbm, src_hbm, dst_hbm, zeros_hbm, out_hbm,
          idx_s, idx_d, *bufs):
        rows = list(bufs[:NB])
        acc = bufs[NB]
        semg = list(bufs[NB + 1:NB + 1 + NB])
        semz = bufs[NB + 1 + NB]
        rows0 = rows[0]
        sem0 = semg[0]
        c = lax.axis_index("c")
        s = lax.axis_index("s")
        wid = c * NS + s

        zero = pltpu.async_copy(zeros_hbm, acc.at[pl.ds(s * RPT, RPT)], semz)
        pltpu.sync_copy(dst_hbm.at[wid], idx_d)
        if table_is_ones:
            pltpu.sync_copy(table_hbm, rows0)
        else:
            pltpu.sync_copy(src_hbm.at[wid], idx_s)
        zero.wait()
        plsc.subcore_barrier()

        if table_is_ones:
            G = 10
            def body(i, carry):
                for b in range(G):
                    pltpu.async_copy(rows0, acc.at[idx_d.at[i * G + b]],
                                     sem0, add=True)
                for b in range(G):
                    pltpu.make_async_copy(
                        rows0, acc.at[idx_d.at[i * G + b]], sem0).wait()
                return carry
            lax.fori_loop(0, NCH // G, body, 0)
        else:
            for b in range(NB):
                pltpu.async_copy(table_hbm.at[idx_s.at[b]], rows[b], semg[b])

            def body(i, carry):
                for b in range(NB):
                    j = i * NB + b
                    pltpu.make_async_copy(
                        table_hbm.at[idx_s.at[j]], rows[b], semg[b]).wait()
                    pltpu.sync_copy(rows[b], acc.at[idx_d.at[j]], add=True)

                    @pl.when(j + NB < NCH)
                    def _next(b=b, j=j):
                        pltpu.async_copy(
                            table_hbm.at[idx_s.at[j + NB]], rows[b], semg[b])
                return carry

            lax.fori_loop(0, NCH // NB, body, 0)

        plsc.subcore_barrier()
        pltpu.sync_copy(acc.at[pl.ds(s * RPT, RPT)],
                        out_hbm.at[c, pl.ds(s * RPT, RPT)])

    return k


_seg_agg = {D: _make_seg_agg(D, False) for D in (64, 32)}
_deg_agg = _make_seg_agg(1, True)



def _mm_body(x_ref, w_ref, o_ref):
    o_ref[...] = jnp.dot(x_ref[...], w_ref[...],
                         preferred_element_type=jnp.float32)


def _scale_body(h_ref, degp_ref, g_ref, dis_ref):
    deg = degp_ref[0, :N_NODES, :] + degp_ref[1, :N_NODES, :] + 1.0
    dis = lax.rsqrt(deg)
    dis_ref[...] = dis
    g_ref[...] = h_ref[...] * dis


def _layer_body(accp_ref, g_ref, dis_ref, b_ref, w_ref, g2_ref):
    dis = dis_ref[...]
    h = dis * (accp_ref[0, :N_NODES] + accp_ref[1, :N_NODES] + g_ref[...]) + b_ref[...]
    h = jnp.maximum(h, 0.0)
    g2_ref[...] = dis * jnp.dot(h, w_ref[...],
                                preferred_element_type=jnp.float32)


def _final_body(accp_ref, g_ref, dis_ref, b_ref, wat_ref, ba_ref, o_ref):
    dis = dis_ref[...]
    h = dis * (accp_ref[0, :N_NODES] + accp_ref[1, :N_NODES] + g_ref[...]) + b_ref[...]
    h = jnp.maximum(h, 0.0)
    logit = jnp.sum(h * wat_ref[...], axis=1, keepdims=True) + ba_ref[...]
    attn = 1.0 / (1.0 + jnp.exp(-logit))
    o_ref[...] = h * attn


def _tc(body, out_shape, *args):
    return pl.pallas_call(
        body, out_shape=jax.ShapeDtypeStruct(out_shape, jnp.float32))(*args)


def kernel(x, edge_index, W1, b1, W2, b2, Wa, ba):
    src = edge_index[0].astype(jnp.int32).reshape(NW, NCH, CH)
    dst = edge_index[1].astype(jnp.int32).reshape(NW, NCH, CH)

    ones_rows = jnp.ones((CH, 1), jnp.float32)
    zeros_rpt1 = jnp.zeros((RPT, 1), jnp.float32)
    zeros_rpt64 = jnp.zeros((RPT, 64), jnp.float32)
    zeros_rpt32 = jnp.zeros((RPT, 32), jnp.float32)

    h1p = _tc(_mm_body, (N_NODES, 64), x, W1)
    degp = _deg_agg(ones_rows, src, dst, zeros_rpt1)

    g1, dis = pl.pallas_call(
        _scale_body,
        out_shape=(jax.ShapeDtypeStruct((N_NODES, 64), jnp.float32),
                   jax.ShapeDtypeStruct((N_NODES, 1), jnp.float32)),
    )(h1p, degp)

    acc1 = _seg_agg[64](g1, src, dst, zeros_rpt64)
    g2 = _tc(_layer_body, (N_NODES, 32),
             acc1, g1, dis, b1.reshape(1, 64), W2)

    acc2 = _seg_agg[32](g2, src, dst, zeros_rpt32)
    out = _tc(_final_body, (N_NODES, 32),
              acc2, g2, dis, b2.reshape(1, 32), Wa.reshape(1, 32),
              ba.reshape(1, 1))
    return out

# --- scband reference (transcript-rebuilt; emitter-appended) ---
"""Pipeline reference for scband-data-aware-fgcn-17540646437727 (READ-ONLY COPY).

The authoritative reference and input builder live on the scoring server;
editing this copy changes nothing except your own understanding.
"""

import jax, jax.numpy as jnp
import numpy as np

N_NODES = 10000
N_EDGES = 320000
IN_DIM = 128
HID_DIM = 64
OUT_DIM = 32


def setup_inputs(seed: int = 0) -> dict:
    key = jax.random.key(seed)
    ks = jax.random.split(key, 8)
    x = jax.random.normal(ks[0], (N_NODES, IN_DIM), dtype=jnp.float32)
    edge_index = jax.random.randint(ks[1], (2, N_EDGES), 0, N_NODES, dtype=jnp.int64 if jax.config.jax_enable_x64 else jnp.int32)
    W1 = jax.random.normal(ks[2], (IN_DIM, HID_DIM), dtype=jnp.float32) * (1.0 / np.sqrt(IN_DIM))
    b1 = jnp.zeros((HID_DIM,), dtype=jnp.float32)
    W2 = jax.random.normal(ks[3], (HID_DIM, OUT_DIM), dtype=jnp.float32) * (1.0 / np.sqrt(HID_DIM))
    b2 = jnp.zeros((OUT_DIM,), dtype=jnp.float32)
    Wa = jax.random.normal(ks[4], (OUT_DIM, 1), dtype=jnp.float32) * (1.0 / np.sqrt(OUT_DIM))
    ba = jnp.zeros((1,), dtype=jnp.float32)
    return {"x": x, "edge_index": edge_index, "W1": W1, "b1": b1, "W2": W2, "b2": b2, "Wa": Wa, "ba": ba}


def _gcn_conv(x, edge_index, W, b):
    # PyG-style GCNConv: add self loops, symmetric normalization, then scatter-add.
    n = x.shape[0]
    h = x @ W
    loop = jnp.arange(n, dtype=edge_index.dtype)
    src = jnp.concatenate([edge_index[0], loop])
    dst = jnp.concatenate([edge_index[1], loop])
    deg = jax.ops.segment_sum(jnp.ones_like(dst, dtype=h.dtype), dst, num_segments=n)
    deg_inv_sqrt = jnp.where(deg > 0, 1.0 / jnp.sqrt(deg), 0.0)
    norm = deg_inv_sqrt[src] * deg_inv_sqrt[dst]
    msg = h[src] * norm[:, None]
    out = jax.ops.segment_sum(msg, dst, num_segments=n)
    return out + b


def reference(x, edge_index, W1, b1, W2, b2, Wa, ba):
    h = jax.nn.relu(_gcn_conv(x, edge_index, W1, b1))
    h = jax.nn.relu(_gcn_conv(h, edge_index, W2, b2))
    attn = jax.nn.sigmoid(h @ Wa + ba)
    return h * attn

if __name__ == "__main__":
    import jax
    _d = setup_inputs()
    print(jax.jit(kernel)(*tuple(_d.values())))

</pallas_src>

<mosaic_0001>
#map = affine_map<(d0, d1) -> (0, 0)>
#map1 = affine_map<(d0, d1) -> (0, 0, 0)>
module attributes {stable_mosaic.version = 14 : i64} {
  func.func @k(%arg0: i32, %arg1: i32, %arg2: memref<10000x32xf32, #tpu.memory_space<hbm>>, %arg3: memref<32x40x250xi32, #tpu.memory_space<hbm>>, %arg4: memref<32x40x250xi32, #tpu.memory_space<hbm>>, %arg5: memref<632x32xf32, #tpu.memory_space<hbm>>, %arg6: memref<2x10112x32xf32, #tpu.memory_space<hbm>>, %arg7: memref<40x250xi32, #tpu.memory_space<vmem>>, %arg8: memref<40x250xi32, #tpu.memory_space<vmem>>, %arg9: memref<250x32xf32, #tpu.memory_space<vmem>>, %arg10: memref<250x32xf32, #tpu.memory_space<vmem>>, %arg11: memref<250x32xf32, #tpu.memory_space<vmem>>, %arg12: memref<250x32xf32, #tpu.memory_space<vmem>>, %arg13: memref<10112x32xf32, #tpu.memory_space<vmem_shared>>, %arg14: memref<!tpu.dma_semaphore, #tpu.memory_space<semaphore_mem>>, %arg15: memref<!tpu.dma_semaphore, #tpu.memory_space<semaphore_mem>>, %arg16: memref<!tpu.dma_semaphore, #tpu.memory_space<semaphore_mem>>, %arg17: memref<!tpu.dma_semaphore, #tpu.memory_space<semaphore_mem>>, %arg18: memref<!tpu.dma_semaphore, #tpu.memory_space<semaphore_mem>>) attributes {dimension_semantics = [#tpu.dimension_semantics<core_parallel>, #tpu.dimension_semantics<subcore_parallel>], iteration_bounds = array<i64: 2, 16>, scalar_prefetch = 0 : i64, scratch_operands = 12 : i64, tpu.core_type = #tpu.core_type<sc_vector_subcore>, window_params = [{transform_indices = #map}, {transform_indices = #map1}, {transform_indices = #map1}, {transform_indices = #map}, {transform_indices = #map1}]} {
    %mul3A = arith.constant 16 : i32
    %mul3A_0 = arith.muli %arg0, %mul3A : i32
    %add3A = arith.addi %mul3A_0, %arg1 : i32
    %mul3A_1 = arith.constant 632 : i32
    %mul3A_2 = arith.muli %arg1, %mul3A_1 : i32
    %dma_start3A = arith.constant 0 : i32
    %dma_start3A_3 = tpu.memref_slice %arg13[%mul3A_2, %dma_start3A] : memref<10112x32xf32, #tpu.memory_space<vmem_shared>> -> memref<632x32xf32, #tpu.memory_space<vmem_shared>>
    tpu.enqueue_dma source(%arg5 : memref<632x32xf32, #tpu.memory_space<hbm>>) target(%dma_start3A_3 : memref<632x32xf32, #tpu.memory_space<vmem_shared>>) target_semaphore(%arg18 : memref<!tpu.dma_semaphore, #tpu.memory_space<semaphore_mem>>)
    "tpu.region"() ({
      %run_scoped3A = tpu.sem_alloc : memref<!tpu.dma_semaphore, #tpu.memory_space<semaphore_mem>>
      %dma_start3A_43 = arith.constant 0 : i32
      %dma_start3A_44 = arith.constant 0 : i32
      %dma_start3A_45 = tpu.memref_slice %arg4[%add3A, %dma_start3A_43, %dma_start3A_44] : memref<32x40x250xi32, #tpu.memory_space<hbm>> -> memref<1x40x250xi32, #tpu.memory_space<hbm>>
      %dma_start3A_46 = tpu.memref_squeeze %dma_start3A_45 : memref<1x40x250xi32, #tpu.memory_space<hbm>> -> memref<40x250xi32, #tpu.memory_space<hbm>>
      %dma_start3A_47 = arith.constant 0 : i32
      %dma_start3A_48 = arith.constant 0 : i32
      %dma_start3A_49 = tpu.memref_slice %arg4[%add3A, %dma_start3A_47, %dma_start3A_48] : memref<32x40x250xi32, #tpu.memory_space<hbm>> -> memref<1x40x250xi32, #tpu.memory_space<hbm>>
      %dma_start3A_50 = tpu.memref_squeeze %dma_start3A_49 : memref<1x40x250xi32, #tpu.memory_space<hbm>> -> memref<40x250xi32, #tpu.memory_space<hbm>>
      tpu.enqueue_dma source(%dma_start3A_50 : memref<40x250xi32, #tpu.memory_space<hbm>>) target(%arg8 : memref<40x250xi32, #tpu.memory_space<vmem>>) target_semaphore(%run_scoped3A : memref<!tpu.dma_semaphore, #tpu.memory_space<semaphore_mem>>)
      %dma_wait3A_51 = arith.constant 0 : i32
      %dma_wait3A_52 = arith.constant 0 : i32
      %dma_wait3A_53 = tpu.memref_slice %arg4[%add3A, %dma_wait3A_51, %dma_wait3A_52] : memref<32x40x250xi32, #tpu.memory_space<hbm>> -> memref<1x40x250xi32, #tpu.memory_space<hbm>>
      %dma_wait3A_54 = tpu.memref_squeeze %dma_wait3A_53 : memref<1x40x250xi32, #tpu.memory_space<hbm>> -> memref<40x250xi32, #tpu.memory_space<hbm>>
      %dma_wait3A_55 = arith.constant 0 : i32
      %dma_wait3A_56 = arith.constant 0 : i32
      %dma_wait3A_57 = tpu.memref_slice %arg4[%add3A, %dma_wait3A_55, %dma_wait3A_56] : memref<32x40x250xi32, #tpu.memory_space<hbm>> -> memref<1x40x250xi32, #tpu.memory_space<hbm>>
      %dma_wait3A_58 = tpu.memref_squeeze %dma_wait3A_57 : memref<1x40x250xi32, #tpu.memory_space<hbm>> -> memref<40x250xi32, #tpu.memory_space<hbm>>
      tpu.wait_dma2 semaphore(%run_scoped3A : memref<!tpu.dma_semaphore, #tpu.memory_space<semaphore_mem>>) src(%dma_wait3A_58 : memref<40x250xi32, #tpu.memory_space<hbm>>) dst(%arg8 : memref<40x250xi32, #tpu.memory_space<vmem>>)
      tpu.yield
    }) : () -> ()
    "tpu.region"() ({
      %run_scoped3A = tpu.sem_alloc : memref<!tpu.dma_semaphore, #tpu.memory_space<semaphore_mem>>
      %dma_start3A_43 = arith.constant 0 : i32
      %dma_start3A_44 = arith.constant 0 : i32
      %dma_start3A_45 = tpu.memref_slice %arg3[%add3A, %dma_start3A_43, %dma_start3A_44] : memref<32x40x250xi32, #tpu.memory_space<hbm>> -> memref<1x40x250xi32, #tpu.memory_space<hbm>>
      %dma_start3A_46 = tpu.memref_squeeze %dma_start3A_45 : memref<1x40x250xi32, #tpu.memory_space<hbm>> -> memref<40x250xi32, #tpu.memory_space<hbm>>
      %dma_start3A_47 = arith.constant 0 : i32
      %dma_start3A_48 = arith.constant 0 : i32
      %dma_start3A_49 = tpu.memref_slice %arg3[%add3A, %dma_start3A_47, %dma_start3A_48] : memref<32x40x250xi32, #tpu.memory_space<hbm>> -> memref<1x40x250xi32, #tpu.memory_space<hbm>>
      %dma_start3A_50 = tpu.memref_squeeze %dma_start3A_49 : memref<1x40x250xi32, #tpu.memory_space<hbm>> -> memref<40x250xi32, #tpu.memory_space<hbm>>
      tpu.enqueue_dma source(%dma_start3A_50 : memref<40x250xi32, #tpu.memory_space<hbm>>) target(%arg7 : memref<40x250xi32, #tpu.memory_space<vmem>>) target_semaphore(%run_scoped3A : memref<!tpu.dma_semaphore, #tpu.memory_space<semaphore_mem>>)
      %dma_wait3A_51 = arith.constant 0 : i32
      %dma_wait3A_52 = arith.constant 0 : i32
      %dma_wait3A_53 = tpu.memref_slice %arg3[%add3A, %dma_wait3A_51, %dma_wait3A_52] : memref<32x40x250xi32, #tpu.memory_space<hbm>> -> memref<1x40x250xi32, #tpu.memory_space<hbm>>
      %dma_wait3A_54 = tpu.memref_squeeze %dma_wait3A_53 : memref<1x40x250xi32, #tpu.memory_space<hbm>> -> memref<40x250xi32, #tpu.memory_space<hbm>>
      %dma_wait3A_55 = arith.constant 0 : i32
      %dma_wait3A_56 = arith.constant 0 : i32
      %dma_wait3A_57 = tpu.memref_slice %arg3[%add3A, %dma_wait3A_55, %dma_wait3A_56] : memref<32x40x250xi32, #tpu.memory_space<hbm>> -> memref<1x40x250xi32, #tpu.memory_space<hbm>>
      %dma_wait3A_58 = tpu.memref_squeeze %dma_wait3A_57 : memref<1x40x250xi32, #tpu.memory_space<hbm>> -> memref<40x250xi32, #tpu.memory_space<hbm>>
      tpu.wait_dma2 semaphore(%run_scoped3A : memref<!tpu.dma_semaphore, #tpu.memory_space<semaphore_mem>>) src(%dma_wait3A_58 : memref<40x250xi32, #tpu.memory_space<hbm>>) dst(%arg7 : memref<40x250xi32, #tpu.memory_space<vmem>>)
      tpu.yield
    }) : () -> ()
    %dma_wait3A = arith.constant 0 : i32
    %dma_wait3A_4 = tpu.memref_slice %arg13[%mul3A_2, %dma_wait3A] : memref<10112x32xf32, #tpu.memory_space<vmem_shared>> -> memref<632x32xf32, #tpu.memory_space<vmem_shared>>
    tpu.wait_dma2 semaphore(%arg18 : memref<!tpu.dma_semaphore, #tpu.memory_space<semaphore_mem>>) src(%arg5 : memref<632x32xf32, #tpu.memory_space<hbm>>) dst(%dma_wait3A_4 : memref<632x32xf32, #tpu.memory_space<vmem_shared>>)
    %barrier3A = arith.constant 0 : index
    tpu.barrier barrier_id(%barrier3A)
    %dma_start3A_5 = arith.constant 0 : i32
    %dma_start3A_6 = arith.constant 0 : i32
    %dma_start3A_7 = tpu.memref_slice %arg7[%dma_start3A_5, %dma_start3A_6] : memref<40x250xi32, #tpu.memory_space<vmem>> -> memref<1x250xi32, #tpu.memory_space<vmem>>
    %dma_start3A_8 = tpu.memref_squeeze %dma_start3A_7 : memref<1x250xi32, #tpu.memory_space<vmem>> -> memref<250xi32, #tpu.memory_space<vmem>>
    %dma_start3A_9 = arith.constant 0 : i32
    %dma_start3A_10 = arith.constant 0 : i32
    %dma_start3A_11 = tpu.memref_slice %arg2[%dma_start3A_9, %dma_start3A_10] : memref<10000x32xf32, #tpu.memory_space<hbm>> -> memref<10000x32xf32, #tpu.memory_space<hbm>>
    tpu.enqueue_indirect_dma source(%dma_start3A_11 : memref<10000x32xf32, #tpu.memory_space<hbm>>) target(%arg9 : memref<250x32xf32, #tpu.memory_space<vmem>>) offsets(%dma_start3A_8 : memref<250xi32, #tpu.memory_space<vmem>>) semaphore(%arg14 : memref<!tpu.dma_semaphore, #tpu.memory_space<semaphore_mem>>)
    %dma_start3A_12 = arith.constant 1 : i32
    %dma_start3A_13 = arith.constant 0 : i32
    %dma_start3A_14 = tpu.memref_slice %arg7[%dma_start3A_12, %dma_start3A_13] : memref<40x250xi32, #tpu.memory_space<vmem>> -> memref<1x250xi32, #tpu.memory_space<vmem>>
    %dma_start3A_15 = tpu.memref_squeeze %dma_start3A_14 : memref<1x250xi32, #tpu.memory_space<vmem>> -> memref<250xi32, #tpu.memory_space<vmem>>
    %dma_start3A_16 = arith.constant 0 : i32
    %dma_start3A_17 = arith.constant 0 : i32
    %dma_start3A_18 = tpu.memref_slice %arg2[%dma_start3A_16, %dma_start3A_17] : memref<10000x32xf32, #tpu.memory_space<hbm>> -> memref<10000x32xf32, #tpu.memory_space<hbm>>
    tpu.enqueue_indirect_dma source(%dma_start3A_18 : memref<10000x32xf32, #tpu.memory_space<hbm>>) target(%arg10 : memref<250x32xf32, #tpu.memory_space<vmem>>) offsets(%dma_start3A_15 : memref<250xi32, #tpu.memory_space<vmem>>) semaphore(%arg15 : memref<!tpu.dma_semaphore, #tpu.memory_space<semaphore_mem>>)
    %dma_start3A_19 = arith.constant 2 : i32
    %dma_start3A_20 = arith.constant 0 : i32
    %dma_start3A_21 = tpu.memref_slice %arg7[%dma_start3A_19, %dma_start3A_20] : memref<40x250xi32, #tpu.memory_space<vmem>> -> memref<1x250xi32, #tpu.memory_space<vmem>>
    %dma_start3A_22 = tpu.memref_squeeze %dma_start3A_21 : memref<1x250xi32, #tpu.memory_space<vmem>> -> memref<250xi32, #tpu.memory_space<vmem>>
    %dma_start3A_23 = arith.constant 0 : i32
    %dma_start3A_24 = arith.constant 0 : i32
    %dma_start3A_25 = tpu.memref_slice %arg2[%dma_start3A_23, %dma_start3A_24] : memref<10000x32xf32, #tpu.memory_space<hbm>> -> memref<10000x32xf32, #tpu.memory_space<hbm>>
    tpu.enqueue_indirect_dma source(%dma_start3A_25 : memref<10000x32xf32, #tpu.memory_space<hbm>>) target(%arg11 : memref<250x32xf32, #tpu.memory_space<vmem>>) offsets(%dma_start3A_22 : memref<250xi32, #tpu.memory_space<vmem>>) semaphore(%arg16 : memref<!tpu.dma_semaphore, #tpu.memory_space<semaphore_mem>>)
    %dma_start3A_26 = arith.constant 3 : i32
    %dma_start3A_27 = arith.constant 0 : i32
    %dma_start3A_28 = tpu.memref_slice %arg7[%dma_start3A_26, %dma_start3A_27] : memref<40x250xi32, #tpu.memory_space<vmem>> -> memref<1x250xi32, #tpu.memory_space<vmem>>
    %dma_start3A_29 = tpu.memref_squeeze %dma_start3A_28 : memref<1x250xi32, #tpu.memory_space<vmem>> -> memref<250xi32, #tpu.memory_space<vmem>>
    %dma_start3A_30 = arith.constant 0 : i32
    %dma_start3A_31 = arith.constant 0 : i32
    %dma_start3A_32 = tpu.memref_slice %arg2[%dma_start3A_30, %dma_start3A_31] : memref<10000x32xf32, #tpu.memory_space<hbm>> -> memref<10000x32xf32, #tpu.memory_space<hbm>>
    tpu.enqueue_indirect_dma source(%dma_start3A_32 : memref<10000x32xf32, #tpu.memory_space<hbm>>) target(%arg12 : memref<250x32xf32, #tpu.memory_space<vmem>>) offsets(%dma_start3A_29 : memref<250xi32, #tpu.memory_space<vmem>>) semaphore(%arg17 : memref<!tpu.dma_semaphore, #tpu.memory_space<semaphore_mem>>)
    %scan3A = arith.constant 0 : i32
    %scan3A_33 = arith.constant 0 : i32
    %scan3A_34 = arith.constant 10 : i32
    %scan3A_35 = arith.addi %scan3A_33, %scan3A_34 : i32
    %scan3A_36 = arith.constant 1 : i32
    scf.for %scan3A_43 = %scan3A_33 to %scan3A_35 step %scan3A_36  : i32 {
      %mul3A_44 = arith.constant 4 : i32
      %mul3A_45 = arith.muli %scan3A_43, %mul3A_44 : i32
      %add3A_46 = arith.constant 0 : i32
      %add3A_47 = arith.addi %mul3A_45, %add3A_46 : i32
      %dma_wait3A_48 = arith.constant 0 : i32
      %dma_wait3A_49 = tpu.memref_slice %arg7[%add3A_47, %dma_wait3A_48] : memref<40x250xi32, #tpu.memory_space<vmem>> -> memref<1x250xi32, #tpu.memory_space<vmem>>
      %dma_wait3A_50 = tpu.memref_squeeze %dma_wait3A_49 : memref<1x250xi32, #tpu.memory_space<vmem>> -> memref<250xi32, #tpu.memory_space<vmem>>
      %dma_wait3A_51 = arith.constant 0 : i32
      %dma_wait3A_52 = arith.constant 0 : i32
      %dma_wait3A_53 = tpu.memref_slice %arg2[%dma_wait3A_51, %dma_wait3A_52] : memref<10000x32xf32, #tpu.memory_space<hbm>> -> memref<10000x32xf32, #tpu.memory_space<hbm>>
      tpu.wait_indirect_dma semaphore(%arg14 : memref<!tpu.dma_semaphore, #tpu.memory_space<semaphore_mem>>) src(%dma_wait3A_53 : memref<10000x32xf32, #tpu.memory_space<hbm>>) dst(%arg9 : memref<250x32xf32, #tpu.memory_space<vmem>>)
      "tpu.region"() ({
        %run_scoped3A = tpu.sem_alloc : memref<!tpu.dma_semaphore, #tpu.memory_space<semaphore_mem>>
        %dma_start3A_109 = arith.constant 0 : i32
        %dma_start3A_110 = tpu.memref_slice %arg8[%add3A_47, %dma_start3A_109] : memref<40x250xi32, #tpu.memory_space<vmem>> -> memref<1x250xi32, #tpu.memory_space<vmem>>
        %dma_start3A_111 = tpu.memref_squeeze %dma_start3A_110 : memref<1x250xi32, #tpu.memory_space<vmem>> -> memref<250xi32, #tpu.memory_space<vmem>>
        %dma_start3A_112 = arith.constant 0 : i32
        %dma_start3A_113 = arith.constant 0 : i32
        %dma_start3A_114 = tpu.memref_slice %arg13[%dma_start3A_112, %dma_start3A_113] : memref<10112x32xf32, #tpu.memory_space<vmem_shared>> -> memref<10112x32xf32, #tpu.memory_space<vmem_shared>>
        tpu.enqueue_indirect_dma source(%arg9 : memref<250x32xf32, #tpu.memory_space<vmem>>) target(%dma_start3A_114 : memref<10112x32xf32, #tpu.memory_space<vmem_shared>>) offsets(%dma_start3A_111 : memref<250xi32, #tpu.memory_space<vmem>>) semaphore(%run_scoped3A : memref<!tpu.dma_semaphore, #tpu.memory_space<semaphore_mem>>) {add = true}
        %dma_wait3A_115 = arith.constant 0 : i32
        %dma_wait3A_116 = tpu.memref_slice %arg8[%add3A_47, %dma_wait3A_115] : memref<40x250xi32, #tpu.memory_space<vmem>> -> memref<1x250xi32, #tpu.memory_space<vmem>>
        %dma_wait3A_117 = tpu.memref_squeeze %dma_wait3A_116 : memref<1x250xi32, #tpu.memory_space<vmem>> -> memref<250xi32, #tpu.memory_space<vmem>>
        %dma_wait3A_118 = arith.constant 0 : i32
        %dma_wait3A_119 = arith.constant 0 : i32
        %dma_wait3A_120 = tpu.memref_slice %arg13[%dma_wait3A_118, %dma_wait3A_119] : memref<10112x32xf32, #tpu.memory_space<vmem_shared>> -> memref<10112x32xf32, #tpu.memory_space<vmem_shared>>
        tpu.wait_indirect_dma semaphore(%run_scoped3A : memref<!tpu.dma_semaphore, #tpu.memory_space<semaphore_mem>>) src(%arg9 : memref<250x32xf32, #tpu.memory_space<vmem>>) dst(%dma_wait3A_120 : memref<10112x32xf32, #tpu.memory_space<vmem_shared>>)
        tpu.yield
      }) : () -> ()
      %add3A_54 = arith.constant 4 : i32
      %add3A_55 = arith.addi %add3A_47, %add3A_54 : i32
      %lt3A = arith.constant 40 : i32
      %lt3A_56 = arith.cmpi slt, %add3A_55, %lt3A : i32
      %convert_element_type3A = arith.extui %lt3A_56 : i1 to i32
      %cond3A = arith.constant 0 : i32
      %cond3A_57 = arith.cmpi ne, %convert_element_type3A, %cond3A : i32
      scf.if %cond3A_57 {
        %add3A_109 = arith.constant 4 : i32
        %add3A_110 = arith.addi %add3A_47, %add3A_109 : i32
        %dma_start3A_111 = arith.constant 0 : i32
        %dma_start3A_112 = tpu.memref_slice %arg7[%add3A_110, %dma_start3A_111] : memref<40x250xi32, #tpu.memory_space<vmem>> -> memref<1x250xi32, #tpu.memory_space<vmem>>
        %dma_start3A_113 = tpu.memref_squeeze %dma_start3A_112 : memref<1x250xi32, #tpu.memory_space<vmem>> -> memref<250xi32, #tpu.memory_space<vmem>>
        %dma_start3A_114 = arith.constant 0 : i32
        %dma_start3A_115 = arith.constant 0 : i32
        %dma_start3A_116 = tpu.memref_slice %arg2[%dma_start3A_114, %dma_start3A_115] : memref<10000x32xf32, #tpu.memory_space<hbm>> -> memref<10000x32xf32, #tpu.memory_space<hbm>>
        tpu.enqueue_indirect_dma source(%dma_start3A_116 : memref<10000x32xf32, #tpu.memory_space<hbm>>) target(%arg9 : memref<250x32xf32, #tpu.memory_space<vmem>>) offsets(%dma_start3A_113 : memref<250xi32, #tpu.memory_space<vmem>>) semaphore(%arg14 : memref<!tpu.dma_semaphore, #tpu.memory_space<semaphore_mem>>)
      } else {
      }
      %mul3A_58 = arith.constant 4 : i32
      %mul3A_59 = arith.muli %scan3A_43, %mul3A_58 : i32
      %add3A_60 = arith.constant 1 : i32
      %add3A_61 = arith.addi %mul3A_59, %add3A_60 : i32
      %dma_wait3A_62 = arith.constant 0 : i32
      %dma_wait3A_63 = tpu.memref_slice %arg7[%add3A_61, %dma_wait3A_62] : memref<40x250xi32, #tpu.memory_space<vmem>> -> memref<1x250xi32, #tpu.memory_space<vmem>>
      %dma_wait3A_64 = tpu.memref_squeeze %dma_wait3A_63 : memref<1x250xi32, #tpu.memory_space<vmem>> -> memref<250xi32, #tpu.memory_space<vmem>>
      %dma_wait3A_65 = arith.constant 0 : i32
      %dma_wait3A_66 = arith.constant 0 : i32
      %dma_wait3A_67 = tpu.memref_slice %arg2[%dma_wait3A_65, %dma_wait3A_66] : memref<10000x32xf32, #tpu.memory_space<hbm>> -> memref<10000x32xf32, #tpu.memory_space<hbm>>
      tpu.wait_indirect_dma semaphore(%arg15 : memref<!tpu.dma_semaphore, #tpu.memory_space<semaphore_mem>>) src(%dma_wait3A_67 : memref<10000x32xf32, #tpu.memory_space<hbm>>) dst(%arg10 : memref<250x32xf32, #tpu.memory_space<vmem>>)
      "tpu.region"() ({
        %run_scoped3A = tpu.sem_alloc : memref<!tpu.dma_semaphore, #tpu.memory_space<semaphore_mem>>
        %dma_start3A_109 = arith.constant 0 : i32
        %dma_start3A_110 = tpu.memref_slice %arg8[%add3A_61, %dma_start3A_109] : memref<40x250xi32, #tpu.memory_space<vmem>> -> memref<1x250xi32, #tpu.memory_space<vmem>>
        %dma_start3A_111 = tpu.memref_squeeze %dma_start3A_110 : memref<1x250xi32, #tpu.memory_space<vmem>> -> memref<250xi32, #tpu.memory_space<vmem>>
        %dma_start3A_112 = arith.constant 0 : i32
        %dma_start3A_113 = arith.constant 0 : i32
        %dma_start3A_114 = tpu.memref_slice %arg13[%dma_start3A_112, %dma_start3A_113] : memref<10112x32xf32, #tpu.memory_space<vmem_shared>> -> memref<10112x32xf32, #tpu.memory_space<vmem_shared>>
        tpu.enqueue_indirect_dma source(%arg10 : memref<250x32xf32, #tpu.memory_space<vmem>>) target(%dma_start3A_114 : memref<10112x32xf32, #tpu.memory_space<vmem_shared>>) offsets(%dma_start3A_111 : memref<250xi32, #tpu.memory_space<vmem>>) semaphore(%run_scoped3A : memref<!tpu.dma_semaphore, #tpu.memory_space<semaphore_mem>>) {add = true}
        %dma_wait3A_115 = arith.constant 0 : i32
        %dma_wait3A_116 = tpu.memref_slice %arg8[%add3A_61, %dma_wait3A_115] : memref<40x250xi32, #tpu.memory_space<vmem>> -> memref<1x250xi32, #tpu.memory_space<vmem>>
        %dma_wait3A_117 = tpu.memref_squeeze %dma_wait3A_116 : memref<1x250xi32, #tpu.memory_space<vmem>> -> memref<250xi32, #tpu.memory_space<vmem>>
        %dma_wait3A_118 = arith.constant 0 : i32
        %dma_wait3A_119 = arith.constant 0 : i32
        %dma_wait3A_120 = tpu.memref_slice %arg13[%dma_wait3A_118, %dma_wait3A_119] : memref<10112x32xf32, #tpu.memory_space<vmem_shared>> -> memref<10112x32xf32, #tpu.memory_space<vmem_shared>>
        tpu.wait_indirect_dma semaphore(%run_scoped3A : memref<!tpu.dma_semaphore, #tpu.memory_space<semaphore_mem>>) src(%arg10 : memref<250x32xf32, #tpu.memory_space<vmem>>) dst(%dma_wait3A_120 : memref<10112x32xf32, #tpu.memory_space<vmem_shared>>)
        tpu.yield
      }) : () -> ()
      %add3A_68 = arith.constant 4 : i32
      %add3A_69 = arith.addi %add3A_61, %add3A_68 : i32
      %lt3A_70 = arith.constant 40 : i32
      %lt3A_71 = arith.cmpi slt, %add3A_69, %lt3A_70 : i32
      %convert_element_type3A_72 = arith.extui %lt3A_71 : i1 to i32
      %cond3A_73 = arith.constant 0 : i32
      %cond3A_74 = arith.cmpi ne, %convert_element_type3A_72, %cond3A_73 : i32
      scf.if %cond3A_74 {
        %add3A_109 = arith.constant 4 : i32
        %add3A_110 = arith.addi %add3A_61, %add3A_109 : i32
        %dma_start3A_111 = arith.constant 0 : i32
        %dma_start3A_112 = tpu.memref_slice %arg7[%add3A_110, %dma_start3A_111] : memref<40x250xi32, #tpu.memory_space<vmem>> -> memref<1x250xi32, #tpu.memory_space<vmem>>
        %dma_start3A_113 = tpu.memref_squeeze %dma_start3A_112 : memref<1x250xi32, #tpu.memory_space<vmem>> -> memref<250xi32, #tpu.memory_space<vmem>>
        %dma_start3A_114 = arith.constant 0 : i32
        %dma_start3A_115 = arith.constant 0 : i32
        %dma_start3A_116 = tpu.memref_slice %arg2[%dma_start3A_114, %dma_start3A_115] : memref<10000x32xf32, #tpu.memory_space<hbm>> -> memref<10000x32xf32, #tpu.memory_space<hbm>>
        tpu.enqueue_indirect_dma source(%dma_start3A_116 : memref<10000x32xf32, #tpu.memory_space<hbm>>) target(%arg10 : memref<250x32xf32, #tpu.memory_space<vmem>>) offsets(%dma_start3A_113 : memref<250xi32, #tpu.memory_space<vmem>>) semaphore(%arg15 : memref<!tpu.dma_semaphore, #tpu.memory_space<semaphore_mem>>)
      } else {
      }
      %mul3A_75 = arith.constant 4 : i32
      %mul3A_76 = arith.muli %scan3A_43, %mul3A_75 : i32
      %add3A_77 = arith.constant 2 : i32
      %add3A_78 = arith.addi %mul3A_76, %add3A_77 : i32
      %dma_wait3A_79 = arith.constant 0 : i32
      %dma_wait3A_80 = tpu.memref_slice %arg7[%add3A_78, %dma_wait3A_79] : memref<40x250xi32, #tpu.memory_space<vmem>> -> memref<1x250xi32, #tpu.memory_space<vmem>>
      %dma_wait3A_81 = tpu.memref_squeeze %dma_wait3A_80 : memref<1x250xi32, #tpu.memory_space<vmem>> -> memref<250xi32, #tpu.memory_space<vmem>>
      %dma_wait3A_82 = arith.constant 0 : i32
      %dma_wait3A_83 = arith.constant 0 : i32
      %dma_wait3A_84 = tpu.memref_slice %arg2[%dma_wait3A_82, %dma_wait3A_83] : memref<10000x32xf32, #tpu.memory_space<hbm>> -> memref<10000x32xf32, #tpu.memory_space<hbm>>
      tpu.wait_indirect_dma semaphore(%arg16 : memref<!tpu.dma_semaphore, #tpu.memory_space<semaphore_mem>>) src(%dma_wait3A_84 : memref<10000x32xf32, #tpu.memory_space<hbm>>) dst(%arg11 : memref<250x32xf32, #tpu.memory_space<vmem>>)
      "tpu.region"() ({
        %run_scoped3A = tpu.sem_alloc : memref<!tpu.dma_semaphore, #tpu.memory_space<semaphore_mem>>
        %dma_start3A_109 = arith.constant 0 : i32
        %dma_start3A_110 = tpu.memref_slice %arg8[%add3A_78, %dma_start3A_109] : memref<40x250xi32, #tpu.memory_space<vmem>> -> memref<1x250xi32, #tpu.memory_space<vmem>>
        %dma_start3A_111 = tpu.memref_squeeze %dma_start3A_110 : memref<1x250xi32, #tpu.memory_space<vmem>> -> memref<250xi32, #tpu.memory_space<vmem>>
        %dma_start3A_112 = arith.constant 0 : i32
        %dma_start3A_113 = arith.constant 0 : i32
        %dma_start3A_114 = tpu.memref_slice %arg13[%dma_start3A_112, %dma_start3A_113] : memref<10112x32xf32, #tpu.memory_space<vmem_shared>> -> memref<10112x32xf32, #tpu.memory_space<vmem_shared>>
        tpu.enqueue_indirect_dma source(%arg11 : memref<250x32xf32, #tpu.memory_space<vmem>>) target(%dma_start3A_114 : memref<10112x32xf32, #tpu.memory_space<vmem_shared>>) offsets(%dma_start3A_111 : memref<250xi32, #tpu.memory_space<vmem>>) semaphore(%run_scoped3A : memref<!tpu.dma_semaphore, #tpu.memory_space<semaphore_mem>>) {add = true}
        %dma_wait3A_115 = arith.constant 0 : i32
        %dma_wait3A_116 = tpu.memref_slice %arg8[%add3A_78, %dma_wait3A_115] : memref<40x250xi32, #tpu.memory_space<vmem>> -> memref<1x250xi32, #tpu.memory_space<vmem>>
        %dma_wait3A_117 = tpu.memref_squeeze %dma_wait3A_116 : memref<1x250xi32, #tpu.memory_space<vmem>> -> memref<250xi32, #tpu.memory_space<vmem>>
        %dma_wait3A_118 = arith.constant 0 : i32
        %dma_wait3A_119 = arith.constant 0 : i32
        %dma_wait3A_120 = tpu.memref_slice %arg13[%dma_wait3A_118, %dma_wait3A_119] : memref<10112x32xf32, #tpu.memory_space<vmem_shared>> -> memref<10112x32xf32, #tpu.memory_space<vmem_shared>>
        tpu.wait_indirect_dma semaphore(%run_scoped3A : memref<!tpu.dma_semaphore, #tpu.memory_space<semaphore_mem>>) src(%arg11 : memref<250x32xf32, #tpu.memory_space<vmem>>) dst(%dma_wait3A_120 : memref<10112x32xf32, #tpu.memory_space<vmem_shared>>)
        tpu.yield
      }) : () -> ()
      %add3A_85 = arith.constant 4 : i32
      %add3A_86 = arith.addi %add3A_78, %add3A_85 : i32
      %lt3A_87 = arith.constant 40 : i32
      %lt3A_88 = arith.cmpi slt, %add3A_86, %lt3A_87 : i32
      %convert_element_type3A_89 = arith.extui %lt3A_88 : i1 to i32
      %cond3A_90 = arith.constant 0 : i32
      %cond3A_91 = arith.cmpi ne, %convert_element_type3A_89, %cond3A_90 : i32
      scf.if %cond3A_91 {
        %add3A_109 = arith.constant 4 : i32
        %add3A_110 = arith.addi %add3A_78, %add3A_109 : i32
        %dma_start3A_111 = arith.constant 0 : i32
        %dma_start3A_112 = tpu.memref_slice %arg7[%add3A_110, %dma_start3A_111] : memref<40x250xi32, #tpu.memory_space<vmem>> -> memref<1x250xi32, #tpu.memory_space<vmem>>
        %dma_start3A_113 = tpu.memref_squeeze %dma_start3A_112 : memref<1x250xi32, #tpu.memory_space<vmem>> -> memref<250xi32, #tpu.memory_space<vmem>>
        %dma_start3A_114 = arith.constant 0 : i32
        %dma_start3A_115 = arith.constant 0 : i32
        %dma_start3A_116 = tpu.memref_slice %arg2[%dma_start3A_114, %dma_start3A_115] : memref<10000x32xf32, #tpu.memory_space<hbm>> -> memref<10000x32xf32, #tpu.memory_space<hbm>>
        tpu.enqueue_indirect_dma source(%dma_start3A_116 : memref<10000x32xf32, #tpu.memory_space<hbm>>) target(%arg11 : memref<250x32xf32, #tpu.memory_space<vmem>>) offsets(%dma_start3A_113 : memref<250xi32, #tpu.memory_space<vmem>>) semaphore(%arg16 : memref<!tpu.dma_semaphore, #tpu.memory_space<semaphore_mem>>)
      } else {
      }
      %mul3A_92 = arith.constant 4 : i32
      %mul3A_93 = arith.muli %scan3A_43, %mul3A_92 : i32
      %add3A_94 = arith.constant 3 : i32
      %add3A_95 = arith.addi %mul3A_93, %add3A_94 : i32
      %dma_wait3A_96 = arith.constant 0 : i32
      %dma_wait3A_97 = tpu.memref_slice %arg7[%add3A_95, %dma_wait3A_96] : memref<40x250xi32, #tpu.memory_space<vmem>> -> memref<1x250xi32, #tpu.memory_space<vmem>>
      %dma_wait3A_98 = tpu.memref_squeeze %dma_wait3A_97 : memref<1x250xi32, #tpu.memory_space<vmem>> -> memref<250xi32, #tpu.memory_space<vmem>>
      %dma_wait3A_99 = arith.constant 0 : i32
      %dma_wait3A_100 = arith.constant 0 : i32
      %dma_wait3A_101 = tpu.memref_slice %arg2[%dma_wait3A_99, %dma_wait3A_100] : memref<10000x32xf32, #tpu.memory_space<hbm>> -> memref<10000x32xf32, #tpu.memory_space<hbm>>
      tpu.wait_indirect_dma semaphore(%arg17 : memref<!tpu.dma_semaphore, #tpu.memory_space<semaphore_mem>>) src(%dma_wait3A_101 : memref<10000x32xf32, #tpu.memory_space<hbm>>) dst(%arg12 : memref<250x32xf32, #tpu.memory_space<vmem>>)
      "tpu.region"() ({
        %run_scoped3A = tpu.sem_alloc : memref<!tpu.dma_semaphore, #tpu.memory_space<semaphore_mem>>
        %dma_start3A_109 = arith.constant 0 : i32
        %dma_start3A_110 = tpu.memref_slice %arg8[%add3A_95, %dma_start3A_109] : memref<40x250xi32, #tpu.memory_space<vmem>> -> memref<1x250xi32, #tpu.memory_space<vmem>>
        %dma_start3A_111 = tpu.memref_squeeze %dma_start3A_110 : memref<1x250xi32, #tpu.memory_space<vmem>> -> memref<250xi32, #tpu.memory_space<vmem>>
        %dma_start3A_112 = arith.constant 0 : i32
        %dma_start3A_113 = arith.constant 0 : i32
        %dma_start3A_114 = tpu.memref_slice %arg13[%dma_start3A_112, %dma_start3A_113] : memref<10112x32xf32, #tpu.memory_space<vmem_shared>> -> memref<10112x32xf32, #tpu.memory_space<vmem_shared>>
        tpu.enqueue_indirect_dma source(%arg12 : memref<250x32xf32, #tpu.memory_space<vmem>>) target(%dma_start3A_114 : memref<10112x32xf32, #tpu.memory_space<vmem_shared>>) offsets(%dma_start3A_111 : memref<250xi32, #tpu.memory_space<vmem>>) semaphore(%run_scoped3A : memref<!tpu.dma_semaphore, #tpu.memory_space<semaphore_mem>>) {add = true}
        %dma_wait3A_115 = arith.constant 0 : i32
        %dma_wait3A_116 = tpu.memref_slice %arg8[%add3A_95, %dma_wait3A_115] : memref<40x250xi32, #tpu.memory_space<vmem>> -> memref<1x250xi32, #tpu.memory_space<vmem>>
        %dma_wait3A_117 = tpu.memref_squeeze %dma_wait3A_116 : memref<1x250xi32, #tpu.memory_space<vmem>> -> memref<250xi32, #tpu.memory_space<vmem>>
        %dma_wait3A_118 = arith.constant 0 : i32
        %dma_wait3A_119 = arith.constant 0 : i32
        %dma_wait3A_120 = tpu.memref_slice %arg13[%dma_wait3A_118, %dma_wait3A_119] : memref<10112x32xf32, #tpu.memory_space<vmem_shared>> -> memref<10112x32xf32, #tpu.memory_space<vmem_shared>>
        tpu.wait_indirect_dma semaphore(%run_scoped3A : memref<!tpu.dma_semaphore, #tpu.memory_space<semaphore_mem>>) src(%arg12 : memref<250x32xf32, #tpu.memory_space<vmem>>) dst(%dma_wait3A_120 : memref<10112x32xf32, #tpu.memory_space<vmem_shared>>)
        tpu.yield
      }) : () -> ()
      %add3A_102 = arith.constant 4 : i32
      %add3A_103 = arith.addi %add3A_95, %add3A_102 : i32
      %lt3A_104 = arith.constant 40 : i32
      %lt3A_105 = arith.cmpi slt, %add3A_103, %lt3A_104 : i32
      %convert_element_type3A_106 = arith.extui %lt3A_105 : i1 to i32
      %cond3A_107 = arith.constant 0 : i32
      %cond3A_108 = arith.cmpi ne, %convert_element_type3A_106, %cond3A_107 : i32
      scf.if %cond3A_108 {
        %add3A_109 = arith.constant 4 : i32
        %add3A_110 = arith.addi %add3A_95, %add3A_109 : i32
        %dma_start3A_111 = arith.constant 0 : i32
        %dma_start3A_112 = tpu.memref_slice %arg7[%add3A_110, %dma_start3A_111] : memref<40x250xi32, #tpu.memory_space<vmem>> -> memref<1x250xi32, #tpu.memory_space<vmem>>
        %dma_start3A_113 = tpu.memref_squeeze %dma_start3A_112 : memref<1x250xi32, #tpu.memory_space<vmem>> -> memref<250xi32, #tpu.memory_space<vmem>>
        %dma_start3A_114 = arith.constant 0 : i32
        %dma_start3A_115 = arith.constant 0 : i32
        %dma_start3A_116 = tpu.memref_slice %arg2[%dma_start3A_114, %dma_start3A_115] : memref<10000x32xf32, #tpu.memory_space<hbm>> -> memref<10000x32xf32, #tpu.memory_space<hbm>>
        tpu.enqueue_indirect_dma source(%dma_start3A_116 : memref<10000x32xf32, #tpu.memory_space<hbm>>) target(%arg12 : memref<250x32xf32, #tpu.memory_space<vmem>>) offsets(%dma_start3A_113 : memref<250xi32, #tpu.memory_space<vmem>>) semaphore(%arg17 : memref<!tpu.dma_semaphore, #tpu.memory_space<semaphore_mem>>)
      } else {
      }
    }
    %scan3A_37 = arith.constant 10 : i32
    %barrier3A_38 = arith.constant 0 : index
    tpu.barrier barrier_id(%barrier3A_38)
    %mul3A_39 = arith.constant 632 : i32
    %mul3A_40 = arith.muli %arg1, %mul3A_39 : i32
    %mul3A_41 = arith.constant 632 : i32
    %mul3A_42 = arith.muli %arg1, %mul3A_41 : i32
    "tpu.region"() ({
      %run_scoped3A = tpu.sem_alloc : memref<!tpu.dma_semaphore, #tpu.memory_space<semaphore_mem>>
      %dma_start3A_43 = arith.constant 0 : i32
      %dma_start3A_44 = tpu.memref_slice %arg6[%arg0, %mul3A_42, %dma_start3A_43] : memref<2x10112x32xf32, #tpu.memory_space<hbm>> -> memref<1x632x32xf32, #tpu.memory_space<hbm>>
      %dma_start3A_45 = tpu.memref_squeeze %dma_start3A_44 : memref<1x632x32xf32, #tpu.memory_space<hbm>> -> memref<632x32xf32, #tpu.memory_space<hbm>>
      %dma_start3A_46 = arith.constant 0 : i32
      %dma_start3A_47 = tpu.memref_slice %arg13[%mul3A_40, %dma_start3A_46] : memref<10112x32xf32, #tpu.memory_space<vmem_shared>> -> memref<632x32xf32, #tpu.memory_space<vmem_shared>>
      tpu.enqueue_dma source(%dma_start3A_47 : memref<632x32xf32, #tpu.memory_space<vmem_shared>>) target(%dma_start3A_45 : memref<632x32xf32, #tpu.memory_space<hbm>>) target_semaphore(%run_scoped3A : memref<!tpu.dma_semaphore, #tpu.memory_space<semaphore_mem>>)
      %dma_wait3A_48 = arith.constant 0 : i32
      %dma_wait3A_49 = tpu.memref_slice %arg6[%arg0, %mul3A_42, %dma_wait3A_48] : memref<2x10112x32xf32, #tpu.memory_space<hbm>> -> memref<1x632x32xf32, #tpu.memory_space<hbm>>
      %dma_wait3A_50 = tpu.memref_squeeze %dma_wait3A_49 : memref<1x632x32xf32, #tpu.memory_space<hbm>> -> memref<632x32xf32, #tpu.memory_space<hbm>>
      %dma_wait3A_51 = arith.constant 0 : i32
      %dma_wait3A_52 = tpu.memref_slice %arg13[%mul3A_40, %dma_wait3A_51] : memref<10112x32xf32, #tpu.memory_space<vmem_shared>> -> memref<632x32xf32, #tpu.memory_space<vmem_shared>>
      tpu.wait_dma2 semaphore(%run_scoped3A : memref<!tpu.dma_semaphore, #tpu.memory_space<semaphore_mem>>) src(%dma_wait3A_52 : memref<632x32xf32, #tpu.memory_space<vmem_shared>>) dst(%dma_wait3A_50 : memref<632x32xf32, #tpu.memory_space<hbm>>)
      tpu.yield
    }) : () -> ()
    return
  }
}

#map = affine_map<(d0, d1) -> (0, 0)>
#map1 = affine_map<(d0, d1) -> (0, 0, 0)>
module attributes {stable_mosaic.version = 14 : i64} {
  func.func @k(%arg0: i32, %arg1: i32, %arg2: memref<250x1xf32, #tpu.memory_space<hbm>>, %arg3: memref<32x40x250xi32, #tpu.memory_space<hbm>>, %arg4: memref<32x40x250xi32, #tpu.memory_space<hbm>>, %arg5: memref<632x1xf32, #tpu.memory_space<hbm>>, %arg6: memref<2x10112x1xf32, #tpu.memory_space<hbm>>, %arg7: memref<40x250xi32, #tpu.memory_space<vmem>>, %arg8: memref<40x250xi32, #tpu.memory_space<vmem>>, %arg9: memref<250x1xf32, #tpu.memory_space<vmem>>, %arg10: memref<250x1xf32, #tpu.memory_space<vmem>>, %arg11: memref<250x1xf32, #tpu.memory_space<vmem>>, %arg12: memref<250x1xf32, #tpu.memory_space<vmem>>, %arg13: memref<10112x1xf32, #tpu.memory_space<vmem_shared>>, %arg14: memref<!tpu.dma_semaphore, #tpu.memory_space<semaphore_mem>>, %arg15: memref<!tpu.dma_semaphore, #tpu.memory_space<semaphore_mem>>, %arg16: memref<!tpu.dma_semaphore, #tpu.memory_space<semaphore_mem>>, %arg17: memref<!tpu.dma_semaphore, #tpu.memory_space<semaphore_mem>>, %arg18: memref<!tpu.dma_semaphore, #tpu.memory_space<semaphore_mem>>) attributes {dimension_semantics = [#tpu.dimension_semantics<core_parallel>, #tpu.dimension_semantics<subcore_parallel>], iteration_bounds = array<i64: 2, 16>, scalar_prefetch = 0 : i64, scratch_operands = 12 : i64, tpu.core_type = #tpu.core_type<sc_vector_subcore>, window_params = [{transform_indices = #map}, {transform_indices = #map1}, {transform_indices = #map1}, {transform_indices = #map}, {transform_indices = #map1}]} {
    %mul3A = arith.constant 16 : i32
    %mul3A_0 = arith.muli %arg0, %mul3A : i32
    %add3A = arith.addi %mul3A_0, %arg1 : i32
    %mul3A_1 = arith.constant 632 : i32
    %mul3A_2 = arith.muli %arg1, %mul3A_1 : i32
    %dma_start3A = arith.constant 0 : i32
    %dma_start3A_3 = tpu.memref_slice %arg13[%mul3A_2, %dma_start3A] : memref<10112x1xf32, #tpu.memory_space<vmem_shared>> -> memref<632x1xf32, #tpu.memory_space<vmem_shared>>
    tpu.enqueue_dma source(%arg5 : memref<632x1xf32, #tpu.memory_space<hbm>>) target(%dma_start3A_3 : memref<632x1xf32, #tpu.memory_space<vmem_shared>>) target_semaphore(%arg18 : memref<!tpu.dma_semaphore, #tpu.memory_space<semaphore_mem>>)
    "tpu.region"() ({
      %run_scoped3A = tpu.sem_alloc : memref<!tpu.dma_semaphore, #tpu.memory_space<semaphore_mem>>
      %dma_start3A_15 = arith.constant 0 : i32
      %dma_start3A_16 = arith.constant 0 : i32
      %dma_start3A_17 = tpu.memref_slice %arg4[%add3A, %dma_start3A_15, %dma_start3A_16] : memref<32x40x250xi32, #tpu.memory_space<hbm>> -> memref<1x40x250xi32, #tpu.memory_space<hbm>>
      %dma_start3A_18 = tpu.memref_squeeze %dma_start3A_17 : memref<1x40x250xi32, #tpu.memory_space<hbm>> -> memref<40x250xi32, #tpu.memory_space<hbm>>
      %dma_start3A_19 = arith.constant 0 : i32
      %dma_start3A_20 = arith.constant 0 : i32
      %dma_start3A_21 = tpu.memref_slice %arg4[%add3A, %dma_start3A_19, %dma_start3A_20] : memref<32x40x250xi32, #tpu.memory_space<hbm>> -> memref<1x40x250xi32, #tpu.memory_space<hbm>>
      %dma_start3A_22 = tpu.memref_squeeze %dma_start3A_21 : memref<1x40x250xi32, #tpu.memory_space<hbm>> -> memref<40x250xi32, #tpu.memory_space<hbm>>
      tpu.enqueue_dma source(%dma_start3A_22 : memref<40x250xi32, #tpu.memory_space<hbm>>) target(%arg8 : memref<40x250xi32, #tpu.memory_space<vmem>>) target_semaphore(%run_scoped3A : memref<!tpu.dma_semaphore, #tpu.memory_space<semaphore_mem>>)
      %dma_wait3A_23 = arith.constant 0 : i32
      %dma_wait3A_24 = arith.constant 0 : i32
      %dma_wait3A_25 = tpu.memref_slice %arg4[%add3A, %dma_wait3A_23, %dma_wait3A_24] : memref<32x40x250xi32, #tpu.memory_space<hbm>> -> memref<1x40x250xi32, #tpu.memory_space<hbm>>
      %dma_wait3A_26 = tpu.memref_squeeze %dma_wait3A_25 : memref<1x40x250xi32, #tpu.memory_space<hbm>> -> memref<40x250xi32, #tpu.memory_space<hbm>>
      %dma_wait3A_27 = arith.constant 0 : i32
      %dma_wait3A_28 = arith.constant 0 : i32
      %dma_wait3A_29 = tpu.memref_slice %arg4[%add3A, %dma_wait3A_27, %dma_wait3A_28] : memref<32x40x250xi32, #tpu.memory_space<hbm>> -> memref<1x40x250xi32, #tpu.memory_space<hbm>>
      %dma_wait3A_30 = tpu.memref_squeeze %dma_wait3A_29 : memref<1x40x250xi32, #tpu.memory_space<hbm>> -> memref<40x250xi32, #tpu.memory_space<hbm>>
      tpu.wait_dma2 semaphore(%run_scoped3A : memref<!tpu.dma_semaphore, #tpu.memory_space<semaphore_mem>>) src(%dma_wait3A_30 : memref<40x250xi32, #tpu.memory_space<hbm>>) dst(%arg8 : memref<40x250xi32, #tpu.memory_space<vmem>>)
      tpu.yield
    }) : () -> ()
    "tpu.region"() ({
      %run_scoped3A = tpu.sem_alloc : memref<!tpu.dma_semaphore, #tpu.memory_space<semaphore_mem>>
      tpu.enqueue_dma source(%arg2 : memref<250x1xf32, #tpu.memory_space<hbm>>) target(%arg9 : memref<250x1xf32, #tpu.memory_space<vmem>>) target_semaphore(%run_scoped3A : memref<!tpu.dma_semaphore, #tpu.memory_space<semaphore_mem>>)
      tpu.wait_dma2 semaphore(%run_scoped3A : memref<!tpu.dma_semaphore, #tpu.memory_space<semaphore_mem>>) src(%arg2 : memref<250x1xf32, #tpu.memory_space<hbm>>) dst(%arg9 : memref<250x1xf32, #tpu.memory_space<vmem>>)
      tpu.yield
    }) : () -> ()
    %dma_wait3A = arith.constant 0 : i32
    %dma_wait3A_4 = tpu.memref_slice %arg13[%mul3A_2, %dma_wait3A] : memref<10112x1xf32, #tpu.memory_space<vmem_shared>> -> memref<632x1xf32, #tpu.memory_space<vmem_shared>>
    tpu.wait_dma2 semaphore(%arg18 : memref<!tpu.dma_semaphore, #tpu.memory_space<semaphore_mem>>) src(%arg5 : memref<632x1xf32, #tpu.memory_space<hbm>>) dst(%dma_wait3A_4 : memref<632x1xf32, #tpu.memory_space<vmem_shared>>)
    %barrier3A = arith.constant 0 : index
    tpu.barrier barrier_id(%barrier3A)
    %scan3A = arith.constant 0 : i32
    %scan3A_5 = arith.constant 0 : i32
    %scan3A_6 = arith.constant 4 : i32
    %scan3A_7 = arith.addi %scan3A_5, %scan3A_6 : i32
    %scan3A_8 = arith.constant 1 : i32
    scf.for %scan3A_15 = %scan3A_5 to %scan3A_7 step %scan3A_8  : i32 {
      %mul3A_16 = arith.constant 10 : i32
      %mul3A_17 = arith.muli %scan3A_15, %mul3A_16 : i32
      %add3A_18 = arith.constant 0 : i32
      %add3A_19 = arith.addi %mul3A_17, %add3A_18 : i32
      %dma_start3A_20 = arith.constant 0 : i32
      %dma_start3A_21 = tpu.memref_slice %arg8[%add3A_19, %dma_start3A_20] : memref<40x250xi32, #tpu.memory_space<vmem>> -> memref<1x250xi32, #tpu.memory_space<vmem>>
      %dma_start3A_22 = tpu.memref_squeeze %dma_start3A_21 : memref<1x250xi32, #tpu.memory_space<vmem>> -> memref<250xi32, #tpu.memory_space<vmem>>
      %dma_start3A_23 = arith.constant 0 : i32
      %dma_start3A_24 = arith.constant 0 : i32
      %dma_start3A_25 = tpu.memref_slice %arg13[%dma_start3A_23, %dma_start3A_24] : memref<10112x1xf32, #tpu.memory_space<vmem_shared>> -> memref<10112x1xf32, #tpu.memory_space<vmem_shared>>
      tpu.enqueue_indirect_dma source(%arg9 : memref<250x1xf32, #tpu.memory_space<vmem>>) target(%dma_start3A_25 : memref<10112x1xf32, #tpu.memory_space<vmem_shared>>) offsets(%dma_start3A_22 : memref<250xi32, #tpu.memory_space<vmem>>) semaphore(%arg14 : memref<!tpu.dma_semaphore, #tpu.memory_space<semaphore_mem>>) {add = true}
      %mul3A_26 = arith.constant 10 : i32
      %mul3A_27 = arith.muli %scan3A_15, %mul3A_26 : i32
      %add3A_28 = arith.constant 1 : i32
      %add3A_29 = arith.addi %mul3A_27, %add3A_28 : i32
      %dma_start3A_30 = arith.constant 0 : i32
      %dma_start3A_31 = tpu.memref_slice %arg8[%add3A_29, %dma_start3A_30] : memref<40x250xi32, #tpu.memory_space<vmem>> -> memref<1x250xi32, #tpu.memory_space<vmem>>
      %dma_start3A_32 = tpu.memref_squeeze %dma_start3A_31 : memref<1x250xi32, #tpu.memory_space<vmem>> -> memref<250xi32, #tpu.memory_space<vmem>>
      %dma_start3A_33 = arith.constant 0 : i32
      %dma_start3A_34 = arith.constant 0 : i32
      %dma_start3A_35 = tpu.memref_slice %arg13[%dma_start3A_33, %dma_start3A_34] : memref<10112x1xf32, #tpu.memory_space<vmem_shared>> -> memref<10112x1xf32, #tpu.memory_space<vmem_shared>>
      tpu.enqueue_indirect_dma source(%arg9 : memref<250x1xf32, #tpu.memory_space<vmem>>) target(%dma_start3A_35 : memref<10112x1xf32, #tpu.memory_space<vmem_shared>>) offsets(%dma_start3A_32 : memref<250xi32, #tpu.memory_space<vmem>>) semaphore(%arg14 : memref<!tpu.dma_semaphore, #tpu.memory_space<semaphore_mem>>) {add = true}
      %mul3A_36 = arith.constant 10 : i32
      %mul3A_37 = arith.muli %scan3A_15, %mul3A_36 : i32
      %add3A_38 = arith.constant 2 : i32
      %add3A_39 = arith.addi %mul3A_37, %add3A_38 : i32
      %dma_start3A_40 = arith.constant 0 : i32
      %dma_start3A_41 = tpu.memref_slice %arg8[%add3A_39, %dma_start3A_40] : memref<40x250xi32, #tpu.memory_space<vmem>> -> memref<1x250xi32, #tpu.memory_space<vmem>>
      %dma_start3A_42 = tpu.memref_squeeze %dma_start3A_41 : memref<1x250xi32, #tpu.memory_space<vmem>> -> memref<250xi32, #tpu.memory_space<vmem>>
      %dma_start3A_43 = arith.constant 0 : i32
      %dma_start3A_44 = arith.constant 0 : i32
      %dma_start3A_45 = tpu.memref_slice %arg13[%dma_start3A_43, %dma_start3A_44] : memref<10112x1xf32, #tpu.memory_space<vmem_shared>> -> memref<10112x1xf32, #tpu.memory_space<vmem_shared>>
      tpu.enqueue_indirect_dma source(%arg9 : memref<250x1xf32, #tpu.memory_space<vmem>>) target(%dma_start3A_45 : memref<10112x1xf32, #tpu.memory_space<vmem_shared>>) offsets(%dma_start3A_42 : memref<250xi32, #tpu.memory_space<vmem>>) semaphore(%arg14 : memref<!tpu.dma_semaphore, #tpu.memory_space<semaphore_mem>>) {add = true}
      %mul3A_46 = arith.constant 10 : i32
      %mul3A_47 = arith.muli %scan3A_15, %mul3A_46 : i32
      %add3A_48 = arith.constant 3 : i32
      %add3A_49 = arith.addi %mul3A_47, %add3A_48 : i32
      %dma_start3A_50 = arith.constant 0 : i32
      %dma_start3A_51 = tpu.memref_slice %arg8[%add3A_49, %dma_start3A_50] : memref<40x250xi32, #tpu.memory_space<vmem>> -> memref<1x250xi32, #tpu.memory_space<vmem>>
      %dma_start3A_52 = tpu.memref_squeeze %dma_start3A_51 : memref<1x250xi32, #tpu.memory_space<vmem>> -> memref<250xi32, #tpu.memory_space<vmem>>
      %dma_start3A_53 = arith.constant 0 : i32
      %dma_start3A_54 = arith.constant 0 : i32
      %dma_start3A_55 = tpu.memref_slice %arg13[%dma_start3A_53, %dma_start3A_54] : memref<10112x1xf32, #tpu.memory_space<vmem_shared>> -> memref<10112x1xf32, #tpu.memory_space<vmem_shared>>
      tpu.enqueue_indirect_dma source(%arg9 : memref<250x1xf32, #tpu.memory_space<vmem>>) target(%dma_start3A_55 : memref<10112x1xf32, #tpu.memory_space<vmem_shared>>) offsets(%dma_start3A_52 : memref<250xi32, #tpu.memory_space<vmem>>) semaphore(%arg14 : memref<!tpu.dma_semaphore, #tpu.memory_space<semaphore_mem>>) {add = true}
      %mul3A_56 = arith.constant 10 : i32
      %mul3A_57 = arith.muli %scan3A_15, %mul3A_56 : i32
      %add3A_58 = arith.constant 4 : i32
      %add3A_59 = arith.addi %mul3A_57, %add3A_58 : i32
      %dma_start3A_60 = arith.constant 0 : i32
      %dma_start3A_61 = tpu.memref_slice %arg8[%add3A_59, %dma_start3A_60] : memref<40x250xi32, #tpu.memory_space<vmem>> -> memref<1x250xi32, #tpu.memory_space<vmem>>
      %dma_start3A_62 = tpu.memref_squeeze %dma_start3A_61 : memref<1x250xi32, #tpu.memory_space<vmem>> -> memref<250xi32, #tpu.memory_space<vmem>>
      %dma_start3A_63 = arith.constant 0 : i32
      %dma_start3A_64 = arith.constant 0 : i32
      %dma_start3A_65 = tpu.memref_slice %arg13[%dma_start3A_63, %dma_start3A_64] : memref<10112x1xf32, #tpu.memory_space<vmem_shared>> -> memref<10112x1xf32, #tpu.memory_space<vmem_shared>>
      tpu.enqueue_indirect_dma source(%arg9 : memref<250x1xf32, #tpu.memory_space<vmem>>) target(%dma_start3A_65 : memref<10112x1xf32, #tpu.memory_space<vmem_shared>>) offsets(%dma_start3A_62 : memref<250xi32, #tpu.memory_space<vmem>>) semaphore(%arg14 : memref<!tpu.dma_semaphore, #tpu.memory_space<semaphore_mem>>) {add = true}
      %mul3A_66 = arith.constant 10 : i32
      %mul3A_67 = arith.muli %scan3A_15, %mul3A_66 : i32
      %add3A_68 = arith.constant 5 : i32
      %add3A_69 = arith.addi %mul3A_67, %add3A_68 : i32
      %dma_start3A_70 = arith.constant 0 : i32
      %dma_start3A_71 = tpu.memref_slice %arg8[%add3A_69, %dma_start3A_70] : memref<40x250xi32, #tpu.memory_space<vmem>> -> memref<1x250xi32, #tpu.memory_space<vmem>>
      %dma_start3A_72 = tpu.memref_squeeze %dma_start3A_71 : memref<1x250xi32, #tpu.memory_space<vmem>> -> memref<250xi32, #tpu.memory_space<vmem>>
      %dma_start3A_73 = arith.constant 0 : i32
      %dma_start3A_74 = arith.constant 0 : i32
      %dma_start3A_75 = tpu.memref_slice %arg13[%dma_start3A_73, %dma_start3A_74] : memref<10112x1xf32, #tpu.memory_space<vmem_shared>> -> memref<10112x1xf32, #tpu.memory_space<vmem_shared>>
      tpu.enqueue_indirect_dma source(%arg9 : memref<250x1xf32, #tpu.memory_space<vmem>>) target(%dma_start3A_75 : memref<10112x1xf32, #tpu.memory_space<vmem_shared>>) offsets(%dma_start3A_72 : memref<250xi32, #tpu.memory_space<vmem>>) semaphore(%arg14 : memref<!tpu.dma_semaphore, #tpu.memory_space<semaphore_mem>>) {add = true}
      %mul3A_76 = arith.constant 10 : i32
      %mul3A_77 = arith.muli %scan3A_15, %mul3A_76 : i32
      %add3A_78 = arith.constant 6 : i32
      %add3A_79 = arith.addi %mul3A_77, %add3A_78 : i32
      %dma_start3A_80 = arith.constant 0 : i32
      %dma_start3A_81 = tpu.memref_slice %arg8[%add3A_79, %dma_start3A_80] : memref<40x250xi32, #tpu.memory_space<vmem>> -> memref<1x250xi32, #tpu.memory_space<vmem>>
      %dma_start3A_82 = tpu.memref_squeeze %dma_start3A_81 : memref<1x250xi32, #tpu.memory_space<vmem>> -> memref<250xi32, #tpu.memory_space<vmem>>
      %dma_start3A_83 = arith.constant 0 : i32
      %dma_start3A_84 = arith.constant 0 : i32
      %dma_start3A_85 = tpu.memref_slice %arg13[%dma_start3A_83, %dma_start3A_84] : memref<10112x1xf32, #tpu.memory_space<vmem_shared>> -> memref<10112x1xf32, #tpu.memory_space<vmem_shared>>
      tpu.enqueue_indirect_dma source(%arg9 : memref<250x1xf32, #tpu.memory_space<vmem>>) target(%dma_start3A_85 : memref<10112x1xf32, #tpu.memory_space<vmem_shared>>) offsets(%dma_start3A_82 : memref<250xi32, #tpu.memory_space<vmem>>) semaphore(%arg14 : memref<!tpu.dma_semaphore, #tpu.memory_space<semaphore_mem>>) {add = true}
      %mul3A_86 = arith.constant 10 : i32
      %mul3A_87 = arith.muli %scan3A_15, %mul3A_86 : i32
      %add3A_88 = arith.constant 7 : i32
      %add3A_89 = arith.addi %mul3A_87, %add3A_88 : i32
      %dma_start3A_90 = arith.constant 0 : i32
      %dma_start3A_91 = tpu.memref_slice %arg8[%add3A_89, %dma_start3A_90] : memref<40x250xi32, #tpu.memory_space<vmem>> -> memref<1x250xi32, #tpu.memory_space<vmem>>
      %dma_start3A_92 = tpu.memref_squeeze %dma_start3A_91 : memref<1x250xi32, #tpu.memory_space<vmem>> -> memref<250xi32, #tpu.memory_space<vmem>>
      %dma_start3A_93 = arith.constant 0 : i32
      %dma_start3A_94 = arith.constant 0 : i32
      %dma_start3A_95 = tpu.memref_slice %arg13[%dma_start3A_93, %dma_start3A_94] : memref<10112x1xf32, #tpu.memory_space<vmem_shared>> -> memref<10112x1xf32, #tpu.memory_space<vmem_shared>>
      tpu.enqueue_indirect_dma source(%arg9 : memref<250x1xf32, #tpu.memory_space<vmem>>) target(%dma_start3A_95 : memref<10112x1xf32, #tpu.memory_space<vmem_shared>>) offsets(%dma_start3A_92 : memref<250xi32, #tpu.memory_space<vmem>>) semaphore(%arg14 : memref<!tpu.dma_semaphore, #tpu.memory_space<semaphore_mem>>) {add = true}
      %mul3A_96 = arith.constant 10 : i32
      %mul3A_97 = arith.muli %scan3A_15, %mul3A_96 : i32
      %add3A_98 = arith.constant 8 : i32
      %add3A_99 = arith.addi %mul3A_97, %add3A_98 : i32
      %dma_start3A_100 = arith.constant 0 : i32
      %dma_start3A_101 = tpu.memref_slice %arg8[%add3A_99, %dma_start3A_100] : memref<40x250xi32, #tpu.memory_space<vmem>> -> memref<1x250xi32, #tpu.memory_space<vmem>>
      %dma_start3A_102 = tpu.memref_squeeze %dma_start3A_101 : memref<1x250xi32, #tpu.memory_space<vmem>> -> memref<250xi32, #tpu.memory_space<vmem>>
      %dma_start3A_103 = arith.constant 0 : i32
      %dma_start3A_104 = arith.constant 0 : i32
      %dma_start3A_105 = tpu.memref_slice %arg13[%dma_start3A_103, %dma_start3A_104] : memref<10112x1xf32, #tpu.memory_space<vmem_shared>> -> memref<10112x1xf32, #tpu.memory_space<vmem_shared>>
      tpu.enqueue_indirect_dma source(%arg9 : memref<250x1xf32, #tpu.memory_space<vmem>>) target(%dma_start3A_105 : memref<10112x1xf32, #tpu.memory_space<vmem_shared>>) offsets(%dma_start3A_102 : memref<250xi32, #tpu.memory_space<vmem>>) semaphore(%arg14 : memref<!tpu.dma_semaphore, #tpu.memory_space<semaphore_mem>>) {add = true}
      %mul3A_106 = arith.constant 10 : i32
      %mul3A_107 = arith.muli %scan3A_15, %mul3A_106 : i32
      %add3A_108 = arith.constant 9 : i32
      %add3A_109 = arith.addi %mul3A_107, %add3A_108 : i32
      %dma_start3A_110 = arith.constant 0 : i32
      %dma_start3A_111 = tpu.memref_slice %arg8[%add3A_109, %dma_start3A_110] : memref<40x250xi32, #tpu.memory_space<vmem>> -> memref<1x250xi32, #tpu.memory_space<vmem>>
      %dma_start3A_112 = tpu.memref_squeeze %dma_start3A_111 : memref<1x250xi32, #tpu.memory_space<vmem>> -> memref<250xi32, #tpu.memory_space<vmem>>
      %dma_start3A_113 = arith.constant 0 : i32
      %dma_start3A_114 = arith.constant 0 : i32
      %dma_start3A_115 = tpu.memref_slice %arg13[%dma_start3A_113, %dma_start3A_114] : memref<10112x1xf32, #tpu.memory_space<vmem_shared>> -> memref<10112x1xf32, #tpu.memory_space<vmem_shared>>
      tpu.enqueue_indirect_dma source(%arg9 : memref<250x1xf32, #tpu.memory_space<vmem>>) target(%dma_start3A_115 : memref<10112x1xf32, #tpu.memory_space<vmem_shared>>) offsets(%dma_start3A_112 : memref<250xi32, #tpu.memory_space<vmem>>) semaphore(%arg14 : memref<!tpu.dma_semaphore, #tpu.memory_space<semaphore_mem>>) {add = true}
      %mul3A_116 = arith.constant 10 : i32
      %mul3A_117 = arith.muli %scan3A_15, %mul3A_116 : i32
      %add3A_118 = arith.constant 0 : i32
      %add3A_119 = arith.addi %mul3A_117, %add3A_118 : i32
      %dma_wait3A_120 = arith.constant 0 : i32
      %dma_wait3A_121 = tpu.memref_slice %arg8[%add3A_119, %dma_wait3A_120] : memref<40x250xi32, #tpu.memory_space<vmem>> -> memref<1x250xi32, #tpu.memory_space<vmem>>
      %dma_wait3A_122 = tpu.memref_squeeze %dma_wait3A_121 : memref<1x250xi32, #tpu.memory_space<vmem>> -> memref<250xi32, #tpu.memory_space<vmem>>
      %dma_wait3A_123 = arith.constant 0 : i32
      %dma_wait3A_124 = arith.constant 0 : i32
      %dma_wait3A_125 = tpu.memref_slice %arg13[%dma_wait3A_123, %dma_wait3A_124] : memref<10112x1xf32, #tpu.memory_space<vmem_shared>> -> memref<10112x1xf32, #tpu.memory_space<vmem_shared>>
      tpu.wait_indirect_dma semaphore(%arg14 : memref<!tpu.dma_semaphore, #tpu.memory_space<semaphore_mem>>) src(%arg9 : memref<250x1xf32, #tpu.memory_space<vmem>>) dst(%dma_wait3A_125 : memref<10112x1xf32, #tpu.memory_space<vmem_shared>>)
      %mul3A_126 = arith.constant 10 : i32
      %mul3A_127 = arith.muli %scan3A_15, %mul3A_126 : i32
      %add3A_128 = arith.constant 1 : i32
      %add3A_129 = arith.addi %mul3A_127, %add3A_128 : i32
      %dma_wait3A_130 = arith.constant 0 : i32
      %dma_wait3A_131 = tpu.memref_slice %arg8[%add3A_129, %dma_wait3A_130] : memref<40x250xi32, #tpu.memory_space<vmem>> -> memref<1x250xi32, #tpu.memory_space<vmem>>
      %dma_wait3A_132 = tpu.memref_squeeze %dma_wait3A_131 : memref<1x250xi32, #tpu.memory_space<vmem>> -> memref<250xi32, #tpu.memory_space<vmem>>
      %dma_wait3A_133 = arith.constant 0 : i32
      %dma_wait3A_134 = arith.constant 0 : i32
      %dma_wait3A_135 = tpu.memref_slice %arg13[%dma_wait3A_133, %dma_wait3A_134] : memref<10112x1xf32, #tpu.memory_space<vmem_shared>> -> memref<10112x1xf32, #tpu.memory_space<vmem_shared>>
      tpu.wait_indirect_dma semaphore(%arg14 : memref<!tpu.dma_semaphore, #tpu.memory_space<semaphore_mem>>) src(%arg9 : memref<250x1xf32, #tpu.memory_space<vmem>>) dst(%dma_wait3A_135 : memref<10112x1xf32, #tpu.memory_space<vmem_shared>>)
      %mul3A_136 = arith.constant 10 : i32
      %mul3A_137 = arith.muli %scan3A_15, %mul3A_136 : i32
      %add3A_138 = arith.constant 2 : i32
      %add3A_139 = arith.addi %mul3A_137, %add3A_138 : i32
      %dma_wait3A_140 = arith.constant 0 : i32
      %dma_wait3A_141 = tpu.memref_slice %arg8[%add3A_139, %dma_wait3A_140] : memref<40x250xi32, #tpu.memory_space<vmem>> -> memref<1x250xi32, #tpu.memory_space<vmem>>
      %dma_wait3A_142 = tpu.memref_squeeze %dma_wait3A_141 : memref<1x250xi32, #tpu.memory_space<vmem>> -> memref<250xi32, #tpu.memory_space<vmem>>
      %dma_wait3A_143 = arith.constant 0 : i32
      %dma_wait3A_144 = arith.constant 0 : i32
      %dma_wait3A_145 = tpu.memref_slice %arg13[%dma_wait3A_143, %dma_wait3A_144] : memref<10112x1xf32, #tpu.memory_space<vmem_shared>> -> memref<10112x1xf32, #tpu.memory_space<vmem_shared>>
      tpu.wait_indirect_dma semaphore(%arg14 : memref<!tpu.dma_semaphore, #tpu.memory_space<semaphore_mem>>) src(%arg9 : memref<250x1xf32, #tpu.memory_space<vmem>>) dst(%dma_wait3A_145 : memref<10112x1xf32, #tpu.memory_space<vmem_shared>>)
      %mul3A_146 = arith.constant 10 : i32
      %mul3A_147 = arith.muli %scan3A_15, %mul3A_146 : i32
      %add3A_148 = arith.constant 3 : i32
      %add3A_149 = arith.addi %mul3A_147, %add3A_148 : i32
      %dma_wait3A_150 = arith.constant 0 : i32
      %dma_wait3A_151 = tpu.memref_slice %arg8[%add3A_149, %dma_wait3A_150] : memref<40x250xi32, #tpu.memory_space<vmem>> -> memref<1x250xi32, #tpu.memory_space<vmem>>
      %dma_wait3A_152 = tpu.memref_squeeze %dma_wait3A_151 : memref<1x250xi32, #tpu.memory_space<vmem>> -> memref<250xi32, #tpu.memory_space<vmem>>
      %dma_wait3A_153 = arith.constant 0 : i32
      %dma_wait3A_154 = arith.constant 0 : i32
      %dma_wait3A_155 = tpu.memref_slice %arg13[%dma_wait3A_153, %dma_wait3A_154] : memref<10112x1xf32, #tpu.memory_space<vmem_shared>> -> memref<10112x1xf32, #tpu.memory_space<vmem_shared>>
      tpu.wait_indirect_dma semaphore(%arg14 : memref<!tpu.dma_semaphore, #tpu.memory_space<semaphore_mem>>) src(%arg9 : memref<250x1xf32, #tpu.memory_space<vmem>>) dst(%dma_wait3A_155 : memref<10112x1xf32, #tpu.memory_space<vmem_shared>>)
      %mul3A_156 = arith.constant 10 : i32
      %mul3A_157 = arith.muli %scan3A_15, %mul3A_156 : i32
      %add3A_158 = arith.constant 4 : i32
      %add3A_159 = arith.addi %mul3A_157, %add3A_158 : i32
      %dma_wait3A_160 = arith.constant 0 : i32
      %dma_wait3A_161 = tpu.memref_slice %arg8[%add3A_159, %dma_wait3A_160] : memref<40x250xi32, #tpu.memory_space<vmem>> -> memref<1x250xi32, #tpu.memory_space<vmem>>
      %dma_wait3A_162 = tpu.memref_squeeze %dma_wait3A_161 : memref<1x250xi32, #tpu.memory_space<vmem>> -> memref<250xi32, #tpu.memory_space<vmem>>
      %dma_wait3A_163 = arith.constant 0 : i32
      %dma_wait3A_164 = arith.constant 0 : i32
      %dma_wait3A_165 = tpu.memref_slice %arg13[%dma_wait3A_163, %dma_wait3A_164] : memref<10112x1xf32, #tpu.memory_space<vmem_shared>> -> memref<10112x1xf32, #tpu.memory_space<vmem_shared>>
      tpu.wait_indirect_dma semaphore(%arg14 : memref<!tpu.dma_semaphore, #tpu.memory_space<semaphore_mem>>) src(%arg9 : memref<250x1xf32, #tpu.memory_space<vmem>>) dst(%dma_wait3A_165 : memref<10112x1xf32, #tpu.memory_space<vmem_shared>>)
      %mul3A_166 = arith.constant 10 : i32
      %mul3A_167 = arith.muli %scan3A_15, %mul3A_166 : i32
      %add3A_168 = arith.constant 5 : i32
      %add3A_169 = arith.addi %mul3A_167, %add3A_168 : i32
      %dma_wait3A_170 = arith.constant 0 : i32
      %dma_wait3A_171 = tpu.memref_slice %arg8[%add3A_169, %dma_wait3A_170] : memref<40x250xi32, #tpu.memory_space<vmem>> -> memref<1x250xi32, #tpu.memory_space<vmem>>
      %dma_wait3A_172 = tpu.memref_squeeze %dma_wait3A_171 : memref<1x250xi32, #tpu.memory_space<vmem>> -> memref<250xi32, #tpu.memory_space<vmem>>
      %dma_wait3A_173 = arith.constant 0 : i32
      %dma_wait3A_174 = arith.constant 0 : i32
      %dma_wait3A_175 = tpu.memref_slice %arg13[%dma_wait3A_173, %dma_wait3A_174] : memref<10112x1xf32, #tpu.memory_space<vmem_shared>> -> memref<10112x1xf32, #tpu.memory_space<vmem_shared>>
      tpu.wait_indirect_dma semaphore(%arg14 : memref<!tpu.dma_semaphore, #tpu.memory_space<semaphore_mem>>) src(%arg9 : memref<250x1xf32, #tpu.memory_space<vmem>>) dst(%dma_wait3A_175 : memref<10112x1xf32, #tpu.memory_space<vmem_shared>>)
      %mul3A_176 = arith.constant 10 : i32
      %mul3A_177 = arith.muli %scan3A_15, %mul3A_176 : i32
      %add3A_178 = arith.constant 6 : i32
      %add3A_179 = arith.addi %mul3A_177, %add3A_178 : i32
      %dma_wait3A_180 = arith.constant 0 : i32
      %dma_wait3A_181 = tpu.memref_slice %arg8[%add3A_179, %dma_wait3A_180] : memref<40x250xi32, #tpu.memory_space<vmem>> -> memref<1x250xi32, #tpu.memory_space<vmem>>
      %dma_wait3A_182 = tpu.memref_squeeze %dma_wait3A_181 : memref<1x250xi32, #tpu.memory_space<vmem>> -> memref<250xi32, #tpu.memory_space<vmem>>
      %dma_wait3A_183 = arith.constant 0 : i32
      %dma_wait3A_184 = arith.constant 0 : i32
      %dma_wait3A_185 = tpu.memref_slice %arg13[%dma_wait3A_183, %dma_wait3A_184] : memref<10112x1xf32, #tpu.memory_space<vmem_shared>> -> memref<10112x1xf32, #tpu.memory_space<vmem_shared>>
      tpu.wait_indirect_dma semaphore(%arg14 : memref<!tpu.dma_semaphore, #tpu.memory_space<semaphore_mem>>) src(%arg9 : memref<250x1xf32, #tpu.memory_space<vmem>>) dst(%dma_wait3A_185 : memref<10112x1xf32, #tpu.memory_space<vmem_shared>>)
      %mul3A_186 = arith.constant 10 : i32
      %mul3A_187 = arith.muli %scan3A_15, %mul3A_186 : i32
      %add3A_188 = arith.constant 7 : i32
      %add3A_189 = arith.addi %mul3A_187, %add3A_188 : i32
      %dma_wait3A_190 = arith.constant 0 : i32
      %dma_wait3A_191 = tpu.memref_slice %arg8[%add3A_189, %dma_wait3A_190] : memref<40x250xi32, #tpu.memory_space<vmem>> -> memref<1x250xi32, #tpu.memory_space<vmem>>
      %dma_wait3A_192 = tpu.memref_squeeze %dma_wait3A_191 : memref<1x250xi32, #tpu.memory_space<vmem>> -> memref<250xi32, #tpu.memory_space<vmem>>
      %dma_wait3A_193 = arith.constant 0 : i32
      %dma_wait3A_194 = arith.constant 0 : i32
      %dma_wait3A_195 = tpu.memref_slice %arg13[%dma_wait3A_193, %dma_wait3A_194] : memref<10112x1xf32, #tpu.memory_space<vmem_shared>> -> memref<10112x1xf32, #tpu.memory_space<vmem_shared>>
      tpu.wait_indirect_dma semaphore(%arg14 : memref<!tpu.dma_semaphore, #tpu.memory_space<semaphore_mem>>) src(%arg9 : memref<250x1xf32, #tpu.memory_space<vmem>>) dst(%dma_wait3A_195 : memref<10112x1xf32, #tpu.memory_space<vmem_shared>>)
      %mul3A_196 = arith.constant 10 : i32
      %mul3A_197 = arith.muli %scan3A_15, %mul3A_196 : i32
      %add3A_198 = arith.constant 8 : i32
      %add3A_199 = arith.addi %mul3A_197, %add3A_198 : i32
      %dma_wait3A_200 = arith.constant 0 : i32
      %dma_wait3A_201 = tpu.memref_slice %arg8[%add3A_199, %dma_wait3A_200] : memref<40x250xi32, #tpu.memory_space<vmem>> -> memref<1x250xi32, #tpu.memory_space<vmem>>
      %dma_wait3A_202 = tpu.memref_squeeze %dma_wait3A_201 : memref<1x250xi32, #tpu.memory_space<vmem>> -> memref<250xi32, #tpu.memory_space<vmem>>
      %dma_wait3A_203 = arith.constant 0 : i32
      %dma_wait3A_204 = arith.constant 0 : i32
      %dma_wait3A_205 = tpu.memref_slice %arg13[%dma_wait3A_203, %dma_wait3A_204] : memref<10112x1xf32, #tpu.memory_space<vmem_shared>> -> memref<10112x1xf32, #tpu.memory_space<vmem_shared>>
      tpu.wait_indirect_dma semaphore(%arg14 : memref<!tpu.dma_semaphore, #tpu.memory_space<semaphore_mem>>) src(%arg9 : memref<250x1xf32, #tpu.memory_space<vmem>>) dst(%dma_wait3A_205 : memref<10112x1xf32, #tpu.memory_space<vmem_shared>>)
      %mul3A_206 = arith.constant 10 : i32
      %mul3A_207 = arith.muli %scan3A_15, %mul3A_206 : i32
      %add3A_208 = arith.constant 9 : i32
      %add3A_209 = arith.addi %mul3A_207, %add3A_208 : i32
      %dma_wait3A_210 = arith.constant 0 : i32
      %dma_wait3A_211 = tpu.memref_slice %arg8[%add3A_209, %dma_wait3A_210] : memref<40x250xi32, #tpu.memory_space<vmem>> -> memref<1x250xi32, #tpu.memory_space<vmem>>
      %dma_wait3A_212 = tpu.memref_squeeze %dma_wait3A_211 : memref<1x250xi32, #tpu.memory_space<vmem>> -> memref<250xi32, #tpu.memory_space<vmem>>
      %dma_wait3A_213 = arith.constant 0 : i32
      %dma_wait3A_214 = arith.constant 0 : i32
      %dma_wait3A_215 = tpu.memref_slice %arg13[%dma_wait3A_213, %dma_wait3A_214] : memref<10112x1xf32, #tpu.memory_space<vmem_shared>> -> memref<10112x1xf32, #tpu.memory_space<vmem_shared>>
      tpu.wait_indirect_dma semaphore(%arg14 : memref<!tpu.dma_semaphore, #tpu.memory_space<semaphore_mem>>) src(%arg9 : memref<250x1xf32, #tpu.memory_space<vmem>>) dst(%dma_wait3A_215 : memref<10112x1xf32, #tpu.memory_space<vmem_shared>>)
    }
    %scan3A_9 = arith.constant 4 : i32
    %barrier3A_10 = arith.constant 0 : index
    tpu.barrier barrier_id(%barrier3A_10)
    %mul3A_11 = arith.constant 632 : i32
    %mul3A_12 = arith.muli %arg1, %mul3A_11 : i32
    %mul3A_13 = arith.constant 632 : i32
    %mul3A_14 = arith.muli %arg1, %mul3A_13 : i32
    "tpu.region"() ({
      %run_scoped3A = tpu.sem_alloc : memref<!tpu.dma_semaphore, #tpu.memory_space<semaphore_mem>>
      %dma_start3A_15 = arith.constant 0 : i32
      %dma_start3A_16 = tpu.memref_slice %arg6[%arg0, %mul3A_14, %dma_start3A_15] : memref<2x10112x1xf32, #tpu.memory_space<hbm>> -> memref<1x632x1xf32, #tpu.memory_space<hbm>>
      %dma_start3A_17 = tpu.memref_squeeze %dma_start3A_16 : memref<1x632x1xf32, #tpu.memory_space<hbm>> -> memref<632x1xf32, #tpu.memory_space<hbm>>
      %dma_start3A_18 = arith.constant 0 : i32
      %dma_start3A_19 = tpu.memref_slice %arg13[%mul3A_12, %dma_start3A_18] : memref<10112x1xf32, #tpu.memory_space<vmem_shared>> -> memref<632x1xf32, #tpu.memory_space<vmem_shared>>
      tpu.enqueue_dma source(%dma_start3A_19 : memref<632x1xf32, #tpu.memory_space<vmem_shared>>) target(%dma_start3A_17 : memref<632x1xf32, #tpu.memory_space<hbm>>) target_semaphore(%run_scoped3A : memref<!tpu.dma_semaphore, #tpu.memory_space<semaphore_mem>>)
      %dma_wait3A_20 = arith.constant 0 : i32
      %dma_wait3A_21 = tpu.memref_slice %arg6[%arg0, %mul3A_14, %dma_wait3A_20] : memref<2x10112x1xf32, #tpu.memory_space<hbm>> -> memref<1x632x1xf32, #tpu.memory_space<hbm>>
      %dma_wait3A_22 = tpu.memref_squeeze %dma_wait3A_21 : memref<1x632x1xf32, #tpu.memory_space<hbm>> -> memref<632x1xf32, #tpu.memory_space<hbm>>
      %dma_wait3A_23 = arith.constant 0 : i32
      %dma_wait3A_24 = tpu.memref_slice %arg13[%mul3A_12, %dma_wait3A_23] : memref<10112x1xf32, #tpu.memory_space<vmem_shared>> -> memref<632x1xf32, #tpu.memory_space<vmem_shared>>
      tpu.wait_dma2 semaphore(%run_scoped3A : memref<!tpu.dma_semaphore, #tpu.memory_space<semaphore_mem>>) src(%dma_wait3A_24 : memref<632x1xf32, #tpu.memory_space<vmem_shared>>) dst(%dma_wait3A_22 : memref<632x1xf32, #tpu.memory_space<hbm>>)
      tpu.yield
    }) : () -> ()
    return
  }
}

#map = affine_map<(d0, d1) -> (0, 0)>
#map1 = affine_map<(d0, d1) -> (0, 0, 0)>
module attributes {stable_mosaic.version = 14 : i64} {
  func.func @k(%arg0: i32, %arg1: i32, %arg2: memref<10000x64xf32, #tpu.memory_space<hbm>>, %arg3: memref<32x40x250xi32, #tpu.memory_space<hbm>>, %arg4: memref<32x40x250xi32, #tpu.memory_space<hbm>>, %arg5: memref<632x64xf32, #tpu.memory_space<hbm>>, %arg6: memref<2x10112x64xf32, #tpu.memory_space<hbm>>, %arg7: memref<40x250xi32, #tpu.memory_space<vmem>>, %arg8: memref<40x250xi32, #tpu.memory_space<vmem>>, %arg9: memref<250x64xf32, #tpu.memory_space<vmem>>, %arg10: memref<250x64xf32, #tpu.memory_space<vmem>>, %arg11: memref<250x64xf32, #tpu.memory_space<vmem>>, %arg12: memref<250x64xf32, #tpu.memory_space<vmem>>, %arg13: memref<10112x64xf32, #tpu.memory_space<vmem_shared>>, %arg14: memref<!tpu.dma_semaphore, #tpu.memory_space<semaphore_mem>>, %arg15: memref<!tpu.dma_semaphore, #tpu.memory_space<semaphore_mem>>, %arg16: memref<!tpu.dma_semaphore, #tpu.memory_space<semaphore_mem>>, %arg17: memref<!tpu.dma_semaphore, #tpu.memory_space<semaphore_mem>>, %arg18: memref<!tpu.dma_semaphore, #tpu.memory_space<semaphore_mem>>) attributes {dimension_semantics = [#tpu.dimension_semantics<core_parallel>, #tpu.dimension_semantics<subcore_parallel>], iteration_bounds = array<i64: 2, 16>, scalar_prefetch = 0 : i64, scratch_operands = 12 : i64, tpu.core_type = #tpu.core_type<sc_vector_subcore>, window_params = [{transform_indices = #map}, {transform_indices = #map1}, {transform_indices = #map1}, {transform_indices = #map}, {transform_indices = #map1}]} {
    %mul3A = arith.constant 16 : i32
    %mul3A_0 = arith.muli %arg0, %mul3A : i32
    %add3A = arith.addi %mul3A_0, %arg1 : i32
    %mul3A_1 = arith.constant 632 : i32
    %mul3A_2 = arith.muli %arg1, %mul3A_1 : i32
    %dma_start3A = arith.constant 0 : i32
    %dma_start3A_3 = tpu.memref_slice %arg13[%mul3A_2, %dma_start3A] : memref<10112x64xf32, #tpu.memory_space<vmem_shared>> -> memref<632x64xf32, #tpu.memory_space<vmem_shared>>
    tpu.enqueue_dma source(%arg5 : memref<632x64xf32, #tpu.memory_space<hbm>>) target(%dma_start3A_3 : memref<632x64xf32, #tpu.memory_space<vmem_shared>>) target_semaphore(%arg18 : memref<!tpu.dma_semaphore, #tpu.memory_space<semaphore_mem>>)
    "tpu.region"() ({
      %run_scoped3A = tpu.sem_alloc : memref<!tpu.dma_semaphore, #tpu.memory_space<semaphore_mem>>
      %dma_start3A_43 = arith.constant 0 : i32
      %dma_start3A_44 = arith.constant 0 : i32
      %dma_start3A_45 = tpu.memref_slice %arg4[%add3A, %dma_start3A_43, %dma_start3A_44] : memref<32x40x250xi32, #tpu.memory_space<hbm>> -> memref<1x40x250xi32, #tpu.memory_space<hbm>>
      %dma_start3A_46 = tpu.memref_squeeze %dma_start3A_45 : memref<1x40x250xi32, #tpu.memory_space<hbm>> -> memref<40x250xi32, #tpu.memory_space<hbm>>
      %dma_start3A_47 = arith.constant 0 : i32
      %dma_start3A_48 = arith.constant 0 : i32
      %dma_start3A_49 = tpu.memref_slice %arg4[%add3A, %dma_start3A_47, %dma_start3A_48] : memref<32x40x250xi32, #tpu.memory_space<hbm>> -> memref<1x40x250xi32, #tpu.memory_space<hbm>>
      %dma_start3A_50 = tpu.memref_squeeze %dma_start3A_49 : memref<1x40x250xi32, #tpu.memory_space<hbm>> -> memref<40x250xi32, #tpu.memory_space<hbm>>
      tpu.enqueue_dma source(%dma_start3A_50 : memref<40x250xi32, #tpu.memory_space<hbm>>) target(%arg8 : memref<40x250xi32, #tpu.memory_space<vmem>>) target_semaphore(%run_scoped3A : memref<!tpu.dma_semaphore, #tpu.memory_space<semaphore_mem>>)
      %dma_wait3A_51 = arith.constant 0 : i32
      %dma_wait3A_52 = arith.constant 0 : i32
      %dma_wait3A_53 = tpu.memref_slice %arg4[%add3A, %dma_wait3A_51, %dma_wait3A_52] : memref<32x40x250xi32, #tpu.memory_space<hbm>> -> memref<1x40x250xi32, #tpu.memory_space<hbm>>
      %dma_wait3A_54 = tpu.memref_squeeze %dma_wait3A_53 : memref<1x40x250xi32, #tpu.memory_space<hbm>> -> memref<40x250xi32, #tpu.memory_space<hbm>>
      %dma_wait3A_55 = arith.constant 0 : i32
      %dma_wait3A_56 = arith.constant 0 : i32
      %dma_wait3A_57 = tpu.memref_slice %arg4[%add3A, %dma_wait3A_55, %dma_wait3A_56] : memref<32x40x250xi32, #tpu.memory_space<hbm>> -> memref<1x40x250xi32, #tpu.memory_space<hbm>>
      %dma_wait3A_58 = tpu.memref_squeeze %dma_wait3A_57 : memref<1x40x250xi32, #tpu.memory_space<hbm>> -> memref<40x250xi32, #tpu.memory_space<hbm>>
      tpu.wait_dma2 semaphore(%run_scoped3A : memref<!tpu.dma_semaphore, #tpu.memory_space<semaphore_mem>>) src(%dma_wait3A_58 : memref<40x250xi32, #tpu.memory_space<hbm>>) dst(%arg8 : memref<40x250xi32, #tpu.memory_space<vmem>>)
      tpu.yield
    }) : () -> ()
    "tpu.region"() ({
      %run_scoped3A = tpu.sem_alloc : memref<!tpu.dma_semaphore, #tpu.memory_space<semaphore_mem>>
      %dma_start3A_43 = arith.constant 0 : i32
      %dma_start3A_44 = arith.constant 0 : i32
      %dma_start3A_45 = tpu.memref_slice %arg3[%add3A, %dma_start3A_43, %dma_start3A_44] : memref<32x40x250xi32, #tpu.memory_space<hbm>> -> memref<1x40x250xi32, #tpu.memory_space<hbm>>
      %dma_start3A_46 = tpu.memref_squeeze %dma_start3A_45 : memref<1x40x250xi32, #tpu.memory_space<hbm>> -> memref<40x250xi32, #tpu.memory_space<hbm>>
      %dma_start3A_47 = arith.constant 0 : i32
      %dma_start3A_48 = arith.constant 0 : i32
      %dma_start3A_49 = tpu.memref_slice %arg3[%add3A, %dma_start3A_47, %dma_start3A_48] : memref<32x40x250xi32, #tpu.memory_space<hbm>> -> memref<1x40x250xi32, #tpu.memory_space<hbm>>
      %dma_start3A_50 = tpu.memref_squeeze %dma_start3A_49 : memref<1x40x250xi32, #tpu.memory_space<hbm>> -> memref<40x250xi32, #tpu.memory_space<hbm>>
      tpu.enqueue_dma source(%dma_start3A_50 : memref<40x250xi32, #tpu.memory_space<hbm>>) target(%arg7 : memref<40x250xi32, #tpu.memory_space<vmem>>) target_semaphore(%run_scoped3A : memref<!tpu.dma_semaphore, #tpu.memory_space<semaphore_mem>>)
      %dma_wait3A_51 = arith.constant 0 : i32
      %dma_wait3A_52 = arith.constant 0 : i32
      %dma_wait3A_53 = tpu.memref_slice %arg3[%add3A, %dma_wait3A_51, %dma_wait3A_52] : memref<32x40x250xi32, #tpu.memory_space<hbm>> -> memref<1x40x250xi32, #tpu.memory_space<hbm>>
      %dma_wait3A_54 = tpu.memref_squeeze %dma_wait3A_53 : memref<1x40x250xi32, #tpu.memory_space<hbm>> -> memref<40x250xi32, #tpu.memory_space<hbm>>
      %dma_wait3A_55 = arith.constant 0 : i32
      %dma_wait3A_56 = arith.constant 0 : i32
      %dma_wait3A_57 = tpu.memref_slice %arg3[%add3A, %dma_wait3A_55, %dma_wait3A_56] : memref<32x40x250xi32, #tpu.memory_space<hbm>> -> memref<1x40x250xi32, #tpu.memory_space<hbm>>
      %dma_wait3A_58 = tpu.memref_squeeze %dma_wait3A_57 : memref<1x40x250xi32, #tpu.memory_space<hbm>> -> memref<40x250xi32, #tpu.memory_space<hbm>>
      tpu.wait_dma2 semaphore(%run_scoped3A : memref<!tpu.dma_semaphore, #tpu.memory_space<semaphore_mem>>) src(%dma_wait3A_58 : memref<40x250xi32, #tpu.memory_space<hbm>>) dst(%arg7 : memref<40x250xi32, #tpu.memory_space<vmem>>)
      tpu.yield
    }) : () -> ()
    %dma_wait3A = arith.constant 0 : i32
    %dma_wait3A_4 = tpu.memref_slice %arg13[%mul3A_2, %dma_wait3A] : memref<10112x64xf32, #tpu.memory_space<vmem_shared>> -> memref<632x64xf32, #tpu.memory_space<vmem_shared>>
    tpu.wait_dma2 semaphore(%arg18 : memref<!tpu.dma_semaphore, #tpu.memory_space<semaphore_mem>>) src(%arg5 : memref<632x64xf32, #tpu.memory_space<hbm>>) dst(%dma_wait3A_4 : memref<632x64xf32, #tpu.memory_space<vmem_shared>>)
    %barrier3A = arith.constant 0 : index
    tpu.barrier barrier_id(%barrier3A)
    %dma_start3A_5 = arith.constant 0 : i32
    %dma_start3A_6 = arith.constant 0 : i32
    %dma_start3A_7 = tpu.memref_slice %arg7[%dma_start3A_5, %dma_start3A_6] : memref<40x250xi32, #tpu.memory_space<vmem>> -> memref<1x250xi32, #tpu.memory_space<vmem>>
    %dma_start3A_8 = tpu.memref_squeeze %dma_start3A_7 : memref<1x250xi32, #tpu.memory_space<vmem>> -> memref<250xi32, #tpu.memory_space<vmem>>
    %dma_start3A_9 = arith.constant 0 : i32
    %dma_start3A_10 = arith.constant 0 : i32
    %dma_start3A_11 = tpu.memref_slice %arg2[%dma_start3A_9, %dma_start3A_10] : memref<10000x64xf32, #tpu.memory_space<hbm>> -> memref<10000x64xf32, #tpu.memory_space<hbm>>
    tpu.enqueue_indirect_dma source(%dma_start3A_11 : memref<10000x64xf32, #tpu.memory_space<hbm>>) target(%arg9 : memref<250x64xf32, #tpu.memory_space<vmem>>) offsets(%dma_start3A_8 : memref<250xi32, #tpu.memory_space<vmem>>) semaphore(%arg14 : memref<!tpu.dma_semaphore, #tpu.memory_space<semaphore_mem>>)
    %dma_start3A_12 = arith.constant 1 : i32
    %dma_start3A_13 = arith.constant 0 : i32
    %dma_start3A_14 = tpu.memref_slice %arg7[%dma_start3A_12, %dma_start3A_13] : memref<40x250xi32, #tpu.memory_space<vmem>> -> memref<1x250xi32, #tpu.memory_space<vmem>>
    %dma_start3A_15 = tpu.memref_squeeze %dma_start3A_14 : memref<1x250xi32, #tpu.memory_space<vmem>> -> memref<250xi32, #tpu.memory_space<vmem>>
    %dma_start3A_16 = arith.constant 0 : i32
    %dma_start3A_17 = arith.constant 0 : i32
    %dma_start3A_18 = tpu.memref_slice %arg2[%dma_start3A_16, %dma_start3A_17] : memref<10000x64xf32, #tpu.memory_space<hbm>> -> memref<10000x64xf32, #tpu.memory_space<hbm>>
    tpu.enqueue_indirect_dma source(%dma_start3A_18 : memref<10000x64xf32, #tpu.memory_space<hbm>>) target(%arg10 : memref<250x64xf32, #tpu.memory_space<vmem>>) offsets(%dma_start3A_15 : memref<250xi32, #tpu.memory_space<vmem>>) semaphore(%arg15 : memref<!tpu.dma_semaphore, #tpu.memory_space<semaphore_mem>>)
    %dma_start3A_19 = arith.constant 2 : i32
    %dma_start3A_20 = arith.constant 0 : i32
    %dma_start3A_21 = tpu.memref_slice %arg7[%dma_start3A_19, %dma_start3A_20] : memref<40x250xi32, #tpu.memory_space<vmem>> -> memref<1x250xi32, #tpu.memory_space<vmem>>
    %dma_start3A_22 = tpu.memref_squeeze %dma_start3A_21 : memref<1x250xi32, #tpu.memory_space<vmem>> -> memref<250xi32, #tpu.memory_space<vmem>>
    %dma_start3A_23 = arith.constant 0 : i32
    %dma_start3A_24 = arith.constant 0 : i32
    %dma_start3A_25 = tpu.memref_slice %arg2[%dma_start3A_23, %dma_start3A_24] : memref<10000x64xf32, #tpu.memory_space<hbm>> -> memref<10000x64xf32, #tpu.memory_space<hbm>>
    tpu.enqueue_indirect_dma source(%dma_start3A_25 : memref<10000x64xf32, #tpu.memory_space<hbm>>) target(%arg11 : memref<250x64xf32, #tpu.memory_space<vmem>>) offsets(%dma_start3A_22 : memref<250xi32, #tpu.memory_space<vmem>>) semaphore(%arg16 : memref<!tpu.dma_semaphore, #tpu.memory_space<semaphore_mem>>)
    %dma_start3A_26 = arith.constant 3 : i32
    %dma_start3A_27 = arith.constant 0 : i32
    %dma_start3A_28 = tpu.memref_slice %arg7[%dma_start3A_26, %dma_start3A_27] : memref<40x250xi32, #tpu.memory_space<vmem>> -> memref<1x250xi32, #tpu.memory_space<vmem>>
    %dma_start3A_29 = tpu.memref_squeeze %dma_start3A_28 : memref<1x250xi32, #tpu.memory_space<vmem>> -> memref<250xi32, #tpu.memory_space<vmem>>
    %dma_start3A_30 = arith.constant 0 : i32
    %dma_start3A_31 = arith.constant 0 : i32
    %dma_start3A_32 = tpu.memref_slice %arg2[%dma_start3A_30, %dma_start3A_31] : memref<10000x64xf32, #tpu.memory_space<hbm>> -> memref<10000x64xf32, #tpu.memory_space<hbm>>
    tpu.enqueue_indirect_dma source(%dma_start3A_32 : memref<10000x64xf32, #tpu.memory_space<hbm>>) target(%arg12 : memref<250x64xf32, #tpu.memory_space<vmem>>) offsets(%dma_start3A_29 : memref<250xi32, #tpu.memory_space<vmem>>) semaphore(%arg17 : memref<!tpu.dma_semaphore, #tpu.memory_space<semaphore_mem>>)
    %scan3A = arith.constant 0 : i32
    %scan3A_33 = arith.constant 0 : i32
    %scan3A_34 = arith.constant 10 : i32
    %scan3A_35 = arith.addi %scan3A_33, %scan3A_34 : i32
    %scan3A_36 = arith.constant 1 : i32
    scf.for %scan3A_43 = %scan3A_33 to %scan3A_35 step %scan3A_36  : i32 {
      %mul3A_44 = arith.constant 4 : i32
      %mul3A_45 = arith.muli %scan3A_43, %mul3A_44 : i32
      %add3A_46 = arith.constant 0 : i32
      %add3A_47 = arith.addi %mul3A_45, %add3A_46 : i32
      %dma_wait3A_48 = arith.constant 0 : i32
      %dma_wait3A_49 = tpu.memref_slice %arg7[%add3A_47, %dma_wait3A_48] : memref<40x250xi32, #tpu.memory_space<vmem>> -> memref<1x250xi32, #tpu.memory_space<vmem>>
      %dma_wait3A_50 = tpu.memref_squeeze %dma_wait3A_49 : memref<1x250xi32, #tpu.memory_space<vmem>> -> memref<250xi32, #tpu.memory_space<vmem>>
      %dma_wait3A_51 = arith.constant 0 : i32
      %dma_wait3A_52 = arith.constant 0 : i32
      %dma_wait3A_53 = tpu.memref_slice %arg2[%dma_wait3A_51, %dma_wait3A_52] : memref<10000x64xf32, #tpu.memory_space<hbm>> -> memref<10000x64xf32, #tpu.memory_space<hbm>>
      tpu.wait_indirect_dma semaphore(%arg14 : memref<!tpu.dma_semaphore, #tpu.memory_space<semaphore_mem>>) src(%dma_wait3A_53 : memref<10000x64xf32, #tpu.memory_space<hbm>>) dst(%arg9 : memref<250x64xf32, #tpu.memory_space<vmem>>)
      "tpu.region"() ({
        %run_scoped3A = tpu.sem_alloc : memref<!tpu.dma_semaphore, #tpu.memory_space<semaphore_mem>>
        %dma_start3A_109 = arith.constant 0 : i32
        %dma_start3A_110 = tpu.memref_slice %arg8[%add3A_47, %dma_start3A_109] : memref<40x250xi32, #tpu.memory_space<vmem>> -> memref<1x250xi32, #tpu.memory_space<vmem>>
        %dma_start3A_111 = tpu.memref_squeeze %dma_start3A_110 : memref<1x250xi32, #tpu.memory_space<vmem>> -> memref<250xi32, #tpu.memory_space<vmem>>
        %dma_start3A_112 = arith.constant 0 : i32
        %dma_start3A_113 = arith.constant 0 : i32
        %dma_start3A_114 = tpu.memref_slice %arg13[%dma_start3A_112, %dma_start3A_113] : memref<10112x64xf32, #tpu.memory_space<vmem_shared>> -> memref<10112x64xf32, #tpu.memory_space<vmem_shared>>
        tpu.enqueue_indirect_dma source(%arg9 : memref<250x64xf32, #tpu.memory_space<vmem>>) target(%dma_start3A_114 : memref<10112x64xf32, #tpu.memory_space<vmem_shared>>) offsets(%dma_start3A_111 : memref<250xi32, #tpu.memory_space<vmem>>) semaphore(%run_scoped3A : memref<!tpu.dma_semaphore, #tpu.memory_space<semaphore_mem>>) {add = true}
        %dma_wait3A_115 = arith.constant 0 : i32
        %dma_wait3A_116 = tpu.memref_slice %arg8[%add3A_47, %dma_wait3A_115] : memref<40x250xi32, #tpu.memory_space<vmem>> -> memref<1x250xi32, #tpu.memory_space<vmem>>
        %dma_wait3A_117 = tpu.memref_squeeze %dma_wait3A_116 : memref<1x250xi32, #tpu.memory_space<vmem>> -> memref<250xi32, #tpu.memory_space<vmem>>
        %dma_wait3A_118 = arith.constant 0 : i32
        %dma_wait3A_119 = arith.constant 0 : i32
        %dma_wait3A_120 = tpu.memref_slice %arg13[%dma_wait3A_118, %dma_wait3A_119] : memref<10112x64xf32, #tpu.memory_space<vmem_shared>> -> memref<10112x64xf32, #tpu.memory_space<vmem_shared>>
        tpu.wait_indirect_dma semaphore(%run_scoped3A : memref<!tpu.dma_semaphore, #tpu.memory_space<semaphore_mem>>) src(%arg9 : memref<250x64xf32, #tpu.memory_space<vmem>>) dst(%dma_wait3A_120 : memref<10112x64xf32, #tpu.memory_space<vmem_shared>>)
        tpu.yield
      }) : () -> ()
      %add3A_54 = arith.constant 4 : i32
      %add3A_55 = arith.addi %add3A_47, %add3A_54 : i32
      %lt3A = arith.constant 40 : i32
      %lt3A_56 = arith.cmpi slt, %add3A_55, %lt3A : i32
      %convert_element_type3A = arith.extui %lt3A_56 : i1 to i32
      %cond3A = arith.constant 0 : i32
      %cond3A_57 = arith.cmpi ne, %convert_element_type3A, %cond3A : i32
      scf.if %cond3A_57 {
        %add3A_109 = arith.constant 4 : i32
        %add3A_110 = arith.addi %add3A_47, %add3A_109 : i32
        %dma_start3A_111 = arith.constant 0 : i32
        %dma_start3A_112 = tpu.memref_slice %arg7[%add3A_110, %dma_start3A_111] : memref<40x250xi32, #tpu.memory_space<vmem>> -> memref<1x250xi32, #tpu.memory_space<vmem>>
        %dma_start3A_113 = tpu.memref_squeeze %dma_start3A_112 : memref<1x250xi32, #tpu.memory_space<vmem>> -> memref<250xi32, #tpu.memory_space<vmem>>
        %dma_start3A_114 = arith.constant 0 : i32
        %dma_start3A_115 = arith.constant 0 : i32
        %dma_start3A_116 = tpu.memref_slice %arg2[%dma_start3A_114, %dma_start3A_115] : memref<10000x64xf32, #tpu.memory_space<hbm>> -> memref<10000x64xf32, #tpu.memory_space<hbm>>
        tpu.enqueue_indirect_dma source(%dma_start3A_116 : memref<10000x64xf32, #tpu.memory_space<hbm>>) target(%arg9 : memref<250x64xf32, #tpu.memory_space<vmem>>) offsets(%dma_start3A_113 : memref<250xi32, #tpu.memory_space<vmem>>) semaphore(%arg14 : memref<!tpu.dma_semaphore, #tpu.memory_space<semaphore_mem>>)
      } else {
      }
      %mul3A_58 = arith.constant 4 : i32
      %mul3A_59 = arith.muli %scan3A_43, %mul3A_58 : i32
      %add3A_60 = arith.constant 1 : i32
      %add3A_61 = arith.addi %mul3A_59, %add3A_60 : i32
      %dma_wait3A_62 = arith.constant 0 : i32
      %dma_wait3A_63 = tpu.memref_slice %arg7[%add3A_61, %dma_wait3A_62] : memref<40x250xi32, #tpu.memory_space<vmem>> -> memref<1x250xi32, #tpu.memory_space<vmem>>
      %dma_wait3A_64 = tpu.memref_squeeze %dma_wait3A_63 : memref<1x250xi32, #tpu.memory_space<vmem>> -> memref<250xi32, #tpu.memory_space<vmem>>
      %dma_wait3A_65 = arith.constant 0 : i32
      %dma_wait3A_66 = arith.constant 0 : i32
      %dma_wait3A_67 = tpu.memref_slice %arg2[%dma_wait3A_65, %dma_wait3A_66] : memref<10000x64xf32, #tpu.memory_space<hbm>> -> memref<10000x64xf32, #tpu.memory_space<hbm>>
      tpu.wait_indirect_dma semaphore(%arg15 : memref<!tpu.dma_semaphore, #tpu.memory_space<semaphore_mem>>) src(%dma_wait3A_67 : memref<10000x64xf32, #tpu.memory_space<hbm>>) dst(%arg10 : memref<250x64xf32, #tpu.memory_space<vmem>>)
      "tpu.region"() ({
        %run_scoped3A = tpu.sem_alloc : memref<!tpu.dma_semaphore, #tpu.memory_space<semaphore_mem>>
        %dma_start3A_109 = arith.constant 0 : i32
        %dma_start3A_110 = tpu.memref_slice %arg8[%add3A_61, %dma_start3A_109] : memref<40x250xi32, #tpu.memory_space<vmem>> -> memref<1x250xi32, #tpu.memory_space<vmem>>
        %dma_start3A_111 = tpu.memref_squeeze %dma_start3A_110 : memref<1x250xi32, #tpu.memory_space<vmem>> -> memref<250xi32, #tpu.memory_space<vmem>>
        %dma_start3A_112 = arith.constant 0 : i32
        %dma_start3A_113 = arith.constant 0 : i32
        %dma_start3A_114 = tpu.memref_slice %arg13[%dma_start3A_112, %dma_start3A_113] : memref<10112x64xf32, #tpu.memory_space<vmem_shared>> -> memref<10112x64xf32, #tpu.memory_space<vmem_shared>>
        tpu.enqueue_indirect_dma source(%arg10 : memref<250x64xf32, #tpu.memory_space<vmem>>) target(%dma_start3A_114 : memref<10112x64xf32, #tpu.memory_space<vmem_shared>>) offsets(%dma_start3A_111 : memref<250xi32, #tpu.memory_space<vmem>>) semaphore(%run_scoped3A : memref<!tpu.dma_semaphore, #tpu.memory_space<semaphore_mem>>) {add = true}
        %dma_wait3A_115 = arith.constant 0 : i32
        %dma_wait3A_116 = tpu.memref_slice %arg8[%add3A_61, %dma_wait3A_115] : memref<40x250xi32, #tpu.memory_space<vmem>> -> memref<1x250xi32, #tpu.memory_space<vmem>>
        %dma_wait3A_117 = tpu.memref_squeeze %dma_wait3A_116 : memref<1x250xi32, #tpu.memory_space<vmem>> -> memref<250xi32, #tpu.memory_space<vmem>>
        %dma_wait3A_118 = arith.constant 0 : i32
        %dma_wait3A_119 = arith.constant 0 : i32
        %dma_wait3A_120 = tpu.memref_slice %arg13[%dma_wait3A_118, %dma_wait3A_119] : memref<10112x64xf32, #tpu.memory_space<vmem_shared>> -> memref<10112x64xf32, #tpu.memory_space<vmem_shared>>
        tpu.wait_indirect_dma semaphore(%run_scoped3A : memref<!tpu.dma_semaphore, #tpu.memory_space<semaphore_mem>>) src(%arg10 : memref<250x64xf32, #tpu.memory_space<vmem>>) dst(%dma_wait3A_120 : memref<10112x64xf32, #tpu.memory_space<vmem_shared>>)
        tpu.yield
      }) : () -> ()
      %add3A_68 = arith.constant 4 : i32
      %add3A_69 = arith.addi %add3A_61, %add3A_68 : i32
      %lt3A_70 = arith.constant 40 : i32
      %lt3A_71 = arith.cmpi slt, %add3A_69, %lt3A_70 : i32
      %convert_element_type3A_72 = arith.extui %lt3A_71 : i1 to i32
      %cond3A_73 = arith.constant 0 : i32
      %cond3A_74 = arith.cmpi ne, %convert_element_type3A_72, %cond3A_73 : i32
      scf.if %cond3A_74 {
        %add3A_109 = arith.constant 4 : i32
        %add3A_110 = arith.addi %add3A_61, %add3A_109 : i32
        %dma_start3A_111 = arith.constant 0 : i32
        %dma_start3A_112 = tpu.memref_slice %arg7[%add3A_110, %dma_start3A_111] : memref<40x250xi32, #tpu.memory_space<vmem>> -> memref<1x250xi32, #tpu.memory_space<vmem>>
        %dma_start3A_113 = tpu.memref_squeeze %dma_start3A_112 : memref<1x250xi32, #tpu.memory_space<vmem>> -> memref<250xi32, #tpu.memory_space<vmem>>
        %dma_start3A_114 = arith.constant 0 : i32
        %dma_start3A_115 = arith.constant 0 : i32
        %dma_start3A_116 = tpu.memref_slice %arg2[%dma_start3A_114, %dma_start3A_115] : memref<10000x64xf32, #tpu.memory_space<hbm>> -> memref<10000x64xf32, #tpu.memory_space<hbm>>
        tpu.enqueue_indirect_dma source(%dma_start3A_116 : memref<10000x64xf32, #tpu.memory_space<hbm>>) target(%arg10 : memref<250x64xf32, #tpu.memory_space<vmem>>) offsets(%dma_start3A_113 : memref<250xi32, #tpu.memory_space<vmem>>) semaphore(%arg15 : memref<!tpu.dma_semaphore, #tpu.memory_space<semaphore_mem>>)
      } else {
      }
      %mul3A_75 = arith.constant 4 : i32
      %mul3A_76 = arith.muli %scan3A_43, %mul3A_75 : i32
      %add3A_77 = arith.constant 2 : i32
      %add3A_78 = arith.addi %mul3A_76, %add3A_77 : i32
      %dma_wait3A_79 = arith.constant 0 : i32
      %dma_wait3A_80 = tpu.memref_slice %arg7[%add3A_78, %dma_wait3A_79] : memref<40x250xi32, #tpu.memory_space<vmem>> -> memref<1x250xi32, #tpu.memory_space<vmem>>
      %dma_wait3A_81 = tpu.memref_squeeze %dma_wait3A_80 : memref<1x250xi32, #tpu.memory_space<vmem>> -> memref<250xi32, #tpu.memory_space<vmem>>
      %dma_wait3A_82 = arith.constant 0 : i32
      %dma_wait3A_83 = arith.constant 0 : i32
      %dma_wait3A_84 = tpu.memref_slice %arg2[%dma_wait3A_82, %dma_wait3A_83] : memref<10000x64xf32, #tpu.memory_space<hbm>> -> memref<10000x64xf32, #tpu.memory_space<hbm>>
      tpu.wait_indirect_dma semaphore(%arg16 : memref<!tpu.dma_semaphore, #tpu.memory_space<semaphore_mem>>) src(%dma_wait3A_84 : memref<10000x64xf32, #tpu.memory_space<hbm>>) dst(%arg11 : memref<250x64xf32, #tpu.memory_space<vmem>>)
      "tpu.region"() ({
        %run_scoped3A = tpu.sem_alloc : memref<!tpu.dma_semaphore, #tpu.memory_space<semaphore_mem>>
        %dma_start3A_109 = arith.constant 0 : i32
        %dma_start3A_110 = tpu.memref_slice %arg8[%add3A_78, %dma_start3A_109] : memref<40x250xi32, #tpu.memory_space<vmem>> -> memref<1x250xi32, #tpu.memory_space<vmem>>
        %dma_start3A_111 = tpu.memref_squeeze %dma_start3A_110 : memref<1x250xi32, #tpu.memory_space<vmem>> -> memref<250xi32, #tpu.memory_space<vmem>>
        %dma_start3A_112 = arith.constant 0 : i32
        %dma_start3A_113 = arith.constant 0 : i32
        %dma_start3A_114 = tpu.memref_slice %arg13[%dma_start3A_112, %dma_start3A_113] : memref<10112x64xf32, #tpu.memory_space<vmem_shared>> -> memref<10112x64xf32, #tpu.memory_space<vmem_shared>>
        tpu.enqueue_indirect_dma source(%arg11 : memref<250x64xf32, #tpu.memory_space<vmem>>) target(%dma_start3A_114 : memref<10112x64xf32, #tpu.memory_space<vmem_shared>>) offsets(%dma_start3A_111 : memref<250xi32, #tpu.memory_space<vmem>>) semaphore(%run_scoped3A : memref<!tpu.dma_semaphore, #tpu.memory_space<semaphore_mem>>) {add = true}
        %dma_wait3A_115 = arith.constant 0 : i32
        %dma_wait3A_116 = tpu.memref_slice %arg8[%add3A_78, %dma_wait3A_115] : memref<40x250xi32, #tpu.memory_space<vmem>> -> memref<1x250xi32, #tpu.memory_space<vmem>>
        %dma_wait3A_117 = tpu.memref_squeeze %dma_wait3A_116 : memref<1x250xi32, #tpu.memory_space<vmem>> -> memref<250xi32, #tpu.memory_space<vmem>>
        %dma_wait3A_118 = arith.constant 0 : i32
        %dma_wait3A_119 = arith.constant 0 : i32
        %dma_wait3A_120 = tpu.memref_slice %arg13[%dma_wait3A_118, %dma_wait3A_119] : memref<10112x64xf32, #tpu.memory_space<vmem_shared>> -> memref<10112x64xf32, #tpu.memory_space<vmem_shared>>
        tpu.wait_indirect_dma semaphore(%run_scoped3A : memref<!tpu.dma_semaphore, #tpu.memory_space<semaphore_mem>>) src(%arg11 : memref<250x64xf32, #tpu.memory_space<vmem>>) dst(%dma_wait3A_120 : memref<10112x64xf32, #tpu.memory_space<vmem_shared>>)
        tpu.yield
      }) : () -> ()
      %add3A_85 = arith.constant 4 : i32
      %add3A_86 = arith.addi %add3A_78, %add3A_85 : i32
      %lt3A_87 = arith.constant 40 : i32
      %lt3A_88 = arith.cmpi slt, %add3A_86, %lt3A_87 : i32
      %convert_element_type3A_89 = arith.extui %lt3A_88 : i1 to i32
      %cond3A_90 = arith.constant 0 : i32
      %cond3A_91 = arith.cmpi ne, %convert_element_type3A_89, %cond3A_90 : i32
      scf.if %cond3A_91 {
        %add3A_109 = arith.constant 4 : i32
        %add3A_110 = arith.addi %add3A_78, %add3A_109 : i32
        %dma_start3A_111 = arith.constant 0 : i32
        %dma_start3A_112 = tpu.memref_slice %arg7[%add3A_110, %dma_start3A_111] : memref<40x250xi32, #tpu.memory_space<vmem>> -> memref<1x250xi32, #tpu.memory_space<vmem>>
        %dma_start3A_113 = tpu.memref_squeeze %dma_start3A_112 : memref<1x250xi32, #tpu.memory_space<vmem>> -> memref<250xi32, #tpu.memory_space<vmem>>
        %dma_start3A_114 = arith.constant 0 : i32
        %dma_start3A_115 = arith.constant 0 : i32
        %dma_start3A_116 = tpu.memref_slice %arg2[%dma_start3A_114, %dma_start3A_115] : memref<10000x64xf32, #tpu.memory_space<hbm>> -> memref<10000x64xf32, #tpu.memory_space<hbm>>
        tpu.enqueue_indirect_dma source(%dma_start3A_116 : memref<10000x64xf32, #tpu.memory_space<hbm>>) target(%arg11 : memref<250x64xf32, #tpu.memory_space<vmem>>) offsets(%dma_start3A_113 : memref<250xi32, #tpu.memory_space<vmem>>) semaphore(%arg16 : memref<!tpu.dma_semaphore, #tpu.memory_space<semaphore_mem>>)
      } else {
      }
      %mul3A_92 = arith.constant 4 : i32
      %mul3A_93 = arith.muli %scan3A_43, %mul3A_92 : i32
      %add3A_94 = arith.constant 3 : i32
      %add3A_95 = arith.addi %mul3A_93, %add3A_94 : i32
      %dma_wait3A_96 = arith.constant 0 : i32
      %dma_wait3A_97 = tpu.memref_slice %arg7[%add3A_95, %dma_wait3A_96] : memref<40x250xi32, #tpu.memory_space<vmem>> -> memref<1x250xi32, #tpu.memory_space<vmem>>
      %dma_wait3A_98 = tpu.memref_squeeze %dma_wait3A_97 : memref<1x250xi32, #tpu.memory_space<vmem>> -> memref<250xi32, #tpu.memory_space<vmem>>
      %dma_wait3A_99 = arith.constant 0 : i32
      %dma_wait3A_100 = arith.constant 0 : i32
      %dma_wait3A_101 = tpu.memref_slice %arg2[%dma_wait3A_99, %dma_wait3A_100] : memref<10000x64xf32, #tpu.memory_space<hbm>> -> memref<10000x64xf32, #tpu.memory_space<hbm>>
      tpu.wait_indirect_dma semaphore(%arg17 : memref<!tpu.dma_semaphore, #tpu.memory_space<semaphore_mem>>) src(%dma_wait3A_101 : memref<10000x64xf32, #tpu.memory_space<hbm>>) dst(%arg12 : memref<250x64xf32, #tpu.memory_space<vmem>>)
      "tpu.region"() ({
        %run_scoped3A = tpu.sem_alloc : memref<!tpu.dma_semaphore, #tpu.memory_space<semaphore_mem>>
        %dma_start3A_109 = arith.constant 0 : i32
        %dma_start3A_110 = tpu.memref_slice %arg8[%add3A_95, %dma_start3A_109] : memref<40x250xi32, #tpu.memory_space<vmem>> -> memref<1x250xi32, #tpu.memory_space<vmem>>
        %dma_start3A_111 = tpu.memref_squeeze %dma_start3A_110 : memref<1x250xi32, #tpu.memory_space<vmem>> -> memref<250xi32, #tpu.memory_space<vmem>>
        %dma_start3A_112 = arith.constant 0 : i32
        %dma_start3A_113 = arith.constant 0 : i32
        %dma_start3A_114 = tpu.memref_slice %arg13[%dma_start3A_112, %dma_start3A_113] : memref<10112x64xf32, #tpu.memory_space<vmem_shared>> -> memref<10112x64xf32, #tpu.memory_space<vmem_shared>>
        tpu.enqueue_indirect_dma source(%arg12 : memref<250x64xf32, #tpu.memory_space<vmem>>) target(%dma_start3A_114 : memref<10112x64xf32, #tpu.memory_space<vmem_shared>>) offsets(%dma_start3A_111 : memref<250xi32, #tpu.memory_space<vmem>>) semaphore(%run_scoped3A : memref<!tpu.dma_semaphore, #tpu.memory_space<semaphore_mem>>) {add = true}
        %dma_wait3A_115 = arith.constant 0 : i32
        %dma_wait3A_116 = tpu.memref_slice %arg8[%add3A_95, %dma_wait3A_115] : memref<40x250xi32, #tpu.memory_space<vmem>> -> memref<1x250xi32, #tpu.memory_space<vmem>>
        %dma_wait3A_117 = tpu.memref_squeeze %dma_wait3A_116 : memref<1x250xi32, #tpu.memory_space<vmem>> -> memref<250xi32, #tpu.memory_space<vmem>>
        %dma_wait3A_118 = arith.constant 0 : i32
        %dma_wait3A_119 = arith.constant 0 : i32
        %dma_wait3A_120 = tpu.memref_slice %arg13[%dma_wait3A_118, %dma_wait3A_119] : memref<10112x64xf32, #tpu.memory_space<vmem_shared>> -> memref<10112x64xf32, #tpu.memory_space<vmem_shared>>
        tpu.wait_indirect_dma semaphore(%run_scoped3A : memref<!tpu.dma_semaphore, #tpu.memory_space<semaphore_mem>>) src(%arg12 : memref<250x64xf32, #tpu.memory_space<vmem>>) dst(%dma_wait3A_120 : memref<10112x64xf32, #tpu.memory_space<vmem_shared>>)
        tpu.yield
      }) : () -> ()
      %add3A_102 = arith.constant 4 : i32
      %add3A_103 = arith.addi %add3A_95, %add3A_102 : i32
      %lt3A_104 = arith.constant 40 : i32
      %lt3A_105 = arith.cmpi slt, %add3A_103, %lt3A_104 : i32
      %convert_element_type3A_106 = arith.extui %lt3A_105 : i1 to i32
      %cond3A_107 = arith.constant 0 : i32
      %cond3A_108 = arith.cmpi ne, %convert_element_type3A_106, %cond3A_107 : i32
      scf.if %cond3A_108 {
        %add3A_109 = arith.constant 4 : i32
        %add3A_110 = arith.addi %add3A_95, %add3A_109 : i32
        %dma_start3A_111 = arith.constant 0 : i32
        %dma_start3A_112 = tpu.memref_slice %arg7[%add3A_110, %dma_start3A_111] : memref<40x250xi32, #tpu.memory_space<vmem>> -> memref<1x250xi32, #tpu.memory_space<vmem>>
        %dma_start3A_113 = tpu.memref_squeeze %dma_start3A_112 : memref<1x250xi32, #tpu.memory_space<vmem>> -> memref<250xi32, #tpu.memory_space<vmem>>
        %dma_start3A_114 = arith.constant 0 : i32
        %dma_start3A_115 = arith.constant 0 : i32
        %dma_start3A_116 = tpu.memref_slice %arg2[%dma_start3A_114, %dma_start3A_115] : memref<10000x64xf32, #tpu.memory_space<hbm>> -> memref<10000x64xf32, #tpu.memory_space<hbm>>
        tpu.enqueue_indirect_dma source(%dma_start3A_116 : memref<10000x64xf32, #tpu.memory_space<hbm>>) target(%arg12 : memref<250x64xf32, #tpu.memory_space<vmem>>) offsets(%dma_start3A_113 : memref<250xi32, #tpu.memory_space<vmem>>) semaphore(%arg17 : memref<!tpu.dma_semaphore, #tpu.memory_space<semaphore_mem>>)
      } else {
      }
    }
    %scan3A_37 = arith.constant 10 : i32
    %barrier3A_38 = arith.constant 0 : index
    tpu.barrier barrier_id(%barrier3A_38)
    %mul3A_39 = arith.constant 632 : i32
    %mul3A_40 = arith.muli %arg1, %mul3A_39 : i32
    %mul3A_41 = arith.constant 632 : i32
    %mul3A_42 = arith.muli %arg1, %mul3A_41 : i32
    "tpu.region"() ({
      %run_scoped3A = tpu.sem_alloc : memref<!tpu.dma_semaphore, #tpu.memory_space<semaphore_mem>>
      %dma_start3A_43 = arith.constant 0 : i32
      %dma_start3A_44 = tpu.memref_slice %arg6[%arg0, %mul3A_42, %dma_start3A_43] : memref<2x10112x64xf32, #tpu.memory_space<hbm>> -> memref<1x632x64xf32, #tpu.memory_space<hbm>>
      %dma_start3A_45 = tpu.memref_squeeze %dma_start3A_44 : memref<1x632x64xf32, #tpu.memory_space<hbm>> -> memref<632x64xf32, #tpu.memory_space<hbm>>
      %dma_start3A_46 = arith.constant 0 : i32
      %dma_start3A_47 = tpu.memref_slice %arg13[%mul3A_40, %dma_start3A_46] : memref<10112x64xf32, #tpu.memory_space<vmem_shared>> -> memref<632x64xf32, #tpu.memory_space<vmem_shared>>
      tpu.enqueue_dma source(%dma_start3A_47 : memref<632x64xf32, #tpu.memory_space<vmem_shared>>) target(%dma_start3A_45 : memref<632x64xf32, #tpu.memory_space<hbm>>) target_semaphore(%run_scoped3A : memref<!tpu.dma_semaphore, #tpu.memory_space<semaphore_mem>>)
      %dma_wait3A_48 = arith.constant 0 : i32
      %dma_wait3A_49 = tpu.memref_slice %arg6[%arg0, %mul3A_42, %dma_wait3A_48] : memref<2x10112x64xf32, #tpu.memory_space<hbm>> -> memref<1x632x64xf32, #tpu.memory_space<hbm>>
      %dma_wait3A_50 = tpu.memref_squeeze %dma_wait3A_49 : memref<1x632x64xf32, #tpu.memory_space<hbm>> -> memref<632x64xf32, #tpu.memory_space<hbm>>
      %dma_wait3A_51 = arith.constant 0 : i32
      %dma_wait3A_52 = tpu.memref_slice %arg13[%mul3A_40, %dma_wait3A_51] : memref<10112x64xf32, #tpu.memory_space<vmem_shared>> -> memref<632x64xf32, #tpu.memory_space<vmem_shared>>
      tpu.wait_dma2 semaphore(%run_scoped3A : memref<!tpu.dma_semaphore, #tpu.memory_space<semaphore_mem>>) src(%dma_wait3A_52 : memref<632x64xf32, #tpu.memory_space<vmem_shared>>) dst(%dma_wait3A_50 : memref<632x64xf32, #tpu.memory_space<hbm>>)
      tpu.yield
    }) : () -> ()
    return
  }
}

module attributes {stable_mosaic.version = 14 : i64} {
  func.func @_mm_body(%arg0: memref<10000x128xf32, #tpu.memory_space<vmem>>, %arg1: memref<128x64xf32, #tpu.memory_space<vmem>>, %arg2: memref<10000x64xf32, #tpu.memory_space<vmem>>) attributes {dimension_semantics = [], scalar_prefetch = 0 : i64, scratch_operands = 0 : i64, tpu.core_type = #tpu.core_type<tc>} {
    %get3A = arith.constant 0 : index
    %get3A_0 = arith.constant 0 : index
    %get3A_1 = vector.load %arg0[%get3A, %get3A_0] : memref<10000x128xf32, #tpu.memory_space<vmem>>, vector<10000x128xf32>
    %get3A_2 = arith.constant 0 : index
    %get3A_3 = arith.constant 0 : index
    %get3A_4 = vector.load %arg1[%get3A_2, %get3A_3] : memref<128x64xf32, #tpu.memory_space<vmem>>, vector<128x64xf32>
    %dot_general3A = arith.constant dense<0.000000e+00> : vector<10000x64xf32>
    %dot_general3A_5 = tpu.matmul %get3A_1, %get3A_4, %dot_general3A {dimension_numbers = #tpu.dot_dimension_numbers<[1], [0], [0], [1], [0, 0, 1, 1], [], []>, transpose_lhs_hint = false} : vector<10000x128xf32>, vector<128x64xf32>, vector<10000x64xf32> -> vector<10000x64xf32>
    %swap3A = arith.constant 0 : index
    %swap3A_6 = arith.constant 0 : index
    %swap3A_7 = vector.load %arg2[%swap3A, %swap3A_6] : memref<10000x64xf32, #tpu.memory_space<vmem>>, vector<10000x64xf32>
    tpu.vector_store %arg2[%swap3A, %swap3A_6], %dot_general3A_5 {strides = array<i32>} : memref<10000x64xf32, #tpu.memory_space<vmem>>, vector<10000x64xf32>,
    return
  }
}

module attributes {stable_mosaic.version = 14 : i64} {
  func.func @_scale_body(%arg0: memref<10000x64xf32, #tpu.memory_space<vmem>>, %arg1: memref<2x10112x1xf32, #tpu.memory_space<vmem>>, %arg2: memref<10000x64xf32, #tpu.memory_space<vmem>>, %arg3: memref<10000x1xf32, #tpu.memory_space<vmem>>) attributes {dimension_semantics = [], scalar_prefetch = 0 : i64, scratch_operands = 0 : i64, tpu.core_type = #tpu.core_type<tc>} {
    %get3A = arith.constant 0 : index
    %get3A_0 = arith.constant 0 : index
    %get3A_1 = arith.constant 0 : index
    %get3A_2 = vector.load %arg1[%get3A, %get3A_0, %get3A_1] : memref<2x10112x1xf32, #tpu.memory_space<vmem>>, vector<1x10000x1xf32>
    %get3A_3 = vector.shape_cast %get3A_2 : vector<1x10000x1xf32> to vector<10000x1xf32>
    %get3A_4 = arith.constant 1 : index
    %get3A_5 = arith.constant 0 : index
    %get3A_6 = arith.constant 0 : index
    %get3A_7 = vector.load %arg1[%get3A_4, %get3A_5, %get3A_6] : memref<2x10112x1xf32, #tpu.memory_space<vmem>>, vector<1x10000x1xf32>
    %get3A_8 = vector.shape_cast %get3A_7 : vector<1x10000x1xf32> to vector<10000x1xf32>
    %add3A = arith.addf %get3A_3, %get3A_8 : vector<10000x1xf32>
    %add3A_9 = arith.constant 1.000000e+00 : f32
    %add3A_10 = vector.broadcast %add3A_9 : f32 to vector<10000x1xf32>
    %add3A_11 = arith.addf %add3A, %add3A_10 : vector<10000x1xf32>
    %rsqrt3A = math.rsqrt %add3A_11 : vector<10000x1xf32>
    %swap3A = arith.constant 0 : index
    %swap3A_12 = arith.constant 0 : index
    %swap3A_13 = vector.load %arg3[%swap3A, %swap3A_12] : memref<10000x1xf32, #tpu.memory_space<vmem>>, vector<10000x1xf32>
    tpu.vector_store %arg3[%swap3A, %swap3A_12], %rsqrt3A {strides = array<i32>} : memref<10000x1xf32, #tpu.memory_space<vmem>>, vector<10000x1xf32>,
    %get3A_14 = arith.constant 0 : index
    %get3A_15 = arith.constant 0 : index
    %get3A_16 = vector.load %arg0[%get3A_14, %get3A_15] : memref<10000x64xf32, #tpu.memory_space<vmem>>, vector<10000x64xf32>
    %mul3A = vector.broadcast %rsqrt3A : vector<10000x1xf32> to vector<10000x64xf32>
    %mul3A_17 = arith.mulf %get3A_16, %mul3A : vector<10000x64xf32>
    %swap3A_18 = arith.constant 0 : index
    %swap3A_19 = arith.constant 0 : index
    %swap3A_20 = vector.load %arg2[%swap3A_18, %swap3A_19] : memref<10000x64xf32, #tpu.memory_space<vmem>>, vector<10000x64xf32>
    tpu.vector_store %arg2[%swap3A_18, %swap3A_19], %mul3A_17 {strides = array<i32>} : memref<10000x64xf32, #tpu.memory_space<vmem>>, vector<10000x64xf32>,
    return
  }
}

module attributes {stable_mosaic.version = 14 : i64} {
  func.func @_layer_body(%arg0: memref<2x10112x64xf32, #tpu.memory_space<vmem>>, %arg1: memref<10000x64xf32, #tpu.memory_space<vmem>>, %arg2: memref<10000x1xf32, #tpu.memory_space<vmem>>, %arg3: memref<1x64xf32, #tpu.memory_space<vmem>>, %arg4: memref<64x32xf32, #tpu.memory_space<vmem>>, %arg5: memref<10000x32xf32, #tpu.memory_space<vmem>>) attributes {dimension_semantics = [], scalar_prefetch = 0 : i64, scratch_operands = 0 : i64, tpu.core_type = #tpu.core_type<tc>} {
    %get3A = arith.constant 0 : index
    %get3A_0 = arith.constant 0 : index
    %get3A_1 = vector.load %arg2[%get3A, %get3A_0] : memref<10000x1xf32, #tpu.memory_space<vmem>>, vector<10000x1xf32>
    %get3A_2 = arith.constant 0 : index
    %get3A_3 = arith.constant 0 : index
    %get3A_4 = arith.constant 0 : index
    %get3A_5 = vector.load %arg0[%get3A_2, %get3A_3, %get3A_4] : memref<2x10112x64xf32, #tpu.memory_space<vmem>>, vector<1x10000x64xf32>
    %get3A_6 = vector.shape_cast %get3A_5 : vector<1x10000x64xf32> to vector<10000x64xf32>
    %get3A_7 = arith.constant 1 : index
    %get3A_8 = arith.constant 0 : index
    %get3A_9 = arith.constant 0 : index
    %get3A_10 = vector.load %arg0[%get3A_7, %get3A_8, %get3A_9] : memref<2x10112x64xf32, #tpu.memory_space<vmem>>, vector<1x10000x64xf32>
    %get3A_11 = vector.shape_cast %get3A_10 : vector<1x10000x64xf32> to vector<10000x64xf32>
    %add3A = arith.addf %get3A_6, %get3A_11 : vector<10000x64xf32>
    %get3A_12 = arith.constant 0 : index
    %get3A_13 = arith.constant 0 : index
    %get3A_14 = vector.load %arg1[%get3A_12, %get3A_13] : memref<10000x64xf32, #tpu.memory_space<vmem>>, vector<10000x64xf32>
    %add3A_15 = arith.addf %add3A, %get3A_14 : vector<10000x64xf32>
    %mul3A = vector.broadcast %get3A_1 : vector<10000x1xf32> to vector<10000x64xf32>
    %mul3A_16 = arith.mulf %mul3A, %add3A_15 : vector<10000x64xf32>
    %get3A_17 = arith.constant 0 : index
    %get3A_18 = arith.constant 0 : index
    %get3A_19 = vector.load %arg3[%get3A_17, %get3A_18] : memref<1x64xf32, #tpu.memory_space<vmem>>, vector<1x64xf32>
    %add3A_20 = vector.broadcast %get3A_19 : vector<1x64xf32> to vector<10000x64xf32>
    %add3A_21 = arith.addf %mul3A_16, %add3A_20 : vector<10000x64xf32>
    %max3A = arith.constant 0.000000e+00 : f32
    %max3A_22 = vector.broadcast %max3A : f32 to vector<10000x64xf32>
    %max3A_23 = arith.maximumf %add3A_21, %max3A_22 : vector<10000x64xf32>
    %get3A_24 = arith.constant 0 : index
    %get3A_25 = arith.constant 0 : index
    %get3A_26 = vector.load %arg4[%get3A_24, %get3A_25] : memref<64x32xf32, #tpu.memory_space<vmem>>, vector<64x32xf32>
    %dot_general3A = arith.constant dense<0.000000e+00> : vector<10000x32xf32>
    %dot_general3A_27 = tpu.matmul %max3A_23, %get3A_26, %dot_general3A {dimension_numbers = #tpu.dot_dimension_numbers<[1], [0], [0], [1], [0, 0, 1, 1], [], []>, transpose_lhs_hint = false} : vector<10000x64xf32>, vector<64x32xf32>, vector<10000x32xf32> -> vector<10000x32xf32>
    %mul3A_28 = vector.broadcast %get3A_1 : vector<10000x1xf32> to vector<10000x32xf32>
    %mul3A_29 = arith.mulf %mul3A_28, %dot_general3A_27 : vector<10000x32xf32>
    %swap3A = arith.constant 0 : index
    %swap3A_30 = arith.constant 0 : index
    %swap3A_31 = vector.load %arg5[%swap3A, %swap3A_30] : memref<10000x32xf32, #tpu.memory_space<vmem>>, vector<10000x32xf32>
    tpu.vector_store %arg5[%swap3A, %swap3A_30], %mul3A_29 {strides = array<i32>} : memref<10000x32xf32, #tpu.memory_space<vmem>>, vector<10000x32xf32>,
    return
  }
}

module attributes {stable_mosaic.version = 14 : i64} {
  func.func @_final_body(%arg0: memref<2x10112x32xf32, #tpu.memory_space<vmem>>, %arg1: memref<10000x32xf32, #tpu.memory_space<vmem>>, %arg2: memref<10000x1xf32, #tpu.memory_space<vmem>>, %arg3: memref<1x32xf32, #tpu.memory_space<vmem>>, %arg4: memref<1x32xf32, #tpu.memory_space<vmem>>, %arg5: memref<1x1xf32, #tpu.memory_space<vmem>>, %arg6: memref<10000x32xf32, #tpu.memory_space<vmem>>) attributes {dimension_semantics = [], scalar_prefetch = 0 : i64, scratch_operands = 0 : i64, tpu.core_type = #tpu.core_type<tc>} {
    %get3A = arith.constant 0 : index
    %get3A_0 = arith.constant 0 : index
    %get3A_1 = vector.load %arg2[%get3A, %get3A_0] : memref<10000x1xf32, #tpu.memory_space<vmem>>, vector<10000x1xf32>
    %get3A_2 = arith.constant 0 : index
    %get3A_3 = arith.constant 0 : index
    %get3A_4 = arith.constant 0 : index
    %get3A_5 = vector.load %arg0[%get3A_2, %get3A_3, %get3A_4] : memref<2x10112x32xf32, #tpu.memory_space<vmem>>, vector<1x10000x32xf32>
    %get3A_6 = vector.shape_cast %get3A_5 : vector<1x10000x32xf32> to vector<10000x32xf32>
    %get3A_7 = arith.constant 1 : index
    %get3A_8 = arith.constant 0 : index
    %get3A_9 = arith.constant 0 : index
    %get3A_10 = vector.load %arg0[%get3A_7, %get3A_8, %get3A_9] : memref<2x10112x32xf32, #tpu.memory_space<vmem>>, vector<1x10000x32xf32>
    %get3A_11 = vector.shape_cast %get3A_10 : vector<1x10000x32xf32> to vector<10000x32xf32>
    %add3A = arith.addf %get3A_6, %get3A_11 : vector<10000x32xf32>
    %get3A_12 = arith.constant 0 : index
    %get3A_13 = arith.constant 0 : index
    %get3A_14 = vector.load %arg1[%get3A_12, %get3A_13] : memref<10000x32xf32, #tpu.memory_space<vmem>>, vector<10000x32xf32>
    %add3A_15 = arith.addf %add3A, %get3A_14 : vector<10000x32xf32>
    %mul3A = vector.broadcast %get3A_1 : vector<10000x1xf32> to vector<10000x32xf32>
    %mul3A_16 = arith.mulf %mul3A, %add3A_15 : vector<10000x32xf32>
    %get3A_17 = arith.constant 0 : index
    %get3A_18 = arith.constant 0 : index
    %get3A_19 = vector.load %arg3[%get3A_17, %get3A_18] : memref<1x32xf32, #tpu.memory_space<vmem>>, vector<1x32xf32>
    %add3A_20 = vector.broadcast %get3A_19 : vector<1x32xf32> to vector<10000x32xf32>
    %add3A_21 = arith.addf %mul3A_16, %add3A_20 : vector<10000x32xf32>
    %max3A = arith.constant 0.000000e+00 : f32
    %max3A_22 = vector.broadcast %max3A : f32 to vector<10000x32xf32>
    %max3A_23 = arith.maximumf %add3A_21, %max3A_22 : vector<10000x32xf32>
    %get3A_24 = arith.constant 0 : index
    %get3A_25 = arith.constant 0 : index
    %get3A_26 = vector.load %arg4[%get3A_24, %get3A_25] : memref<1x32xf32, #tpu.memory_space<vmem>>, vector<1x32xf32>
    %mul3A_27 = vector.broadcast %get3A_26 : vector<1x32xf32> to vector<10000x32xf32>
    %mul3A_28 = arith.mulf %max3A_23, %mul3A_27 : vector<10000x32xf32>
    %reduce_sum3A = arith.constant dense<0.000000e+00> : vector<10000xf32>
    %reduce_sum3A_29 = vector.multi_reduction <add>, %mul3A_28, %reduce_sum3A [1] : vector<10000x32xf32> to vector<10000xf32>
    %broadcast_in_dim3A = vector.shape_cast %reduce_sum3A_29 : vector<10000xf32> to vector<10000x1xf32>
    %get3A_30 = arith.constant 0 : index
    %get3A_31 = arith.constant 0 : index
    %get3A_32 = vector.load %arg5[%get3A_30, %get3A_31] : memref<1x1xf32, #tpu.memory_space<vmem>>, vector<1x1xf32>
    %add3A_33 = vector.broadcast %get3A_32 : vector<1x1xf32> to vector<10000x1xf32>
    %add3A_34 = arith.addf %broadcast_in_dim3A, %add3A_33 : vector<10000x1xf32>
    %neg3A = arith.constant 0.000000e+00 : f32
    %neg3A_35 = vector.broadcast %neg3A : f32 to vector<10000x1xf32>
    %neg3A_36 = arith.subf %neg3A_35, %add3A_34 : vector<10000x1xf32>
    %exp3A = math.exp %neg3A_36 : vector<10000x1xf32>
    %add3A_37 = arith.constant 1.000000e+00 : f32
    %add3A_38 = vector.broadcast %add3A_37 : f32 to vector<10000x1xf32>
    %add3A_39 = arith.addf %add3A_38, %exp3A : vector<10000x1xf32>
    %div3A = arith.constant 1.000000e+00 : f32
    %div3A_40 = vector.broadcast %div3A : f32 to vector<10000x1xf32>
    %div3A_41 = arith.divf %div3A_40, %add3A_39 : vector<10000x1xf32>
    %mul3A_42 = vector.broadcast %div3A_41 : vector<10000x1xf32> to vector<10000x32xf32>
    %mul3A_43 = arith.mulf %max3A_23, %mul3A_42 : vector<10000x32xf32>
    %swap3A = arith.constant 0 : index
    %swap3A_44 = arith.constant 0 : index
    %swap3A_45 = vector.load %arg6[%swap3A, %swap3A_44] : memref<10000x32xf32, #tpu.memory_space<vmem>>, vector<10000x32xf32>
    tpu.vector_store %arg6[%swap3A, %swap3A_44], %mul3A_43 {strides = array<i32>} : memref<10000x32xf32, #tpu.memory_space<vmem>>, vector<10000x32xf32>,
    return
  }
}

</mosaic_0001>

<sc_bundles>
// kernel: kernel.12.cloned.1.call-start
scs
__scs_entry_jumppad:
0x0: {  	(pc) =	sbr.rel $0x88, $3  }
0x1: {  	(tag) =	ssettag $0x0;
	lr =	simm.s32 $0x1  }
0x2: {  	[smem:$0x3F99] =	sst lr;
	_ =	strace $0xD0000000  }
0x3: {  	_ = 	snop  }
0x4: {  	_ = 	snop  }
0x5: {  	_ = 	snop  }
0x6: {  	_ = 	snop  }
0x7: {  	_ = 	snop  }
__scs_overlays_trampoline_lowered:
0x8: {  	[smem:$0x3FA8] =	sst s0  }
0x9: {  	[smem:$0x3FA9] =	sst s1  }
0xa: {  	[smem:$0x3FAA] =	sst s2  }
0xb: {  	[smem:$0x3FAB] =	sst s3  }
0xc: {  	[smem:$0x3FAC] =	sst s4  }
0xd: {  	[smem:$0x3FAD] =	sst s5  }
0xe: {  	[smem:$0x3FAE] =	sst s6  }
0xf: {  	[smem:$0x3FAF] =	sst s7  }
0x10: {  	[smem:$0x3FB0] =	sst s8  }
0x11: {  	[smem:$0x3FB1] =	sst s9;
	s0 =	simm.s32 @!p0 $0x0  }
0x12: {  	s1 =	sld [smem:$0x3F97];
	s0 =	simm.s32 @p0 $0x1  }
0x13: {  	[smem:$0x3FB2] =	sst s0;
	s0 =	simm.s32 @!p1 $0x0  }
0x14: {  	s2 =	sld [smem:$0x3F96];
	s0 =	simm.s32 @p1 $0x1  }
0x15: {  	[smem:$0x3FB3] =	sst s0;
	s0 =	simm.s32 @!p2 $0x0  }
0x16: {  	s3 =	sld [smem:$0x3FDB];
	s0 =	simm.s32 @p2 $0x1  }
0x17: {  	s4 =	simm.s32 $0x1BF5;
	[smem:$0x3FB5] =	sst s0  }
0x18: {  	s0 =	sld [smem:$0x3F98];
	_ =	swait.ge [sflag:s4], $0x0  }
0x19: {  	s7 =	sld [smem:$0x3F99]  }
0x1a: {  	s8 =	sadd.s32 $0xFFFFE003, lr  }
0x1b: {  	s9 =	sadd.s32 $0xFFFFFEF7, lr;
	s5 =	simm.s32 $0xFFFFFFFF;
	p2 =	slt.u32 s8, $0xFFFFF086  }
0x1c: {  	p1 =	slt.u32 s9, $0xF7A;
	s5 =	simm.s32 @!p2 $0x0  }
0x1d: {  	s5 =	simm.s32 @p1 $0x1;
	p0 =	seq.s32 s7, s2  }
0x1e: {  	s7 =	smul.u32 @!p0 $0xF7A, s2;
	p2 =	seq.s32 @!p0 s5, $0x0  }
0x1f: {  	s9 =	smul.u32 $0xF7A, s1;
	s8 =	simm.s32 @!p0 $0x1BF5;
	p2 =	por !p2, p0  }
0x20: {  	[sflag:s8] =	ssyncset.s32 @!p0 $0xFFFFF086;
	s6 =	sadd.s32 @!p0 s3, s7;
	s7 =	simm.s32 @!p0 $0x108  }
0x21: {  	s3 =	sadd.s32 s3, s9;
	s6 =	sadd.s32 @!p0 $0x88, s6;
	s7 =	simm.s32 @p2 $0x1082  }
0x22: {  	[simem:s7], [sflag:s8] =	dma.local @!p0 [hbm:s6], $0xF7A  }
0x23: {  	s9 =	sor.u32 $0xD0000000, s2;
	s6 =	simm.s32 $0x108;
	_ =	swait.ge @!p0 [sflag:s8], $0x0  }
0x24: {  	s3 =	sadd.s32 $0x88, s3;
	s6 =	simm.s32 @!p1 $0x1082;
	[sflag:s4] =	ssyncset.s32 $0xFFFFF086  }
0x25: {  	[simem:s6], [sflag:s4] =	dma.local [hbm:s3], $0xF7A  }
0x26: {  	[smem:$0x3F99] =	sst s1;
	(tag) =	ssettag s2;
	_ =	strace s9  }
0x27: {  	s1 =	sld [smem:$0x3FA9]  }
0x28: {  	s2 =	sld [smem:$0x3FAA]  }
0x29: {  	s4 =	sld [smem:$0x3FAC]  }
0x2a: {  	p0 =	seq.s32 s5, $0x0;
	s5 =	sld [smem:$0x3FAD]  }
0x2b: {  	s6 =	sld [smem:$0x3FAE]  }
0x2c: {  	s7 =	sld [smem:$0x3FAF]  }
0x2d: {  	s3 =	simm.s32 $0x108;
	s8 =	sld [smem:$0x3FB0]  }
0x2e: {  	s3 =	simm.s32 @!p0 $0x1082;
	s9 =	sld [smem:$0x3FB1]  }
0x2f: {  	lr =	sadd.s32 s0, s3;
	s0 =	sld [smem:$0x3FA8]  }
0x30: {  	s3 =	sld [smem:$0x3FAB]  }
0x31: {  	[smem:$0x3FB4] =	sst s10  }
0x32: {  	s10 =	sld [smem:$0x3FB2];
	_ =	sdelay $0x3  }
0x33: {  	p0 =	seq.s32 s10, $0x1;
	s10 =	sld [smem:$0x3FB4];
	_ =	sdelay $0x3  }
0x34: {  	[smem:$0x3FB4] =	sst s10  }
0x35: {  	s10 =	sld [smem:$0x3FB3];
	_ =	sdelay $0x3  }
0x36: {  	p1 =	seq.s32 s10, $0x1;
	s10 =	sld [smem:$0x3FB4];
	_ =	sdelay $0x3  }
0x37: {  	[smem:$0x3FB4] =	sst s10  }
0x38: {  	s10 =	sld [smem:$0x3FB5]  }
0x39: {  	_ = 	snop;
	(pc) =	sbr.ind lr, $3  }
0x3a: {  	_ = 	snop  }
0x3b: {  	_ = 	snop  }
0x3c: {  	p2 =	seq.s32 s10, $0x1;
	s10 =	sld [smem:$0x3FB4]  }
0x3d: {  	_ =	shalt  }
0x3e: {  	_ =	shalt  }
0x3f: {  	_ =	shalt  }
0x40: {  	_ =	shalt  }
0x41: {  	_ =	shalt  }
0x42: {  	_ =	shalt  }
0x43: {  	_ =	shalt  }
0x44: {  	_ =	shalt  }
0x45: {  	_ =	shalt  }
0x46: {  	_ =	shalt  }
0x47: {  	_ =	shalt  }
0x48: {  	_ =	shalt  }
0x49: {  	_ =	shalt  }
0x4a: {  	_ =	shalt  }
0x4b: {  	_ =	shalt  }
0x4c: {  	_ =	shalt  }
0x4d: {  	_ =	shalt  }
0x4e: {  	_ =	shalt  }
0x4f: {  	_ =	shalt  }
0x50: {  	_ =	shalt  }
0x51: {  	_ =	shalt  }
0x52: {  	_ =	shalt  }
0x53: {  	_ =	shalt  }
0x54: {  	_ =	shalt  }
0x55: {  	_ =	shalt  }
0x56: {  	_ =	shalt  }
0x57: {  	_ =	shalt  }
0x58: {  	_ =	shalt  }
0x59: {  	_ =	shalt  }
0x5a: {  	_ =	shalt  }
0x5b: {  	_ =	shalt  }
0x5c: {  	_ =	shalt  }
0x5d: {  	_ =	shalt  }
0x5e: {  	_ =	shalt  }
0x5f: {  	_ =	shalt  }
0x60: {  	_ =	shalt  }
0x61: {  	_ =	shalt  }
0x62: {  	_ =	shalt  }
0x63: {  	_ =	shalt  }
0x64: {  	_ =	shalt  }
0x65: {  	_ =	shalt  }
0x66: {  	_ =	shalt  }
0x67: {  	_ =	shalt  }
0x68: {  	_ =	shalt  }
0x69: {  	_ =	shalt  }
0x6a: {  	_ =	shalt  }
0x6b: {  	_ =	shalt  }
0x6c: {  	_ =	shalt  }
0x6d: {  	_ =	shalt  }
0x6e: {  	_ =	shalt  }
0x6f: {  	_ =	shalt  }
0x70: {  	_ =	shalt  }
0x71: {  	_ =	shalt  }
0x72: {  	_ =	shalt  }
0x73: {  	_ =	shalt  }
0x74: {  	_ =	shalt  }
0x75: {  	_ =	shalt  }
0x76: {  	_ =	shalt  }
0x77: {  	_ =	shalt  }
0x78: {  	_ =	shalt  }
0x79: {  	_ =	shalt  }
0x7a: {  	_ =	shalt  }
0x7b: {  	_ =	shalt  }
0x7c: {  	_ =	shalt  }
0x7d: {  	_ =	shalt  }
0x7e: {  	_ =	shalt  }
0x7f: {  	_ =	shalt  }
0x80: {  	_ =	shalt  }
0x81: {  	_ =	shalt  }
0x82: {  	_ =	shalt  }
0x83: {  	_ =	shalt  }
0x84: {  	_ =	shalt  }
0x85: {  	_ =	shalt  }
0x86: {  	_ =	shalt  }
0x87: {  	_ =	shalt  }
.Lfunc_end0:
.L_simem_size_0:
called_computation.1_lowered:
.L_overlay_start_0:
0x88: {  	s2 =	sld [smem:$0x3FD9]  }
0x89: {  	s3 =	sld [smem:$0x3FFE];
	_ =	sdelay $0x1  }
0x8a: {  	s1 =	srdreg.scid  }
0x8b: {  	s0 =	sand.u32 $0x1, s1  }
0x8c: {  	s17 =	sshll.u32 s0, $0xA;
	s2 =	sadd.s32 s3, s2  }
0x8d: {  	s2 =	sadd.s32 s2, s17  }
0x8e: {  	[smem:$0x3FC0] =	sst s2  }
0x8f: {  	_ = 	snop  }
0x90: {  	s2 =	sld [smem:$0x3FD0];
	(tm) =	ssettm $0x1  }
0x91: {  	s18 =	sld [smem:$0x3FFB];
	_ =	sdelay $0x3  }
0x92: {  	_ =	strace s18  }
0x93: {  	s3 =	sld [smem:$0x3FFC];
	_ =	sdelay $0x3  }
0x94: {  	_ =	strace s3  }
0x95: {  	s3 =	sld [smem:$0x3FFD];
	_ =	sdelay $0x3  }
0x96: {  	_ =	strace s3  }
0x97: {  	_ =	strace $0x8FFFFFFF  }
0x98: {  	s19 =	sld [smem:$0x3FDB];
	_ =	sdelay $0x1  }
0x99: {  	s4 =	simm.s32 $_scs_section_size  }
0x9a: {  	s5 =	simm.s32 $_size__tile_overlayer_lowered;
	s6 =	simm.s32 $_tile_overlayer_lowered  }
0x9b: {  	s22 =	simm.s32 $0x1BFF;
	s21 =	sshll.u32 s6, $0x1;
	s3 =	sadd.s32 s4, s19  }
0x9c: {  	s7 =	simm.s32 $0x0;
	s20 =	sshll.u32 s5, $0x1;
	s5 =	sadd.s32 s21, s3  }
0x9d: {  	[timem:s7], [sflag:s22] =	dma.local [hbm:s5], s20  }
0x9e: {  	_ =	swait.ge [sflag:s22], s20  }
0x9f: {  	s4 =	ssub.s32 $0x0, s20;
	[sflag:s22] =	ssyncset.done $0x0  }
0xa0: {  	[sflag:s22] =	ssyncadd.s32 s4;
	_ =	sdelay $0x1  }
0xa1: {  	s23 =	simm.s32 $0x1B8B  }
0xa2: {  	_ =	swait.ge [sflag:s23], $0x1  }
0xa3: {  	[sflag:s23] =	ssyncset.done $0x0  }
0xa4: {  	s25 =	simm.s32 $0x1B8E;
	s24 =	sld [smem:$0x3FFE];
	[sflag:s23] =	ssyncadd.s32 $0xFFFFFFFF  }
0xa5: {  	s26 =	simm.s32 $execute0_lowered;
	[smem:$0x3FD2] =	sst s25  }
0xa6: {  	s5 =	sshll.u32 s26, $0x1;
	_ =	strace $0x80000049;
	[dreg:$0x1] =	wrdreg $0xFFFFFFFF  }
0xa7: {  	s28 =	simm.s32 $_size_execute0_lowered;
	s3 =	sadd.s32 s3, s5;
	[dreg:$0x0] =	wrdreg $0x0  }
0xa8: {  	s5 =	sshll.u32 s28, $0x1;
	[dreg:$0x2] =	wrdreg s3  }
0xa9: {  	[dreg:$0x3] =	wrdreg s5  }
0xaa: {  	[dreg:$0x4] =	wrdreg $0xC0  }
0xab: {  	_ =	task [dreg:s7], $0x5FFFF  }
0xac: {  	[dreg:$0x1] =	wrdreg $0xFFFFFFFF  }
0xad: {  	[dreg:$0x0] =	wrdreg $0x60  }
0xae: {  	[dreg:$0x2] =	wrdreg s24  }
0xaf: {  	[dreg:$0x3] =	wrdreg s2  }
0xb0: {  	[dreg:$0x4] =	wrdreg $0x14A000  }
0xb1: {  	[dreg:$0x5] =	wrdreg $0x9  }
0xb2: {  	_ =	task.clear_ibuf [dreg:s7], $0x6FFFF;
	_ =	strace $0x90000049  }
0xb3: {  	s29 =	simm.s32 $0x9;
	_ =	strace $0x8000004B  }
0xb4: {  	_ =	swait.ge [sflag:s29], $0x1  }
0xb5: {  	[sflag:s29] =	ssyncadd.s32 $0xFFFFFFFF  }
0xb6: {  	_ =	strace $0x9000004B  }
0xb7: {  	_ =	sfence  }
0xb8: {  	s30 =	sld [smem:$0x0];
	_ =	sdelay $0x2  }
0xb9: {  	s31 =	sshll.u32 s1, $0xD;
	s1 =	sshrl.u32 s1, $0x2  }
0xba: {  	s3 =	sand.u32 $0x4000, s31;
	s1 =	sadd.s32 s1, s30  }
0xbb: {  	s0 =	sor.u32 s3, s0;
	s1 =	sshll.u32 s1, $0x11  }
0xbc: {  	s0 =	sor.u32 s1, s0  }
0xbd: {  	s0 =	sadd.s32 $0x8F2B, s0  }
0xbe: {  	[sflag:s0] =	ssyncadd.remote.s32 $0x1  }
0xbf: {  	_ =	sfence.sel $0xFFFF  }
0xc0: {  	[dreg:$0x0] =	wrdreg $0xFFFFFFFF;
	(pc) =	sbr.abs _section_cstart, $3  }
0xc1: {  	[dreg:$0x1] =	wrdreg $0xFFFFFFFF  }
0xc2: {  	_ =	task.clear_ibuf [dreg:s7], $0x2FFFF;
	_ =	strace $0x9FFFFFFF  }
0xc3: {  	(tm) =	ssettm $0x7FFFFFFF  }
tec
execute0_lowered:
.L_overlay_start_1:
0x0: {  	(tag) =	ssettag $0x1  }
0x1: {  	s0 =	rddreg [dreg:$0x0]  }
0x2: {  	s3 =	rddreg [dreg:$0x2]  }
0x3: {  	s1 =	srdreg.scid;
	s9 =	stileid.u32;
	s4 =	simm.s32 $0x0  }
0x4: {  	s14 =	simm.s32 $0x6;
	s15 =	simm.s32 $0x5;
	s16 =	simm.s32 $0xFA  }
0x5: {  	s17 =	simm.s32 $0x5000;
	s19 =	simm.s32 $0x8E80;
	s20 =	simm.s32 $0x200  }
0x6: {  	s21 =	simm.s32 $0xCD00;
	s22 =	simm.s32 $0x300;
	s23 =	simm.s32 $0x10B80  }
0x7: {  	s24 =	simm.s32 $0x1;
	s25 =	simm.s32 $0x2;
	s26 =	simm.s32 $0x3  }
0x8: {  	s28 =	simm.s32 $0x4;
	s29 =	simm.s32 $0x4C00;
	s30 =	simm.s32 $0x4D00  }
0x9: {  	s31 =	simm.s32 $0x4E00;
	s1 =	sand.u32 $0x1, s1;
	s7 =	smul.u32 $0x9E00, s9  }
0xa: {  	[smem:$0x7FF] =	sst s4;
	s5 =	sadd.s32 $0x15800, s0;
	s2 =	sshll.u32 s1, $0x4  }
0xb: {  	s6 =	smul.u32 $0x9E000, s1;
	_ =	strace $0x8000004A;
	s1 =	ssub.s32 $0x2, s1  }
0xc: {  	s2 =	sor.u32 s9, s2;
	s8 =	sshrl.u32 s1, $0x1;
	s12 =	sadd.s32 s7, s3  }
0xd: {  	s2 =	smul.u32 $0x500, s2;
	s6 =	sadd.s32 s7, s6;
	s1 =	ssub.s32 s1, s8  }
0xe: {  	s12 =	sshrl.u32 s12, $0x3;
	s6 =	sshrl.u32 s6, $0x3;
	s11 =	smax.u32 s1, $0x1  }
0xf: {  	s2 =	sadd.s32 s2, s0;
	s0 =	sadd.s32 s6, s0;
	s6 =	sshll.u32 s9, $0x6  }
0x10: {  	s1 =	simm.s32 $0x0;
	s7 =	sor.u32 $0x1C05, s6;
	s8 =	sadd.s32 $0x1800, s2  }
0x11: {  	s9 =	sadd.s32 $0xB800, s2;
	s10 =	sadd.s32 $0x29200, s0;
	s0 =	simm.s32 $0x4F00  }
.LBB2_1:
0x12: {  	s2 =	rddreg [dreg:$0x1];
	s18 =	simm.s32 $0x2800  }
0x13: {  	[spmem:s12], [sflag:s7] =	dma.local [hbm:s2], $0x13C0  }
0x14: {  	[tilespmem:s18], [sflag:$0x6] =	stream.linear.gather [hbm4b:s8+s4], $0x2800, $0x38;
	[tilespmem:$0x1E800] =	vst v63  }
0x15: {  	_ =	swait.ge [sflag:s14], $0x2800  }
0x16: {  	[sflag:s14] =	ssyncset.done $0x0  }
0x17: {  	[sflag:s14] =	ssyncadd.s32 $0xFFFFD800  }
0x18: {  	[tilespmem:s4], [sflag:$0x6] =	stream.linear.gather [hbm4b:s9+s4], $0x2800, $0x38;
	[tilespmem:$0x1E800] =	vst v63  }
0x19: {  	_ =	swait.ge [sflag:s14], $0x2800  }
0x1a: {  	[sflag:s14] =	ssyncset.done $0x0  }
0x1b: {  	[sflag:s14] =	ssyncadd.s32 $0xFFFFD800  }
0x1c: {  	_ =	swait.ge [sflag:s15], $0x13C0  }
0x1d: {  	[sflag:s15] =	ssyncset.done $0x0  }
0x1e: {  	[sflag:s15] =	ssyncadd.s32 $0xFFFFEC40  }
0x1f: {  	[bflag:$0x0] =	sbarrier.arrive $0xFFFF  }
0x20: {  	[tilespmem:s17], [sflag:$0x1] =	stream.indirect.gather [hbm4b:s5+s16], $0x40, s4, s16, $0xb8;
	[tilespmem:$0x1E800] =	vst v63  }
0x21: {  	s13 =	simm.s32 $0x100  }
0x22: {  	[tilespmem:s19], [sflag:$0x2] =	stream.indirect.gather [hbm4b:s5+s16], $0x40, s13, s16, $0xb8;
	[tilespmem:$0x1E800] =	vst v63  }
0x23: {  	_ = 	snop  }
0x24: {  	[tilespmem:s21], [sflag:$0x3] =	stream.indirect.gather [hbm4b:s5+s16], $0x40, s20, s16, $0xb8;
	[tilespmem:$0x1E800] =	vst v63  }
0x25: {  	_ = 	snop  }
0x26: {  	[tilespmem:s23], [sflag:$0x4] =	stream.indirect.gather [hbm4b:s5+s16], $0x40, s22, s16, $0xb8;
	[tilespmem:$0x1E800] =	vst v63  }
0x27: {  	_ =	swait.ge [sflag:s24], $0x3E80  }
0x28: {  	[sflag:s24] =	ssyncset.done $0x0  }
0x29: {  	s18 =	simm.s32 $0x2800;
	[sflag:s24] =	ssyncadd.s32 $0xFFFFC180  }
0x2a: {  	[spmem:s3] =	stream.indirect.scatter.add.f32 [tilespmem:s17], [sflag:$0x6], $0x40, s18, s16, $0xb8;
	[tilespmem:$0x1E800] =	vst v63  }
0x2b: {  	_ =	swait.ge [sflag:s14], $0x3E80  }
0x2c: {  	[sflag:s14] =	ssyncset.done $0x0  }
0x2d: {  	s13 =	simm.s32 $0x400;
	[sflag:s14] =	ssyncadd.s32 $0xFFFFC180  }
0x2e: {  	[tilespmem:s17], [sflag:$0x1] =	stream.indirect.gather [hbm4b:s5+s16], $0x40, s13, s16, $0xb8;
	[tilespmem:$0x1E800] =	vst v63  }
0x2f: {  	_ =	swait.ge [sflag:s25], $0x3E80  }
0x30: {  	[sflag:s25] =	ssyncset.done $0x0  }
0x31: {  	s18 =	simm.s32 $0x2900;
	[sflag:s25] =	ssyncadd.s32 $0xFFFFC180  }
0x32: {  	[spmem:s3] =	stream.indirect.scatter.add.f32 [tilespmem:s19], [sflag:$0x6], $0x40, s18, s16, $0xb8;
	[tilespmem:$0x1E800] =	vst v63  }
0x33: {  	_ =	swait.ge [sflag:s14], $0x3E80  }
0x34: {  	[sflag:s14] =	ssyncset.done $0x0  }
0x35: {  	s13 =	simm.s32 $0x500;
	[sflag:s14] =	ssyncadd.s32 $0xFFFFC180  }
0x36: {  	[tilespmem:s19], [sflag:$0x2] =	stream.indirect.gather [hbm4b:s5+s16], $0x40, s13, s16, $0xb8;
	[tilespmem:$0x1E800] =	vst v63  }
0x37: {  	_ =	swait.ge [sflag:s26], $0x3E80  }
0x38: {  	[sflag:s26] =	ssyncset.done $0x0  }
0x39: {  	s18 =	simm.s32 $0x2A00;
	[sflag:s26] =	ssyncadd.s32 $0xFFFFC180  }
0x3a: {  	[spmem:s3] =	stream.indirect.scatter.add.f32 [tilespmem:s21], [sflag:$0x6], $0x40, s18, s16, $0xb8;
	[tilespmem:$0x1E800] =	vst v63  }
0x3b: {  	_ =	swait.ge [sflag:s14], $0x3E80  }
0x3c: {  	[sflag:s14] =	ssyncset.done $0x0  }
0x3d: {  	s13 =	simm.s32 $0x600;
	[sflag:s14] =	ssyncadd.s32 $0xFFFFC180  }
0x3e: {  	[tilespmem:s21], [sflag:$0x3] =	stream.indirect.gather [hbm4b:s5+s16], $0x40, s13, s16, $0xb8;
	[tilespmem:$0x1E800] =	vst v63  }
0x3f: {  	_ =	swait.ge [sflag:s28], $0x3E80  }
0x40: {  	[sflag:s28] =	ssyncset.done $0x0  }
0x41: {  	s18 =	simm.s32 $0x2B00;
	[sflag:s28] =	ssyncadd.s32 $0xFFFFC180  }
0x42: {  	[spmem:s3] =	stream.indirect.scatter.add.f32 [tilespmem:s23], [sflag:$0x6], $0x40, s18, s16, $0xb8;
	[tilespmem:$0x1E800] =	vst v63  }
0x43: {  	_ =	swait.ge [sflag:s14], $0x3E80  }
0x44: {  	[sflag:s14] =	ssyncset.done $0x0  }
0x45: {  	s2 =	simm.s32 $0x1000;
	s13 =	simm.s32 $0x700;
	[sflag:s14] =	ssyncadd.s32 $0xFFFFC180  }
.LBB2_2:
0x46: {  	[tilespmem:s23], [sflag:$0x4] =	stream.indirect.gather [hbm4b:s5+s16], $0x40, s13, s16, $0xb8;
	[tilespmem:$0x1E800] =	vst v63  }
0x47: {  	s13 =	smov.u32 s2  }
0x48: {  	p0 =	sne.s32 s2, $0x8000;
	s2 =	sadd.s32 $0x1000, s2;
	_ =	swait.ge [sflag:s24], $0x3E80  }
0x49: {  	s13 =	sshra.s32 s13, $0x2;
	[sflag:s24] =	ssyncset.done $0x0  }
0x4a: {  	s18 =	sadd.s32 $0x2800, s13;
	[sflag:s24] =	ssyncadd.s32 $0xFFFFC180  }
0x4b: {  	[spmem:s3] =	stream.indirect.scatter.add.f32 [tilespmem:s17], [sflag:$0x6], $0x40, s18, s16, $0xb8;
	[tilespmem:$0x1E800] =	vst v63  }
0x4c: {  	_ =	swait.ge [sflag:s14], $0x3E80  }
0x4d: {  	[sflag:s14] =	ssyncset.done $0x0  }
0x4e: {  	s18 =	sadd.s32 $0x400, s13;
	[sflag:s14] =	ssyncadd.s32 $0xFFFFC180  }
0x4f: {  	[tilespmem:s17], [sflag:$0x1] =	stream.indirect.gather [hbm4b:s5+s16], $0x40, s18, s16, $0xb8;
	[tilespmem:$0x1E800] =	vst v63  }
0x50: {  	_ =	swait.ge [sflag:s25], $0x3E80  }
0x51: {  	[sflag:s25] =	ssyncset.done $0x0  }
0x52: {  	s18 =	sadd.s32 $0x2900, s13;
	[sflag:s25] =	ssyncadd.s32 $0xFFFFC180  }
0x53: {  	[spmem:s3] =	stream.indirect.scatter.add.f32 [tilespmem:s19], [sflag:$0x6], $0x40, s18, s16, $0xb8;
	[tilespmem:$0x1E800] =	vst v63  }
0x54: {  	_ =	swait.ge [sflag:s14], $0x3E80  }
0x55: {  	[sflag:s14] =	ssyncset.done $0x0  }
0x56: {  	s18 =	sadd.s32 $0x500, s13;
	[sflag:s14] =	ssyncadd.s32 $0xFFFFC180  }
0x57: {  	[tilespmem:s19], [sflag:$0x2] =	stream.indirect.gather [hbm4b:s5+s16], $0x40, s18, s16, $0xb8;
	[tilespmem:$0x1E800] =	vst v63  }
0x58: {  	_ =	swait.ge [sflag:s26], $0x3E80  }
0x59: {  	[sflag:s26] =	ssyncset.done $0x0  }
0x5a: {  	s18 =	sadd.s32 $0x2A00, s13;
	[sflag:s26] =	ssyncadd.s32 $0xFFFFC180  }
0x5b: {  	[spmem:s3] =	stream.indirect.scatter.add.f32 [tilespmem:s21], [sflag:$0x6], $0x40, s18, s16, $0xb8;
	[tilespmem:$0x1E800] =	vst v63  }
0x5c: {  	_ =	swait.ge [sflag:s14], $0x3E80  }
0x5d: {  	[sflag:s14] =	ssyncset.done $0x0  }
0x5e: {  	s18 =	sadd.s32 $0x600, s13;
	[sflag:s14] =	ssyncadd.s32 $0xFFFFC180  }
0x5f: {  	[tilespmem:s21], [sflag:$0x3] =	stream.indirect.gather [hbm4b:s5+s16], $0x40, s18, s16, $0xb8;
	[tilespmem:$0x1E800] =	vst v63  }
0x60: {  	_ =	swait.ge [sflag:s28], $0x3E80  }
0x61: {  	[sflag:s28] =	ssyncset.done $0x0  }
.Ltmp0:
0x62: {  	s18 =	sadd.s32 $0x2B00, s13;
	[sflag:s28] =	ssyncadd.s32 $0xFFFFC180;
	(pc) =	sbr.rel @p0 .LBB2_2-.Ltmp0, $4  }
0x63: {  	[spmem:s3] =	stream.indirect.scatter.add.f32 [tilespmem:s23], [sflag:$0x6], $0x40, s18, s16, $0xb8;
	[tilespmem:$0x1E800] =	vst v63  }
0x64: {  	_ =	swait.ge [sflag:s14], $0x3E80  }
0x65: {  	[sflag:s14] =	ssyncset.done $0x0  }
0x66: {  	s13 =	sadd.s32 $0x700, s13;
	[sflag:s14] =	ssyncadd.s32 $0xFFFFC180  }
0x67: {  	[tilespmem:s23], [sflag:$0x4] =	stream.indirect.gather [hbm4b:s5+s16], $0x40, s13, s16, $0xb8;
	[tilespmem:$0x1E800] =	vst v63  }
0x68: {  	_ =	swait.ge [sflag:s24], $0x3E80  }
0x69: {  	[sflag:s24] =	ssyncset.done $0x0  }
0x6a: {  	[sflag:s24] =	ssyncadd.s32 $0xFFFFC180  }
0x6b: {  	[spmem:s3] =	stream.indirect.scatter.add.f32 [tilespmem:s17], [sflag:$0x6], $0x40, s29, s16, $0xb8;
	[tilespmem:$0x1E800] =	vst v63  }
0x6c: {  	_ =	swait.ge [sflag:s14], $0x3E80  }
0x6d: {  	[sflag:s14] =	ssyncset.done $0x0  }
0x6e: {  	[sflag:s14] =	ssyncadd.s32 $0xFFFFC180  }
0x6f: {  	_ =	swait.ge [sflag:s25], $0x3E80  }
0x70: {  	[sflag:s25] =	ssyncset.done $0x0  }
0x71: {  	[sflag:s25] =	ssyncadd.s32 $0xFFFFC180  }
0x72: {  	[spmem:s3] =	stream.indirect.scatter.add.f32 [tilespmem:s19], [sflag:$0x6], $0x40, s30, s16, $0xb8;
	[tilespmem:$0x1E800] =	vst v63  }
0x73: {  	_ =	swait.ge [sflag:s14], $0x3E80  }
0x74: {  	[sflag:s14] =	ssyncset.done $0x0  }
0x75: {  	[sflag:s14] =	ssyncadd.s32 $0xFFFFC180  }
0x76: {  	_ =	swait.ge [sflag:s26], $0x3E80  }
0x77: {  	[sflag:s26] =	ssyncset.done $0x0  }
0x78: {  	[sflag:s26] =	ssyncadd.s32 $0xFFFFC180  }
0x79: {  	[spmem:s3] =	stream.indirect.scatter.add.f32 [tilespmem:s21], [sflag:$0x6], $0x40, s31, s16, $0xb8;
	[tilespmem:$0x1E800] =	vst v63  }
0x7a: {  	_ =	swait.ge [sflag:s14], $0x3E80  }
0x7b: {  	[sflag:s14] =	ssyncset.done $0x0  }
0x7c: {  	[sflag:s14] =	ssyncadd.s32 $0xFFFFC180  }
0x7d: {  	_ =	swait.ge [sflag:s28], $0x3E80  }
0x7e: {  	[sflag:s28] =	ssyncset.done $0x0  }
0x7f: {  	[sflag:s28] =	ssyncadd.s32 $0xFFFFC180  }
0x80: {  	[spmem:s3] =	stream.indirect.scatter.add.f32 [tilespmem:s23], [sflag:$0x6], $0x40, s0, s16, $0xb8;
	[tilespmem:$0x1E800] =	vst v63  }
0x81: {  	_ =	swait.ge [sflag:s14], $0x3E80  }
0x82: {  	s1 =	sadd.s32 $0x1, s1;
	[sflag:s14] =	ssyncset.done $0x0  }
0x83: {  	p0 =	sne.s32 s1, s11;
	[sflag:s14] =	ssyncadd.s32 $0xFFFFC180  }
.Ltmp1:
0x84: {  	s2 =	sor.u32 $0x1C06, s6;
	[bflag:$0x0] =	sbarrier.arrive $0xFFFF;
	(pc) =	sbr.rel @p0 .LBB2_1-.Ltmp1, $4  }
0x85: {  	[hbm:s10], [sflag:s2] =	dma.local [spmem:s12], $0x13C0  }
0x86: {  	_ =	swait.ge [sflag:s14], $0x13C0  }
0x87: {  	[sflag:s14] =	ssyncset.done $0x0  }
0x88: {  	[sflag:s14] =	ssyncadd.s32 $0xFFFFEC40  }
0x89: {  	_ =	sfence.sel $0x180000  }
0x8a: {  	[bflag:$0x0] =	sbarrier.arrive $0xFFFF  }
0x8b: {  	_ =	strace $0x9000004A  }
0x8c: {  	s0 =	stileid.u32;
	[bflag:$0x2] =	sbarrier.arrive $0xFFFF  }
0x8d: {  	p0 =	sne.s32 s0, $0x0;
	s0 =	rddreg [dreg:$0x3]  }
0x8e: {  	s0 =	sadd.s32 @!p0 $0x100000, s0  }
0x8f: {  	[sflag:s0] =	ssyncadd.tile.s32 @!p0 $0x1;
	_ =	shalt  }
.Lfunc_end2:
_tile_overlayer_lowered:
.L_overlay_start_2:
0x90: {  	(tag) =	ssettag $0x2  }
0x91: {  	s0 =	rddreg [dreg:$0x0];
	s2 =	stileid.u32  }
0x92: {  	s1 =	rddreg [dreg:$0x1];
	p0 =	sne.s32 s2, $0x0  }
0x93: {  	s3 =	rddreg [dreg:$0x2];
	[bflag:$0x3] =	sbarrier.arrive $0xFFFF;
	s2 =	simm.s32 @!p0 $0x1C06  }
0x94: {  	[timem:s3], [sflag:s2] =	dma.local @!p0 [hbm:s0], s1  }
0x95: {  	s0 =	simm.s32 @!p0 $0x6  }
0x96: {  	_ =	swait.ge @!p0 [sflag:s0], s1  }
0x97: {  	s1 =	ssub.s32 @!p0 $0x0, s1;
	[sflag:s0] =	ssyncset.done @!p0 $0x0  }
0x98: {  	[sflag:s0] =	ssyncadd.s32 @!p0 s1  }
0x99: {  	[bflag:$0x3] =	sbarrier.arrive $0xFFFF  }
0x9a: {  	_ =	shalt  }

// kernel: kernel.15.cloned.1.call-start
scs
__scs_entry_jumppad:
0x0: {  	(pc) =	sbr.rel $0x88, $3  }
0x1: {  	(tag) =	ssettag $0x0;
	lr =	simm.s32 $0x1  }
0x2: {  	[smem:$0x3F99] =	sst lr;
	_ =	strace $0xD0000000  }
0x3: {  	_ = 	snop  }
0x4: {  	_ = 	snop  }
0x5: {  	_ = 	snop  }
0x6: {  	_ = 	snop  }
0x7: {  	_ = 	snop  }
__scs_overlays_trampoline_lowered:
0x8: {  	[smem:$0x3FA8] =	sst s0  }
0x9: {  	[smem:$0x3FA9] =	sst s1  }
0xa: {  	[smem:$0x3FAA] =	sst s2  }
0xb: {  	[smem:$0x3FAB] =	sst s3  }
0xc: {  	[smem:$0x3FAC] =	sst s4  }
0xd: {  	[smem:$0x3FAD] =	sst s5  }
0xe: {  	[smem:$0x3FAE] =	sst s6  }
0xf: {  	[smem:$0x3FAF] =	sst s7  }
0x10: {  	[smem:$0x3FB0] =	sst s8  }
0x11: {  	[smem:$0x3FB1] =	sst s9;
	s0 =	simm.s32 @!p0 $0x0  }
0x12: {  	s1 =	sld [smem:$0x3F97];
	s0 =	simm.s32 @p0 $0x1  }
0x13: {  	[smem:$0x3FB2] =	sst s0;
	s0 =	simm.s32 @!p1 $0x0  }
0x14: {  	s2 =	sld [smem:$0x3F96];
	s0 =	simm.s32 @p1 $0x1  }
0x15: {  	[smem:$0x3FB3] =	sst s0;
	s0 =	simm.s32 @!p2 $0x0  }
0x16: {  	s3 =	sld [smem:$0x3FDB];
	s0 =	simm.s32 @p2 $0x1  }
0x17: {  	s4 =	simm.s32 $0x1BF5;
	[smem:$0x3FB5] =	sst s0  }
0x18: {  	s0 =	sld [smem:$0x3F98];
	_ =	swait.ge [sflag:s4], $0x0  }
0x19: {  	s7 =	sld [smem:$0x3F99]  }
0x1a: {  	s8 =	sadd.s32 $0xFFFFE003, lr  }
0x1b: {  	s9 =	sadd.s32 $0xFFFFFEF7, lr;
	s5 =	simm.s32 $0xFFFFFFFF;
	p2 =	slt.u32 s8, $0xFFFFF086  }
0x1c: {  	p1 =	slt.u32 s9, $0xF7A;
	s5 =	simm.s32 @!p2 $0x0  }
0x1d: {  	s5 =	simm.s32 @p1 $0x1;
	p0 =	seq.s32 s7, s2  }
0x1e: {  	s7 =	smul.u32 @!p0 $0xF7A, s2;
	p2 =	seq.s32 @!p0 s5, $0x0  }
0x1f: {  	s9 =	smul.u32 $0xF7A, s1;
	s8 =	simm.s32 @!p0 $0x1BF5;
	p2 =	por !p2, p0  }
0x20: {  	[sflag:s8] =	ssyncset.s32 @!p0 $0xFFFFF086;
	s6 =	sadd.s32 @!p0 s3, s7;
	s7 =	simm.s32 @!p0 $0x108  }
0x21: {  	s3 =	sadd.s32 s3, s9;
	s6 =	sadd.s32 @!p0 $0x88, s6;
	s7 =	simm.s32 @p2 $0x1082  }
0x22: {  	[simem:s7], [sflag:s8] =	dma.local @!p0 [hbm:s6], $0xF7A  }
0x23: {  	s9 =	sor.u32 $0xD0000000, s2;
	s6 =	simm.s32 $0x108;
	_ =	swait.ge @!p0 [sflag:s8], $0x0  }
0x24: {  	s3 =	sadd.s32 $0x88, s3;
	s6 =	simm.s32 @!p1 $0x1082;
	[sflag:s4] =	ssyncset.s32 $0xFFFFF086  }
0x25: {  	[simem:s6], [sflag:s4] =	dma.local [hbm:s3], $0xF7A  }
0x26: {  	[smem:$0x3F99] =	sst s1;
	(tag) =	ssettag s2;
	_ =	strace s9  }
0x27: {  	s1 =	sld [smem:$0x3FA9]  }
0x28: {  	s2 =	sld [smem:$0x3FAA]  }
0x29: {  	s4 =	sld [smem:$0x3FAC]  }
0x2a: {  	p0 =	seq.s32 s5, $0x0;
	s5 =	sld [smem:$0x3FAD]  }
0x2b: {  	s6 =	sld [smem:$0x3FAE]  }
0x2c: {  	s7 =	sld [smem:$0x3FAF]  }
0x2d: {  	s3 =	simm.s32 $0x108;
	s8 =	sld [smem:$0x3FB0]  }
0x2e: {  	s3 =	simm.s32 @!p0 $0x1082;
	s9 =	sld [smem:$0x3FB1]  }
0x2f: {  	lr =	sadd.s32 s0, s3;
	s0 =	sld [smem:$0x3FA8]  }
0x30: {  	s3 =	sld [smem:$0x3FAB]  }
0x31: {  	[smem:$0x3FB4] =	sst s10  }
0x32: {  	s10 =	sld [smem:$0x3FB2];
	_ =	sdelay $0x3  }
0x33: {  	p0 =	seq.s32 s10, $0x1;
	s10 =	sld [smem:$0x3FB4];
	_ =	sdelay $0x3  }
0x34: {  	[smem:$0x3FB4] =	sst s10  }
0x35: {  	s10 =	sld [smem:$0x3FB3];
	_ =	sdelay $0x3  }
0x36: {  	p1 =	seq.s32 s10, $0x1;
	s10 =	sld [smem:$0x3FB4];
	_ =	sdelay $0x3  }
0x37: {  	[smem:$0x3FB4] =	sst s10  }
0x38: {  	s10 =	sld [smem:$0x3FB5]  }
0x39: {  	_ = 	snop;
	(pc) =	sbr.ind lr, $3  }
0x3a: {  	_ = 	snop  }
0x3b: {  	_ = 	snop  }
0x3c: {  	p2 =	seq.s32 s10, $0x1;
	s10 =	sld [smem:$0x3FB4]  }
0x3d: {  	_ =	shalt  }
0x3e: {  	_ =	shalt  }
0x3f: {  	_ =	shalt  }
0x40: {  	_ =	shalt  }
0x41: {  	_ =	shalt  }
0x42: {  	_ =	shalt  }
0x43: {  	_ =	shalt  }
0x44: {  	_ =	shalt  }
0x45: {  	_ =	shalt  }
0x46: {  	_ =	shalt  }
0x47: {  	_ =	shalt  }
0x48: {  	_ =	shalt  }
0x49: {  	_ =	shalt  }
0x4a: {  	_ =	shalt  }
0x4b: {  	_ =	shalt  }
0x4c: {  	_ =	shalt  }
0x4d: {  	_ =	shalt  }
0x4e: {  	_ =	shalt  }
0x4f: {  	_ =	shalt  }
0x50: {  	_ =	shalt  }
0x51: {  	_ =	shalt  }
0x52: {  	_ =	shalt  }
0x53: {  	_ =	shalt  }
0x54: {  	_ =	shalt  }
0x55: {  	_ =	shalt  }
0x56: {  	_ =	shalt  }
0x57: {  	_ =	shalt  }
0x58: {  	_ =	shalt  }
0x59: {  	_ =	shalt  }
0x5a: {  	_ =	shalt  }
0x5b: {  	_ =	shalt  }
0x5c: {  	_ =	shalt  }
0x5d: {  	_ =	shalt  }
0x5e: {  	_ =	shalt  }
0x5f: {  	_ =	shalt  }
0x60: {  	_ =	shalt  }
0x61: {  	_ =	shalt  }
0x62: {  	_ =	shalt  }
0x63: {  	_ =	shalt  }
0x64: {  	_ =	shalt  }
0x65: {  	_ =	shalt  }
0x66: {  	_ =	shalt  }
0x67: {  	_ =	shalt  }
0x68: {  	_ =	shalt  }
0x69: {  	_ =	shalt  }
0x6a: {  	_ =	shalt  }
0x6b: {  	_ =	shalt  }
0x6c: {  	_ =	shalt  }
0x6d: {  	_ =	shalt  }
0x6e: {  	_ =	shalt  }
0x6f: {  	_ =	shalt  }
0x70: {  	_ =	shalt  }
0x71: {  	_ =	shalt  }
0x72: {  	_ =	shalt  }
0x73: {  	_ =	shalt  }
0x74: {  	_ =	shalt  }
0x75: {  	_ =	shalt  }
0x76: {  	_ =	shalt  }
0x77: {  	_ =	shalt  }
0x78: {  	_ =	shalt  }
0x79: {  	_ =	shalt  }
0x7a: {  	_ =	shalt  }
0x7b: {  	_ =	shalt  }
0x7c: {  	_ =	shalt  }
0x7d: {  	_ =	shalt  }
0x7e: {  	_ =	shalt  }
0x7f: {  	_ =	shalt  }
0x80: {  	_ =	shalt  }
0x81: {  	_ =	shalt  }
0x82: {  	_ =	shalt  }
0x83: {  	_ =	shalt  }
0x84: {  	_ =	shalt  }
0x85: {  	_ =	shalt  }
0x86: {  	_ =	shalt  }
0x87: {  	_ =	shalt  }
.Lfunc_end0:
.L_simem_size_0:
called_computation.2_lowered:
.L_overlay_start_0:
0x88: {  	s2 =	sld [smem:$0x3FD9]  }
0x89: {  	s3 =	sld [smem:$0x3FFE];
	_ =	sdelay $0x1  }
0x8a: {  	s1 =	srdreg.scid  }
0x8b: {  	s0 =	sand.u32 $0x1, s1  }
0x8c: {  	s17 =	sshll.u32 s0, $0xA;
	s2 =	sadd.s32 s3, s2  }
0x8d: {  	s2 =	sadd.s32 s2, s17  }
0x8e: {  	[smem:$0x3FC0] =	sst s2  }
0x8f: {  	_ = 	snop  }
0x90: {  	s2 =	sld [smem:$0x3FD0];
	(tm) =	ssettm $0x1  }
0x91: {  	s18 =	sld [smem:$0x3FFB];
	_ =	sdelay $0x3  }
0x92: {  	_ =	strace s18  }
0x93: {  	s3 =	sld [smem:$0x3FFC];
	_ =	sdelay $0x3  }
0x94: {  	_ =	strace s3  }
0x95: {  	s3 =	sld [smem:$0x3FFD];
	_ =	sdelay $0x3  }
0x96: {  	_ =	strace s3  }
0x97: {  	_ =	strace $0x8FFFFFFF  }
0x98: {  	s19 =	sld [smem:$0x3FDB];
	_ =	sdelay $0x1  }
0x99: {  	s4 =	simm.s32 $_scs_section_size  }
0x9a: {  	s5 =	simm.s32 $_size__tile_overlayer_lowered;
	s6 =	simm.s32 $_tile_overlayer_lowered  }
0x9b: {  	s22 =	simm.s32 $0x1BFF;
	s21 =	sshll.u32 s6, $0x1;
	s3 =	sadd.s32 s4, s19  }
0x9c: {  	s7 =	simm.s32 $0x0;
	s20 =	sshll.u32 s5, $0x1;
	s5 =	sadd.s32 s21, s3  }
0x9d: {  	[timem:s7], [sflag:s22] =	dma.local [hbm:s5], s20  }
0x9e: {  	_ =	swait.ge [sflag:s22], s20  }
0x9f: {  	s4 =	ssub.s32 $0x0, s20;
	[sflag:s22] =	ssyncset.done $0x0  }
0xa0: {  	[sflag:s22] =	ssyncadd.s32 s4;
	_ =	sdelay $0x1  }
0xa1: {  	s23 =	simm.s32 $0x1B8B  }
0xa2: {  	_ =	swait.ge [sflag:s23], $0x1  }
0xa3: {  	[sflag:s23] =	ssyncset.done $0x0  }
0xa4: {  	s25 =	simm.s32 $0x1B8E;
	s24 =	sld [smem:$0x3FFE];
	[sflag:s23] =	ssyncadd.s32 $0xFFFFFFFF  }
0xa5: {  	s26 =	simm.s32 $execute0_lowered;
	[smem:$0x3FD2] =	sst s25  }
0xa6: {  	s5 =	sshll.u32 s26, $0x1;
	_ =	strace $0x8000004C;
	[dreg:$0x1] =	wrdreg $0xFFFFFFFF  }
0xa7: {  	s28 =	simm.s32 $_size_execute0_lowered;
	s3 =	sadd.s32 s3, s5;
	[dreg:$0x0] =	wrdreg $0x0  }
0xa8: {  	s5 =	sshll.u32 s28, $0x1;
	[dreg:$0x2] =	wrdreg s3  }
0xa9: {  	[dreg:$0x3] =	wrdreg s5  }
0xaa: {  	[dreg:$0x4] =	wrdreg $0xC0  }
0xab: {  	_ =	task [dreg:s7], $0x5FFFF  }
0xac: {  	[dreg:$0x1] =	wrdreg $0xFFFFFFFF  }
0xad: {  	[dreg:$0x0] =	wrdreg $0x60  }
0xae: {  	[dreg:$0x2] =	wrdreg s2  }
0xaf: {  	[dreg:$0x3] =	wrdreg s24  }
0xb0: {  	[dreg:$0x4] =	wrdreg $0xCD000  }
0xb1: {  	[dreg:$0x5] =	wrdreg $0x9  }
0xb2: {  	_ =	task.clear_ibuf [dreg:s7], $0x6FFFF;
	_ =	strace $0x9000004C  }
0xb3: {  	s29 =	simm.s32 $0x9;
	_ =	strace $0x8000004E  }
0xb4: {  	_ =	swait.ge [sflag:s29], $0x1  }
0xb5: {  	[sflag:s29] =	ssyncadd.s32 $0xFFFFFFFF  }
0xb6: {  	_ =	strace $0x9000004E  }
0xb7: {  	_ =	sfence  }
0xb8: {  	s30 =	sld [smem:$0x0];
	_ =	sdelay $0x2  }
0xb9: {  	s31 =	sshll.u32 s1, $0xD;
	s1 =	sshrl.u32 s1, $0x2  }
0xba: {  	s3 =	sand.u32 $0x4000, s31;
	s1 =	sadd.s32 s1, s30  }
0xbb: {  	s0 =	sor.u32 s3, s0;
	s1 =	sshll.u32 s1, $0x11  }
0xbc: {  	s0 =	sor.u32 s1, s0  }
0xbd: {  	s0 =	sadd.s32 $0x8F2B, s0  }
0xbe: {  	[sflag:s0] =	ssyncadd.remote.s32 $0x1  }
0xbf: {  	_ =	sfence.sel $0xFFFF  }
0xc0: {  	[dreg:$0x0] =	wrdreg $0xFFFFFFFF;
	(pc) =	sbr.abs _section_cstart, $3  }
0xc1: {  	[dreg:$0x1] =	wrdreg $0xFFFFFFFF  }
0xc2: {  	_ =	task.clear_ibuf [dreg:s7], $0x2FFFF;
	_ =	strace $0x9FFFFFFF  }
0xc3: {  	(tm) =	ssettm $0x7FFFFFFF  }
tec
execute0_lowered:
.L_overlay_start_1:
0x0: {  	(tag) =	ssettag $0x1  }
0x1: {  	s1 =	rddreg [dreg:$0x0]  }
0x2: {  	s0 =	srdreg.scid;
	s6 =	rddreg [dreg:$0x1]  }
0x3: {  	s11 =	stileid.u32;
	s3 =	rddreg [dreg:$0x2]  }
0x4: {  	s4 =	simm.s32 $0x0;
	s14 =	simm.s32 $0x6;
	s15 =	simm.s32 $0x5  }
0x5: {  	s16 =	simm.s32 $0xFA;
	s17 =	simm.s32 $0x5000;
	s19 =	simm.s32 $0x6F40  }
0x6: {  	s21 =	simm.s32 $0x8E80;
	s22 =	simm.s32 $0x300;
	s23 =	simm.s32 $0xADC0  }
0x7: {  	s24 =	simm.s32 $0x1;
	s25 =	simm.s32 $0x2;
	s26 =	simm.s32 $0x3  }
0x8: {  	s28 =	simm.s32 $0x4;
	s29 =	simm.s32 $0x4C00;
	s30 =	simm.s32 $0x4D00  }
0x9: {  	s31 =	simm.s32 $0x4E00;
	s0 =	sand.u32 $0x1, s0;
	s7 =	smul.u32 $0x4F00, s11  }
0xa: {  	[smem:$0x7FF] =	sst s4;
	s2 =	sshll.u32 s0, $0x4;
	s5 =	smul.u32 $0x4F000, s0  }
0xb: {  	_ =	strace $0x8000004D;
	s0 =	ssub.s32 $0x2, s0;
	s2 =	sor.u32 s11, s2  }
0xc: {  	s9 =	sshrl.u32 s0, $0x1;
	s12 =	sadd.s32 s7, s3;
	s2 =	smul.u32 $0x500, s2  }
0xd: {  	s8 =	sadd.s32 s7, s5;
	s5 =	sadd.s32 $0x15800, s6;
	s0 =	ssub.s32 s0, s9  }
0xe: {  	s12 =	sshrl.u32 s12, $0x3;
	s8 =	sshrl.u32 s8, $0x3;
	s2 =	sadd.s32 s2, s6  }
0xf: {  	s10 =	sadd.s32 s8, s6;
	s6 =	sshll.u32 s11, $0x6;
	s11 =	smax.u32 s0, $0x1  }
0x10: {  	s0 =	simm.s32 $0x0;
	s7 =	sor.u32 $0x1C05, s6;
	s8 =	sadd.s32 $0x1800, s2  }
0x11: {  	s9 =	sadd.s32 $0xB800, s2;
	s10 =	sadd.s32 $0x16200, s10;
	s2 =	simm.s32 $0x4F00  }
.LBB2_1:
0x12: {  	[spmem:s12], [sflag:s7] =	dma.local [hbm:s5], $0x9E0  }
0x13: {  	s13 =	simm.s32 $0x2800  }
0x14: {  	[tilespmem:s13], [sflag:$0x6] =	stream.linear.gather [hbm4b:s8+s4], $0x2800, $0x38;
	[tilespmem:$0x11C00] =	vst v63  }
0x15: {  	_ =	swait.ge [sflag:s14], $0x2800  }
0x16: {  	[sflag:s14] =	ssyncset.done $0x0  }
0x17: {  	[sflag:s14] =	ssyncadd.s32 $0xFFFFD800  }
0x18: {  	[tilespmem:s4], [sflag:$0x6] =	stream.linear.gather [hbm4b:s9+s4], $0x2800, $0x38;
	[tilespmem:$0x11C00] =	vst v63  }
0x19: {  	_ =	swait.ge [sflag:s14], $0x2800  }
0x1a: {  	[sflag:s14] =	ssyncset.done $0x0  }
0x1b: {  	[sflag:s14] =	ssyncadd.s32 $0xFFFFD800  }
0x1c: {  	_ =	swait.ge [sflag:s15], $0x9E0  }
0x1d: {  	[sflag:s15] =	ssyncset.done $0x0  }
0x1e: {  	[sflag:s15] =	ssyncadd.s32 $0xFFFFF620  }
0x1f: {  	[bflag:$0x0] =	sbarrier.arrive $0xFFFF  }
0x20: {  	[tilespmem:s17], [sflag:$0x1] =	stream.indirect.gather [hbm4b:s1+s16], $0x20, s4, s16, $0xb8;
	[tilespmem:$0x11C00] =	vst v63  }
0x21: {  	s20 =	simm.s32 $0x100  }
0x22: {  	[tilespmem:s19], [sflag:$0x2] =	stream.indirect.gather [hbm4b:s1+s16], $0x20, s20, s16, $0xb8;
	[tilespmem:$0x11C00] =	vst v63  }
0x23: {  	s18 =	simm.s32 $0x200  }
0x24: {  	[tilespmem:s21], [sflag:$0x3] =	stream.indirect.gather [hbm4b:s1+s16], $0x20, s18, s16, $0xb8;
	[tilespmem:$0x11C00] =	vst v63  }
0x25: {  	_ = 	snop  }
0x26: {  	[tilespmem:s23], [sflag:$0x4] =	stream.indirect.gather [hbm4b:s1+s16], $0x20, s22, s16, $0xb8;
	[tilespmem:$0x11C00] =	vst v63  }
0x27: {  	_ =	swait.ge [sflag:s24], $0x1F40  }
0x28: {  	[sflag:s24] =	ssyncset.done $0x0  }
0x29: {  	s20 =	simm.s32 $0x2800;
	[sflag:s24] =	ssyncadd.s32 $0xFFFFE0C0  }
0x2a: {  	[spmem:s3] =	stream.indirect.scatter.add.f32 [tilespmem:s17], [sflag:$0x6], $0x20, s20, s16, $0xb8;
	[tilespmem:$0x11C00] =	vst v63  }
0x2b: {  	_ =	swait.ge [sflag:s14], $0x1F40  }
0x2c: {  	[sflag:s14] =	ssyncset.done $0x0  }
0x2d: {  	s18 =	simm.s32 $0x400;
	[sflag:s14] =	ssyncadd.s32 $0xFFFFE0C0  }
0x2e: {  	[tilespmem:s17], [sflag:$0x1] =	stream.indirect.gather [hbm4b:s1+s16], $0x20, s18, s16, $0xb8;
	[tilespmem:$0x11C00] =	vst v63  }
0x2f: {  	_ =	swait.ge [sflag:s25], $0x1F40  }
0x30: {  	[sflag:s25] =	ssyncset.done $0x0  }
0x31: {  	s20 =	simm.s32 $0x2900;
	[sflag:s25] =	ssyncadd.s32 $0xFFFFE0C0  }
0x32: {  	[spmem:s3] =	stream.indirect.scatter.add.f32 [tilespmem:s19], [sflag:$0x6], $0x20, s20, s16, $0xb8;
	[tilespmem:$0x11C00] =	vst v63  }
0x33: {  	_ =	swait.ge [sflag:s14], $0x1F40  }
0x34: {  	[sflag:s14] =	ssyncset.done $0x0  }
0x35: {  	s18 =	simm.s32 $0x500;
	[sflag:s14] =	ssyncadd.s32 $0xFFFFE0C0  }
0x36: {  	[tilespmem:s19], [sflag:$0x2] =	stream.indirect.gather [hbm4b:s1+s16], $0x20, s18, s16, $0xb8;
	[tilespmem:$0x11C00] =	vst v63  }
0x37: {  	_ =	swait.ge [sflag:s26], $0x1F40  }
0x38: {  	[sflag:s26] =	ssyncset.done $0x0  }
0x39: {  	s20 =	simm.s32 $0x2A00;
	[sflag:s26] =	ssyncadd.s32 $0xFFFFE0C0  }
0x3a: {  	[spmem:s3] =	stream.indirect.scatter.add.f32 [tilespmem:s21], [sflag:$0x6], $0x20, s20, s16, $0xb8;
	[tilespmem:$0x11C00] =	vst v63  }
0x3b: {  	_ =	swait.ge [sflag:s14], $0x1F40  }
0x3c: {  	[sflag:s14] =	ssyncset.done $0x0  }
0x3d: {  	s18 =	simm.s32 $0x600;
	[sflag:s14] =	ssyncadd.s32 $0xFFFFE0C0  }
0x3e: {  	[tilespmem:s21], [sflag:$0x3] =	stream.indirect.gather [hbm4b:s1+s16], $0x20, s18, s16, $0xb8;
	[tilespmem:$0x11C00] =	vst v63  }
0x3f: {  	_ =	swait.ge [sflag:s28], $0x1F40  }
0x40: {  	[sflag:s28] =	ssyncset.done $0x0  }
0x41: {  	s20 =	simm.s32 $0x2B00;
	[sflag:s28] =	ssyncadd.s32 $0xFFFFE0C0  }
0x42: {  	[spmem:s3] =	stream.indirect.scatter.add.f32 [tilespmem:s23], [sflag:$0x6], $0x20, s20, s16, $0xb8;
	[tilespmem:$0x11C00] =	vst v63  }
0x43: {  	_ =	swait.ge [sflag:s14], $0x1F40  }
0x44: {  	[sflag:s14] =	ssyncset.done $0x0  }
0x45: {  	s13 =	simm.s32 $0x1000;
	s18 =	simm.s32 $0x700;
	[sflag:s14] =	ssyncadd.s32 $0xFFFFE0C0  }
.LBB2_2:
0x46: {  	[tilespmem:s23], [sflag:$0x4] =	stream.indirect.gather [hbm4b:s1+s16], $0x20, s18, s16, $0xb8;
	[tilespmem:$0x11C00] =	vst v63  }
0x47: {  	s18 =	smov.u32 s13  }
0x48: {  	p0 =	sne.s32 s13, $0x8000;
	s13 =	sadd.s32 $0x1000, s13;
	_ =	swait.ge [sflag:s24], $0x1F40  }
0x49: {  	s18 =	sshra.s32 s18, $0x2;
	[sflag:s24] =	ssyncset.done $0x0  }
0x4a: {  	s20 =	sadd.s32 $0x2800, s18;
	[sflag:s24] =	ssyncadd.s32 $0xFFFFE0C0  }
0x4b: {  	[spmem:s3] =	stream.indirect.scatter.add.f32 [tilespmem:s17], [sflag:$0x6], $0x20, s20, s16, $0xb8;
	[tilespmem:$0x11C00] =	vst v63  }
0x4c: {  	_ =	swait.ge [sflag:s14], $0x1F40  }
0x4d: {  	[sflag:s14] =	ssyncset.done $0x0  }
0x4e: {  	s20 =	sadd.s32 $0x400, s18;
	[sflag:s14] =	ssyncadd.s32 $0xFFFFE0C0  }
0x4f: {  	[tilespmem:s17], [sflag:$0x1] =	stream.indirect.gather [hbm4b:s1+s16], $0x20, s20, s16, $0xb8;
	[tilespmem:$0x11C00] =	vst v63  }
0x50: {  	_ =	swait.ge [sflag:s25], $0x1F40  }
0x51: {  	[sflag:s25] =	ssyncset.done $0x0  }
0x52: {  	s20 =	sadd.s32 $0x2900, s18;
	[sflag:s25] =	ssyncadd.s32 $0xFFFFE0C0  }
0x53: {  	[spmem:s3] =	stream.indirect.scatter.add.f32 [tilespmem:s19], [sflag:$0x6], $0x20, s20, s16, $0xb8;
	[tilespmem:$0x11C00] =	vst v63  }
0x54: {  	_ =	swait.ge [sflag:s14], $0x1F40  }
0x55: {  	[sflag:s14] =	ssyncset.done $0x0  }
0x56: {  	s20 =	sadd.s32 $0x500, s18;
	[sflag:s14] =	ssyncadd.s32 $0xFFFFE0C0  }
0x57: {  	[tilespmem:s19], [sflag:$0x2] =	stream.indirect.gather [hbm4b:s1+s16], $0x20, s20, s16, $0xb8;
	[tilespmem:$0x11C00] =	vst v63  }
0x58: {  	_ =	swait.ge [sflag:s26], $0x1F40  }
0x59: {  	[sflag:s26] =	ssyncset.done $0x0  }
0x5a: {  	s20 =	sadd.s32 $0x2A00, s18;
	[sflag:s26] =	ssyncadd.s32 $0xFFFFE0C0  }
0x5b: {  	[spmem:s3] =	stream.indirect.scatter.add.f32 [tilespmem:s21], [sflag:$0x6], $0x20, s20, s16, $0xb8;
	[tilespmem:$0x11C00] =	vst v63  }
0x5c: {  	_ =	swait.ge [sflag:s14], $0x1F40  }
0x5d: {  	[sflag:s14] =	ssyncset.done $0x0  }
0x5e: {  	s20 =	sadd.s32 $0x600, s18;
	[sflag:s14] =	ssyncadd.s32 $0xFFFFE0C0  }
0x5f: {  	[tilespmem:s21], [sflag:$0x3] =	stream.indirect.gather [hbm4b:s1+s16], $0x20, s20, s16, $0xb8;
	[tilespmem:$0x11C00] =	vst v63  }
0x60: {  	_ =	swait.ge [sflag:s28], $0x1F40  }
0x61: {  	[sflag:s28] =	ssyncset.done $0x0  }
.Ltmp0:
0x62: {  	s20 =	sadd.s32 $0x2B00, s18;
	[sflag:s28] =	ssyncadd.s32 $0xFFFFE0C0;
	(pc) =	sbr.rel @p0 .LBB2_2-.Ltmp0, $4  }
0x63: {  	[spmem:s3] =	stream.indirect.scatter.add.f32 [tilespmem:s23], [sflag:$0x6], $0x20, s20, s16, $0xb8;
	[tilespmem:$0x11C00] =	vst v63  }
0x64: {  	_ =	swait.ge [sflag:s14], $0x1F40  }
0x65: {  	[sflag:s14] =	ssyncset.done $0x0  }
0x66: {  	s18 =	sadd.s32 $0x700, s18;
	[sflag:s14] =	ssyncadd.s32 $0xFFFFE0C0  }
0x67: {  	[tilespmem:s23], [sflag:$0x4] =	stream.indirect.gather [hbm4b:s1+s16], $0x20, s18, s16, $0xb8;
	[tilespmem:$0x11C00] =	vst v63  }
0x68: {  	_ =	swait.ge [sflag:s24], $0x1F40  }
0x69: {  	[sflag:s24] =	ssyncset.done $0x0  }
0x6a: {  	[sflag:s24] =	ssyncadd.s32 $0xFFFFE0C0  }
0x6b: {  	[spmem:s3] =	stream.indirect.scatter.add.f32 [tilespmem:s17], [sflag:$0x6], $0x20, s29, s16, $0xb8;
	[tilespmem:$0x11C00] =	vst v63  }
0x6c: {  	_ =	swait.ge [sflag:s14], $0x1F40  }
0x6d: {  	[sflag:s14] =	ssyncset.done $0x0  }
0x6e: {  	[sflag:s14] =	ssyncadd.s32 $0xFFFFE0C0  }
0x6f: {  	_ =	swait.ge [sflag:s25], $0x1F40  }
0x70: {  	[sflag:s25] =	ssyncset.done $0x0  }
0x71: {  	[sflag:s25] =	ssyncadd.s32 $0xFFFFE0C0  }
0x72: {  	[spmem:s3] =	stream.indirect.scatter.add.f32 [tilespmem:s19], [sflag:$0x6], $0x20, s30, s16, $0xb8;
	[tilespmem:$0x11C00] =	vst v63  }
0x73: {  	_ =	swait.ge [sflag:s14], $0x1F40  }
0x74: {  	[sflag:s14] =	ssyncset.done $0x0  }
0x75: {  	[sflag:s14] =	ssyncadd.s32 $0xFFFFE0C0  }
0x76: {  	_ =	swait.ge [sflag:s26], $0x1F40  }
0x77: {  	[sflag:s26] =	ssyncset.done $0x0  }
0x78: {  	[sflag:s26] =	ssyncadd.s32 $0xFFFFE0C0  }
0x79: {  	[spmem:s3] =	stream.indirect.scatter.add.f32 [tilespmem:s21], [sflag:$0x6], $0x20, s31, s16, $0xb8;
	[tilespmem:$0x11C00] =	vst v63  }
0x7a: {  	_ =	swait.ge [sflag:s14], $0x1F40  }
0x7b: {  	[sflag:s14] =	ssyncset.done $0x0  }
0x7c: {  	[sflag:s14] =	ssyncadd.s32 $0xFFFFE0C0  }
0x7d: {  	_ =	swait.ge [sflag:s28], $0x1F40  }
0x7e: {  	[sflag:s28] =	ssyncset.done $0x0  }
0x7f: {  	[sflag:s28] =	ssyncadd.s32 $0xFFFFE0C0  }
0x80: {  	[spmem:s3] =	stream.indirect.scatter.add.f32 [tilespmem:s23], [sflag:$0x6], $0x20, s2, s16, $0xb8;
	[tilespmem:$0x11C00] =	vst v63  }
0x81: {  	_ =	swait.ge [sflag:s14], $0x1F40  }
0x82: {  	s0 =	sadd.s32 $0x1, s0;
	[sflag:s14] =	ssyncset.done $0x0  }
0x83: {  	p0 =	sne.s32 s0, s11;
	[sflag:s14] =	ssyncadd.s32 $0xFFFFE0C0  }
.Ltmp1:
0x84: {  	s13 =	sor.u32 $0x1C06, s6;
	[bflag:$0x0] =	sbarrier.arrive $0xFFFF;
	(pc) =	sbr.rel @p0 .LBB2_1-.Ltmp1, $4  }
0x85: {  	[hbm:s10], [sflag:s13] =	dma.local [spmem:s12], $0x9E0  }
0x86: {  	_ =	swait.ge [sflag:s14], $0x9E0  }
0x87: {  	[sflag:s14] =	ssyncset.done $0x0  }
0x88: {  	[sflag:s14] =	ssyncadd.s32 $0xFFFFF620  }
0x89: {  	_ =	sfence.sel $0x180000  }
0x8a: {  	[bflag:$0x0] =	sbarrier.arrive $0xFFFF  }
0x8b: {  	_ =	strace $0x9000004D  }
0x8c: {  	s0 =	stileid.u32;
	[bflag:$0x2] =	sbarrier.arrive $0xFFFF  }
0x8d: {  	p0 =	sne.s32 s0, $0x0;
	s0 =	rddreg [dreg:$0x3]  }
0x8e: {  	s0 =	sadd.s32 @!p0 $0x100000, s0  }
0x8f: {  	[sflag:s0] =	ssyncadd.tile.s32 @!p0 $0x1;
	_ =	shalt  }
.Lfunc_end2:
_tile_overlayer_lowered:
.L_overlay_start_2:
0x90: {  	(tag) =	ssettag $0x2  }
0x91: {  	s0 =	rddreg [dreg:$0x0];
	s2 =	stileid.u32  }
0x92: {  	s1 =	rddreg [dreg:$0x1];
	p0 =	sne.s32 s2, $0x0  }
0x93: {  	s3 =	rddreg [dreg:$0x2];
	[bflag:$0x3] =	sbarrier.arrive $0xFFFF;
	s2 =	simm.s32 @!p0 $0x1C06  }
0x94: {  	[timem:s3], [sflag:s2] =	dma.local @!p0 [hbm:s0], s1  }
0x95: {  	s0 =	simm.s32 @!p0 $0x6  }
0x96: {  	_ =	swait.ge @!p0 [sflag:s0], s1  }
0x97: {  	s1 =	ssub.s32 @!p0 $0x0, s1;
	[sflag:s0] =	ssyncset.done @!p0 $0x0  }
0x98: {  	[sflag:s0] =	ssyncadd.s32 @!p0 s1  }
0x99: {  	[bflag:$0x3] =	sbarrier.arrive $0xFFFF  }
0x9a: {  	_ =	shalt  }

// kernel: kernel.9.cloned.1.call-start
scs
__scs_entry_jumppad:
0x0: {  	(pc) =	sbr.rel $0x88, $3  }
0x1: {  	(tag) =	ssettag $0x0;
	lr =	simm.s32 $0x1  }
0x2: {  	[smem:$0x3F99] =	sst lr;
	_ =	strace $0xD0000000  }
0x3: {  	_ = 	snop  }
0x4: {  	_ = 	snop  }
0x5: {  	_ = 	snop  }
0x6: {  	_ = 	snop  }
0x7: {  	_ = 	snop  }
__scs_overlays_trampoline_lowered:
0x8: {  	[smem:$0x3FA8] =	sst s0  }
0x9: {  	[smem:$0x3FA9] =	sst s1  }
0xa: {  	[smem:$0x3FAA] =	sst s2  }
0xb: {  	[smem:$0x3FAB] =	sst s3  }
0xc: {  	[smem:$0x3FAC] =	sst s4  }
0xd: {  	[smem:$0x3FAD] =	sst s5  }
0xe: {  	[smem:$0x3FAE] =	sst s6  }
0xf: {  	[smem:$0x3FAF] =	sst s7  }
0x10: {  	[smem:$0x3FB0] =	sst s8  }
0x11: {  	[smem:$0x3FB1] =	sst s9;
	s0 =	simm.s32 @!p0 $0x0  }
0x12: {  	s1 =	sld [smem:$0x3F97];
	s0 =	simm.s32 @p0 $0x1  }
0x13: {  	[smem:$0x3FB2] =	sst s0;
	s0 =	simm.s32 @!p1 $0x0  }
0x14: {  	s2 =	sld [smem:$0x3F96];
	s0 =	simm.s32 @p1 $0x1  }
0x15: {  	[smem:$0x3FB3] =	sst s0;
	s0 =	simm.s32 @!p2 $0x0  }
0x16: {  	s3 =	sld [smem:$0x3FDB];
	s0 =	simm.s32 @p2 $0x1  }
0x17: {  	s4 =	simm.s32 $0x1BF5;
	[smem:$0x3FB5] =	sst s0  }
0x18: {  	s0 =	sld [smem:$0x3F98];
	_ =	swait.ge [sflag:s4], $0x0  }
0x19: {  	s7 =	sld [smem:$0x3F99]  }
0x1a: {  	s8 =	sadd.s32 $0xFFFFE003, lr  }
0x1b: {  	s9 =	sadd.s32 $0xFFFFFEF7, lr;
	s5 =	simm.s32 $0xFFFFFFFF;
	p2 =	slt.u32 s8, $0xFFFFF086  }
0x1c: {  	p1 =	slt.u32 s9, $0xF7A;
	s5 =	simm.s32 @!p2 $0x0  }
0x1d: {  	s5 =	simm.s32 @p1 $0x1;
	p0 =	seq.s32 s7, s2  }
0x1e: {  	s7 =	smul.u32 @!p0 $0xF7A, s2;
	p2 =	seq.s32 @!p0 s5, $0x0  }
0x1f: {  	s9 =	smul.u32 $0xF7A, s1;
	s8 =	simm.s32 @!p0 $0x1BF5;
	p2 =	por !p2, p0  }
0x20: {  	[sflag:s8] =	ssyncset.s32 @!p0 $0xFFFFF086;
	s6 =	sadd.s32 @!p0 s3, s7;
	s7 =	simm.s32 @!p0 $0x108  }
0x21: {  	s3 =	sadd.s32 s3, s9;
	s6 =	sadd.s32 @!p0 $0x88, s6;
	s7 =	simm.s32 @p2 $0x1082  }
0x22: {  	[simem:s7], [sflag:s8] =	dma.local @!p0 [hbm:s6], $0xF7A  }
0x23: {  	s9 =	sor.u32 $0xD0000000, s2;
	s6 =	simm.s32 $0x108;
	_ =	swait.ge @!p0 [sflag:s8], $0x0  }
0x24: {  	s3 =	sadd.s32 $0x88, s3;
	s6 =	simm.s32 @!p1 $0x1082;
	[sflag:s4] =	ssyncset.s32 $0xFFFFF086  }
0x25: {  	[simem:s6], [sflag:s4] =	dma.local [hbm:s3], $0xF7A  }
0x26: {  	[smem:$0x3F99] =	sst s1;
	(tag) =	ssettag s2;
	_ =	strace s9  }
0x27: {  	s1 =	sld [smem:$0x3FA9]  }
0x28: {  	s2 =	sld [smem:$0x3FAA]  }
0x29: {  	s4 =	sld [smem:$0x3FAC]  }
0x2a: {  	p0 =	seq.s32 s5, $0x0;
	s5 =	sld [smem:$0x3FAD]  }
0x2b: {  	s6 =	sld [smem:$0x3FAE]  }
0x2c: {  	s7 =	sld [smem:$0x3FAF]  }
0x2d: {  	s3 =	simm.s32 $0x108;
	s8 =	sld [smem:$0x3FB0]  }
0x2e: {  	s3 =	simm.s32 @!p0 $0x1082;
	s9 =	sld [smem:$0x3FB1]  }
0x2f: {  	lr =	sadd.s32 s0, s3;
	s0 =	sld [smem:$0x3FA8]  }
0x30: {  	s3 =	sld [smem:$0x3FAB]  }
0x31: {  	[smem:$0x3FB4] =	sst s10  }
0x32: {  	s10 =	sld [smem:$0x3FB2];
	_ =	sdelay $0x3  }
0x33: {  	p0 =	seq.s32 s10, $0x1;
	s10 =	sld [smem:$0x3FB4];
	_ =	sdelay $0x3  }
0x34: {  	[smem:$0x3FB4] =	sst s10  }
0x35: {  	s10 =	sld [smem:$0x3FB3];
	_ =	sdelay $0x3  }
0x36: {  	p1 =	seq.s32 s10, $0x1;
	s10 =	sld [smem:$0x3FB4];
	_ =	sdelay $0x3  }
0x37: {  	[smem:$0x3FB4] =	sst s10  }
0x38: {  	s10 =	sld [smem:$0x3FB5]  }
0x39: {  	_ = 	snop;
	(pc) =	sbr.ind lr, $3  }
0x3a: {  	_ = 	snop  }
0x3b: {  	_ = 	snop  }
0x3c: {  	p2 =	seq.s32 s10, $0x1;
	s10 =	sld [smem:$0x3FB4]  }
0x3d: {  	_ =	shalt  }
0x3e: {  	_ =	shalt  }
0x3f: {  	_ =	shalt  }
0x40: {  	_ =	shalt  }
0x41: {  	_ =	shalt  }
0x42: {  	_ =	shalt  }
0x43: {  	_ =	shalt  }
0x44: {  	_ =	shalt  }
0x45: {  	_ =	shalt  }
0x46: {  	_ =	shalt  }
0x47: {  	_ =	shalt  }
0x48: {  	_ =	shalt  }
0x49: {  	_ =	shalt  }
0x4a: {  	_ =	shalt  }
0x4b: {  	_ =	shalt  }
0x4c: {  	_ =	shalt  }
0x4d: {  	_ =	shalt  }
0x4e: {  	_ =	shalt  }
0x4f: {  	_ =	shalt  }
0x50: {  	_ =	shalt  }
0x51: {  	_ =	shalt  }
0x52: {  	_ =	shalt  }
0x53: {  	_ =	shalt  }
0x54: {  	_ =	shalt  }
0x55: {  	_ =	shalt  }
0x56: {  	_ =	shalt  }
0x57: {  	_ =	shalt  }
0x58: {  	_ =	shalt  }
0x59: {  	_ =	shalt  }
0x5a: {  	_ =	shalt  }
0x5b: {  	_ =	shalt  }
0x5c: {  	_ =	shalt  }
0x5d: {  	_ =	shalt  }
0x5e: {  	_ =	shalt  }
0x5f: {  	_ =	shalt  }
0x60: {  	_ =	shalt  }
0x61: {  	_ =	shalt  }
0x62: {  	_ =	shalt  }
0x63: {  	_ =	shalt  }
0x64: {  	_ =	shalt  }
0x65: {  	_ =	shalt  }
0x66: {  	_ =	shalt  }
0x67: {  	_ =	shalt  }
0x68: {  	_ =	shalt  }
0x69: {  	_ =	shalt  }
0x6a: {  	_ =	shalt  }
0x6b: {  	_ =	shalt  }
0x6c: {  	_ =	shalt  }
0x6d: {  	_ =	shalt  }
0x6e: {  	_ =	shalt  }
0x6f: {  	_ =	shalt  }
0x70: {  	_ =	shalt  }
0x71: {  	_ =	shalt  }
0x72: {  	_ =	shalt  }
0x73: {  	_ =	shalt  }
0x74: {  	_ =	shalt  }
0x75: {  	_ =	shalt  }
0x76: {  	_ =	shalt  }
0x77: {  	_ =	shalt  }
0x78: {  	_ =	shalt  }
0x79: {  	_ =	shalt  }
0x7a: {  	_ =	shalt  }
0x7b: {  	_ =	shalt  }
0x7c: {  	_ =	shalt  }
0x7d: {  	_ =	shalt  }
0x7e: {  	_ =	shalt  }
0x7f: {  	_ =	shalt  }
0x80: {  	_ =	shalt  }
0x81: {  	_ =	shalt  }
0x82: {  	_ =	shalt  }
0x83: {  	_ =	shalt  }
0x84: {  	_ =	shalt  }
0x85: {  	_ =	shalt  }
0x86: {  	_ =	shalt  }
0x87: {  	_ =	shalt  }
.Lfunc_end0:
.L_simem_size_0:
called_computation_lowered:
.L_overlay_start_0:
0x88: {  	s2 =	sld [smem:$0x3FD9]  }
0x89: {  	s3 =	sld [smem:$0x3FFE];
	_ =	sdelay $0x1  }
0x8a: {  	s1 =	srdreg.scid  }
0x8b: {  	s0 =	sand.u32 $0x1, s1  }
0x8c: {  	s17 =	sshll.u32 s0, $0xA;
	s2 =	sadd.s32 s3, s2  }
0x8d: {  	s2 =	sadd.s32 s2, s17  }
0x8e: {  	[smem:$0x3FC0] =	sst s2  }
0x8f: {  	_ = 	snop  }
0x90: {  	s2 =	sld [smem:$0x3FD0];
	(tm) =	ssettm $0x1  }
0x91: {  	s18 =	sld [smem:$0x3FFB];
	_ =	sdelay $0x3  }
0x92: {  	_ =	strace s18  }
0x93: {  	s3 =	sld [smem:$0x3FFC];
	_ =	sdelay $0x3  }
0x94: {  	_ =	strace s3  }
0x95: {  	s3 =	sld [smem:$0x3FFD];
	_ =	sdelay $0x3  }
0x96: {  	_ =	strace s3  }
0x97: {  	_ =	strace $0x8FFFFFFF  }
0x98: {  	s19 =	sld [smem:$0x3FDB];
	_ =	sdelay $0x1  }
0x99: {  	s4 =	simm.s32 $_scs_section_size  }
0x9a: {  	s5 =	simm.s32 $_size__tile_overlayer_lowered;
	s6 =	simm.s32 $_tile_overlayer_lowered  }
0x9b: {  	s22 =	simm.s32 $0x1BFF;
	s21 =	sshll.u32 s6, $0x1;
	s3 =	sadd.s32 s4, s19  }
0x9c: {  	s7 =	simm.s32 $0x0;
	s20 =	sshll.u32 s5, $0x1;
	s5 =	sadd.s32 s21, s3  }
0x9d: {  	[timem:s7], [sflag:s22] =	dma.local [hbm:s5], s20  }
0x9e: {  	_ =	swait.ge [sflag:s22], s20  }
0x9f: {  	s4 =	ssub.s32 $0x0, s20;
	[sflag:s22] =	ssyncset.done $0x0  }
0xa0: {  	[sflag:s22] =	ssyncadd.s32 s4;
	_ =	sdelay $0x1  }
0xa1: {  	s23 =	simm.s32 $0x1B8B  }
0xa2: {  	_ =	swait.ge [sflag:s23], $0x1  }
0xa3: {  	[sflag:s23] =	ssyncset.done $0x0  }
0xa4: {  	s25 =	simm.s32 $0x1B8E;
	s24 =	sld [smem:$0x3FFE];
	[sflag:s23] =	ssyncadd.s32 $0xFFFFFFFF  }
0xa5: {  	s26 =	simm.s32 $execute0_lowered;
	[smem:$0x3FD2] =	sst s25  }
0xa6: {  	s5 =	sshll.u32 s26, $0x1;
	_ =	strace $0x80000046;
	[dreg:$0x1] =	wrdreg $0xFFFFFFFF  }
0xa7: {  	s28 =	simm.s32 $_size_execute0_lowered;
	s3 =	sadd.s32 s3, s5;
	[dreg:$0x0] =	wrdreg $0x0  }
0xa8: {  	s5 =	sshll.u32 s28, $0x1;
	[dreg:$0x2] =	wrdreg s3  }
0xa9: {  	[dreg:$0x3] =	wrdreg s5  }
0xaa: {  	[dreg:$0x4] =	wrdreg $0xC0  }
0xab: {  	_ =	task [dreg:s7], $0x5FFFF  }
0xac: {  	[dreg:$0x1] =	wrdreg $0xFFFFFFFF  }
0xad: {  	[dreg:$0x0] =	wrdreg $0x60  }
0xae: {  	[dreg:$0x2] =	wrdreg s24  }
0xaf: {  	[dreg:$0x3] =	wrdreg s2  }
0xb0: {  	[dreg:$0x4] =	wrdreg $0x2FD00  }
0xb1: {  	[dreg:$0x5] =	wrdreg $0x9  }
0xb2: {  	_ =	task.clear_ibuf [dreg:s7], $0x6FFFF;
	_ =	strace $0x90000046  }
0xb3: {  	s29 =	simm.s32 $0x9;
	_ =	strace $0x80000048  }
0xb4: {  	_ =	swait.ge [sflag:s29], $0x1  }
0xb5: {  	[sflag:s29] =	ssyncadd.s32 $0xFFFFFFFF  }
0xb6: {  	_ =	strace $0x90000048  }
0xb7: {  	_ =	sfence  }
0xb8: {  	s30 =	sld [smem:$0x0];
	_ =	sdelay $0x2  }
0xb9: {  	s31 =	sshll.u32 s1, $0xD;
	s1 =	sshrl.u32 s1, $0x2  }
0xba: {  	s3 =	sand.u32 $0x4000, s31;
	s1 =	sadd.s32 s1, s30  }
0xbb: {  	s0 =	sor.u32 s3, s0;
	s1 =	sshll.u32 s1, $0x11  }
0xbc: {  	s0 =	sor.u32 s1, s0  }
0xbd: {  	s0 =	sadd.s32 $0x8F2B, s0  }
0xbe: {  	[sflag:s0] =	ssyncadd.remote.s32 $0x1  }
0xbf: {  	_ =	sfence.sel $0xFFFF  }
0xc0: {  	[dreg:$0x0] =	wrdreg $0xFFFFFFFF;
	(pc) =	sbr.abs _section_cstart, $3  }
0xc1: {  	[dreg:$0x1] =	wrdreg $0xFFFFFFFF  }
0xc2: {  	_ =	task.clear_ibuf [dreg:s7], $0x2FFFF;
	_ =	strace $0x9FFFFFFF  }
0xc3: {  	(tm) =	ssettm $0x7FFFFFFF  }
tec
execute0_lowered:
.L_overlay_start_1:
0x0: {  	(tag) =	ssettag $0x1  }
0x1: {  	s0 =	rddreg [dreg:$0x0]  }
0x2: {  	s4 =	rddreg [dreg:$0x1]  }
0x3: {  	s3 =	rddreg [dreg:$0x2]  }
0x4: {  	s31 =	rddreg [dreg:$0x3];
	s29 =	simm.s32 $0x0  }
0x5: {  	[smem:$0x7FF] =	sst s29;
	s5 =	sadd.s32 $0x15C00, s0  }
0x6: {  	s9 =	simm.s32 $0x500;
	_ =	strace $0x80000047;
	[dreg:$0x4] =	wrdreg s5  }
0x7: {  	s10 =	simm.s32 $0x600;
	[dreg:$0xd] =	wrdreg s9  }
0x8: {  	s11 =	simm.s32 $0x700;
	[dreg:$0xe] =	wrdreg s10  }
0x9: {  	s1 =	srdreg.scid;
	s12 =	simm.s32 $0x800;
	[dreg:$0xf] =	wrdreg s11  }
0xa: {  	s8 =	stileid.u32;
	s13 =	simm.s32 $0x900;
	[dreg:$0x10] =	wrdreg s12  }
0xb: {  	s14 =	simm.s32 $0xA00;
	s16 =	simm.s32 $0xB00;
	[dreg:$0x11] =	wrdreg s13  }
0xc: {  	s17 =	simm.s32 $0xC00;
	s19 =	simm.s32 $0xD00;
	[dreg:$0x12] =	wrdreg s14  }
0xd: {  	s20 =	simm.s32 $0xE00;
	s21 =	simm.s32 $0xF00;
	[dreg:$0x13] =	wrdreg s16  }
0xe: {  	s22 =	simm.s32 $0x1000;
	s30 =	simm.s32 $0x2;
	[dreg:$0x14] =	wrdreg s17  }
0xf: {  	s28 =	simm.s32 $0x1D00;
	p0 =	por $0x0, $0x0;
	[dreg:$0x15] =	wrdreg s19  }
0x10: {  	s1 =	sand.u32 $0x1, s1;
	s6 =	smul.u32 $0x13C0, s8;
	[dreg:$0x16] =	wrdreg s20  }
0x11: {  	s2 =	sshll.u32 s1, $0x4;
	s23 =	smul.u32 $0x13C00, s1;
	[dreg:$0x17] =	wrdreg s21  }
0x12: {  	s1 =	ssub.s32 $0x2, s1;
	[dreg:$0x18] =	wrdreg s22;
	s19 =	simm.s32 $0x1500  }
0x13: {  	s20 =	simm.s32 $0x1600;
	s21 =	simm.s32 $0x1700;
	s22 =	simm.s32 $0x1800  }
0x14: {  	s9 =	simm.s32 $0x1E00;
	s10 =	simm.s32 $0x1F00;
	s11 =	simm.s32 $0x2000  }
0x15: {  	s12 =	simm.s32 $0x2100;
	s13 =	simm.s32 $0x2200;
	s14 =	simm.s32 $0x2300  }
0x16: {  	s16 =	simm.s32 $0x2500;
	s17 =	simm.s32 $0x2600;
	s2 =	sor.u32 s8, s2  }
0x17: {  	s15 =	sshrl.u32 s1, $0x1;
	s18 =	sadd.s32 s6, s3;
	s2 =	smul.u32 $0x500, s2  }
0x18: {  	s5 =	sadd.s32 s6, s23;
	s1 =	ssub.s32 s1, s15;
	s23 =	simm.s32 $0x1100  }
0x19: {  	s6 =	simm.s32 $0x1;
	s15 =	simm.s32 $0x2400;
	s5 =	sshrl.u32 s5, $0x3  }
0x1a: {  	[dreg:$0x19] =	wrdreg s23;
	s7 =	sadd.s32 s2, s0;
	s0 =	sadd.s32 $0x15800, s0  }
0x1b: {  	s1 =	smax.u32 s1, $0x1;
	s26 =	sadd.s32 s4, s5;
	[dreg:$0x5] =	wrdreg s0  }
0x1c: {  	s23 =	simm.s32 $0x1900;
	s4 =	simm.s32 $0x100;
	[dreg:$0x8] =	wrdreg s26  }
0x1d: {  	s2 =	sshll.u32 s8, $0x6;
	s5 =	simm.s32 $0x200;
	[dreg:$0x9] =	wrdreg s4  }
0x1e: {  	s8 =	simm.s32 $0x400;
	p1 =	sne.s32 s1, $0x1;
	[dreg:$0xa] =	wrdreg s5  }
0x1f: {  	s24 =	sor.u32 $0x1C02, s2;
	s25 =	sadd.s32 $0x1800, s7;
	[dreg:$0xc] =	wrdreg s8  }
0x20: {  	s7 =	simm.s32 $0x300;
	s4 =	sshrl.u32 s18, $0x3;
	[dreg:$0x6] =	wrdreg s24  }
0x21: {  	s5 =	simm.s32 $0x3;
	s8 =	simm.s32 $0xFA;
	[dreg:$0x7] =	wrdreg s25  }
.Ltmp0:
0x22: {  	s26 =	simm.s32 $0x1400;
	[dreg:$0xb] =	wrdreg s7;
	(pc) =	sbr.rel @!p1 .LBB2_5-.Ltmp0, $4  }
0x23: {  	s0 =	sadd.s32 $0xFFFFFFFF, s1;
	s18 =	simm.s32 $0x2700;
	[dreg:$0x1c] =	wrdreg s26  }
0x24: {  	s7 =	simm.s32 $0x2800;
	s24 =	simm.s32 $0x1200;
	s1 =	rddreg [dreg:$0x5]  }
0x25: {  	s25 =	simm.s32 $0x1300;
	s26 =	simm.s32 $0x1C00;
	[dreg:$0x1a] =	wrdreg s24  }
0x26: {  	[dreg:$0x1b] =	wrdreg s25;
	s24 =	simm.s32 $0x1A00;
	s25 =	simm.s32 $0x1B00  }
0x27: {  	s31 =	rddreg [dreg:$0x6]  }
0x28: {  	[spmem:s4], [sflag:s31] =	dma.local [hbm:s1], $0x278  }
0x29: {  	s1 =	rddreg [dreg:$0x7]  }
0x2a: {  	[tilespmem:s29], [sflag:$0x3] =	stream.linear.gather [hbm4b:s1+s29], $0x2800, $0x38;
	[tilespmem:$0x3248] =	vst v63  }
0x2b: {  	_ =	swait.ge [sflag:s5], $0x2800  }
0x2c: {  	[sflag:s5] =	ssyncset.done $0x0  }
0x2d: {  	s1 =	rddreg [dreg:$0x4];
	[sflag:s5] =	ssyncadd.s32 $0xFFFFD800  }
0x2e: {  	[tilespmem:s7], [sflag:$0x3] =	stream.linear.gather [hbm4b:s1+s29], $0x7D0, $0x38;
	[tilespmem:$0x3248] =	vst v63  }
0x2f: {  	_ =	swait.ge [sflag:s5], $0x7D0  }
0x30: {  	[sflag:s5] =	ssyncset.done $0x0  }
0x31: {  	[sflag:s5] =	ssyncadd.s32 $0xFFFFF830  }
0x32: {  	_ =	swait.ge [sflag:s30], $0x278  }
0x33: {  	[sflag:s30] =	ssyncset.done $0x0  }
0x34: {  	[sflag:s30] =	ssyncadd.s32 $0xFFFFFD88  }
0x35: {  	[bflag:$0x0] =	sbarrier.arrive $0xFFFF  }
0x36: {  	[spmem:s3] =	stream.indirect.scatter.add.f32 [tilespmem:s7], [sflag:$0x1], $0x1, s29, s8, $0xb8;
	[tilespmem:$0x3248] =	vst v63  }
0x37: {  	s1 =	rddreg [dreg:$0x9]  }
0x38: {  	[spmem:s3] =	stream.indirect.scatter.add.f32 [tilespmem:s7], [sflag:$0x1], $0x1, s1, s8, $0xb8;
	[tilespmem:$0x3248] =	vst v63  }
0x39: {  	s31 =	rddreg [dreg:$0xa]  }
0x3a: {  	[spmem:s3] =	stream.indirect.scatter.add.f32 [tilespmem:s7], [sflag:$0x1], $0x1, s31, s8, $0xb8;
	[tilespmem:$0x3248] =	vst v63  }
0x3b: {  	s1 =	rddreg [dreg:$0xb]  }
0x3c: {  	[spmem:s3] =	stream.indirect.scatter.add.f32 [tilespmem:s7], [sflag:$0x1], $0x1, s1, s8, $0xb8;
	[tilespmem:$0x3248] =	vst v63  }
0x3d: {  	s31 =	rddreg [dreg:$0xc]  }
0x3e: {  	[spmem:s3] =	stream.indirect.scatter.add.f32 [tilespmem:s7], [sflag:$0x1], $0x1, s31, s8, $0xb8;
	[tilespmem:$0x3248] =	vst v63  }
0x3f: {  	s1 =	rddreg [dreg:$0xd]  }
0x40: {  	[spmem:s3] =	stream.indirect.scatter.add.f32 [tilespmem:s7], [sflag:$0x1], $0x1, s1, s8, $0xb8;
	[tilespmem:$0x3248] =	vst v63  }
0x41: {  	s31 =	rddreg [dreg:$0xe]  }
0x42: {  	[spmem:s3] =	stream.indirect.scatter.add.f32 [tilespmem:s7], [sflag:$0x1], $0x1, s31, s8, $0xb8;
	[tilespmem:$0x3248] =	vst v63  }
0x43: {  	s1 =	rddreg [dreg:$0xf]  }
0x44: {  	[spmem:s3] =	stream.indirect.scatter.add.f32 [tilespmem:s7], [sflag:$0x1], $0x1, s1, s8, $0xb8;
	[tilespmem:$0x3248] =	vst v63  }
0x45: {  	s31 =	rddreg [dreg:$0x10]  }
0x46: {  	[spmem:s3] =	stream.indirect.scatter.add.f32 [tilespmem:s7], [sflag:$0x1], $0x1, s31, s8, $0xb8;
	[tilespmem:$0x3248] =	vst v63  }
0x47: {  	s1 =	rddreg [dreg:$0x11]  }
0x48: {  	[spmem:s3] =	stream.indirect.scatter.add.f32 [tilespmem:s7], [sflag:$0x1], $0x1, s1, s8, $0xb8;
	[tilespmem:$0x3248] =	vst v63  }
0x49: {  	_ =	swait.ge [sflag:s6], $0xFA  }
0x4a: {  	[sflag:s6] =	ssyncset.done $0x0  }
0x4b: {  	[sflag:s6] =	ssyncadd.s32 $0xFFFFFF06  }
0x4c: {  	_ =	swait.ge [sflag:s6], $0xFA  }
0x4d: {  	[sflag:s6] =	ssyncset.done $0x0  }
0x4e: {  	[sflag:s6] =	ssyncadd.s32 $0xFFFFFF06  }
0x4f: {  	_ =	swait.ge [sflag:s6], $0xFA  }
0x50: {  	[sflag:s6] =	ssyncset.done $0x0  }
0x51: {  	[sflag:s6] =	ssyncadd.s32 $0xFFFFFF06  }
0x52: {  	_ =	swait.ge [sflag:s6], $0xFA  }
0x53: {  	[sflag:s6] =	ssyncset.done $0x0  }
0x54: {  	[sflag:s6] =	ssyncadd.s32 $0xFFFFFF06  }
0x55: {  	_ =	swait.ge [sflag:s6], $0xFA  }
0x56: {  	[sflag:s6] =	ssyncset.done $0x0  }
0x57: {  	[sflag:s6] =	ssyncadd.s32 $0xFFFFFF06  }
0x58: {  	_ =	swait.ge [sflag:s6], $0xFA  }
0x59: {  	[sflag:s6] =	ssyncset.done $0x0  }
0x5a: {  	[sflag:s6] =	ssyncadd.s32 $0xFFFFFF06  }
0x5b: {  	_ =	swait.ge [sflag:s6], $0xFA  }
0x5c: {  	[sflag:s6] =	ssyncset.done $0x0  }
0x5d: {  	[sflag:s6] =	ssyncadd.s32 $0xFFFFFF06  }
0x5e: {  	_ =	swait.ge [sflag:s6], $0xFA  }
0x5f: {  	[sflag:s6] =	ssyncset.done $0x0  }
0x60: {  	[sflag:s6] =	ssyncadd.s32 $0xFFFFFF06  }
0x61: {  	_ =	swait.ge [sflag:s6], $0xFA  }
0x62: {  	[sflag:s6] =	ssyncset.done $0x0  }
0x63: {  	[sflag:s6] =	ssyncadd.s32 $0xFFFFFF06  }
0x64: {  	_ =	swait.ge [sflag:s6], $0xFA  }
0x65: {  	[sflag:s6] =	ssyncset.done $0x0  }
0x66: {  	s1 =	rddreg [dreg:$0x12];
	[sflag:s6] =	ssyncadd.s32 $0xFFFFFF06  }
0x67: {  	[spmem:s3] =	stream.indirect.scatter.add.f32 [tilespmem:s7], [sflag:$0x1], $0x1, s1, s8, $0xb8;
	[tilespmem:$0x3248] =	vst v63  }
0x68: {  	s31 =	rddreg [dreg:$0x13]  }
0x69: {  	[spmem:s3] =	stream.indirect.scatter.add.f32 [tilespmem:s7], [sflag:$0x1], $0x1, s31, s8, $0xb8;
	[tilespmem:$0x3248] =	vst v63  }
0x6a: {  	s1 =	rddreg [dreg:$0x14]  }
0x6b: {  	[spmem:s3] =	stream.indirect.scatter.add.f32 [tilespmem:s7], [sflag:$0x1], $0x1, s1, s8, $0xb8;
	[tilespmem:$0x3248] =	vst v63  }
0x6c: {  	s31 =	rddreg [dreg:$0x15]  }
0x6d: {  	[spmem:s3] =	stream.indirect.scatter.add.f32 [tilespmem:s7], [sflag:$0x1], $0x1, s31, s8, $0xb8;
	[tilespmem:$0x3248] =	vst v63  }
0x6e: {  	s1 =	rddreg [dreg:$0x16]  }
0x6f: {  	[spmem:s3] =	stream.indirect.scatter.add.f32 [tilespmem:s7], [sflag:$0x1], $0x1, s1, s8, $0xb8;
	[tilespmem:$0x3248] =	vst v63  }
0x70: {  	s31 =	rddreg [dreg:$0x17]  }
0x71: {  	[spmem:s3] =	stream.indirect.scatter.add.f32 [tilespmem:s7], [sflag:$0x1], $0x1, s31, s8, $0xb8;
	[tilespmem:$0x3248] =	vst v63  }
0x72: {  	s1 =	rddreg [dreg:$0x18]  }
0x73: {  	[spmem:s3] =	stream.indirect.scatter.add.f32 [tilespmem:s7], [sflag:$0x1], $0x1, s1, s8, $0xb8;
	[tilespmem:$0x3248] =	vst v63  }
0x74: {  	s31 =	rddreg [dreg:$0x19]  }
0x75: {  	[spmem:s3] =	stream.indirect.scatter.add.f32 [tilespmem:s7], [sflag:$0x1], $0x1, s31, s8, $0xb8;
	[tilespmem:$0x3248] =	vst v63  }
0x76: {  	s1 =	rddreg [dreg:$0x1a]  }
0x77: {  	[spmem:s3] =	stream.indirect.scatter.add.f32 [tilespmem:s7], [sflag:$0x1], $0x1, s1, s8, $0xb8;
	[tilespmem:$0x3248] =	vst v63  }
0x78: {  	s31 =	rddreg [dreg:$0x1b]  }
0x79: {  	[spmem:s3] =	stream.indirect.scatter.add.f32 [tilespmem:s7], [sflag:$0x1], $0x1, s31, s8, $0xb8;
	[tilespmem:$0x3248] =	vst v63  }
0x7a: {  	_ =	swait.ge [sflag:s6], $0xFA  }
0x7b: {  	[sflag:s6] =	ssyncset.done $0x0  }
0x7c: {  	[sflag:s6] =	ssyncadd.s32 $0xFFFFFF06  }
0x7d: {  	_ =	swait.ge [sflag:s6], $0xFA  }
0x7e: {  	[sflag:s6] =	ssyncset.done $0x0  }
0x7f: {  	[sflag:s6] =	ssyncadd.s32 $0xFFFFFF06  }
0x80: {  	_ =	swait.ge [sflag:s6], $0xFA  }
0x81: {  	[sflag:s6] =	ssyncset.done $0x0  }
0x82: {  	[sflag:s6] =	ssyncadd.s32 $0xFFFFFF06  }
0x83: {  	_ =	swait.ge [sflag:s6], $0xFA  }
0x84: {  	[sflag:s6] =	ssyncset.done $0x0  }
0x85: {  	[sflag:s6] =	ssyncadd.s32 $0xFFFFFF06  }
0x86: {  	_ =	swait.ge [sflag:s6], $0xFA  }
0x87: {  	[sflag:s6] =	ssyncset.done $0x0  }
0x88: {  	[sflag:s6] =	ssyncadd.s32 $0xFFFFFF06  }
0x89: {  	_ =	swait.ge [sflag:s6], $0xFA  }
0x8a: {  	[sflag:s6] =	ssyncset.done $0x0  }
0x8b: {  	[sflag:s6] =	ssyncadd.s32 $0xFFFFFF06  }
0x8c: {  	_ =	swait.ge [sflag:s6], $0xFA  }
0x8d: {  	[sflag:s6] =	ssyncset.done $0x0  }
0x8e: {  	[sflag:s6] =	ssyncadd.s32 $0xFFFFFF06  }
0x8f: {  	_ =	swait.ge [sflag:s6], $0xFA  }
0x90: {  	[sflag:s6] =	ssyncset.done $0x0  }
0x91: {  	[sflag:s6] =	ssyncadd.s32 $0xFFFFFF06  }
0x92: {  	_ =	swait.ge [sflag:s6], $0xFA  }
0x93: {  	[sflag:s6] =	ssyncset.done $0x0  }
0x94: {  	[sflag:s6] =	ssyncadd.s32 $0xFFFFFF06  }
0x95: {  	_ =	swait.ge [sflag:s6], $0xFA  }
0x96: {  	[sflag:s6] =	ssyncset.done $0x0  }
0x97: {  	s1 =	rddreg [dreg:$0x1c];
	[sflag:s6] =	ssyncadd.s32 $0xFFFFFF06  }
0x98: {  	[spmem:s3] =	stream.indirect.scatter.add.f32 [tilespmem:s7], [sflag:$0x1], $0x1, s1, s8, $0xb8;
	[tilespmem:$0x3248] =	vst v63  }
0x99: {  	_ = 	snop  }
0x9a: {  	[spmem:s3] =	stream.indirect.scatter.add.f32 [tilespmem:s7], [sflag:$0x1], $0x1, s19, s8, $0xb8;
	[tilespmem:$0x3248] =	vst v63  }
0x9b: {  	_ = 	snop  }
0x9c: {  	[spmem:s3] =	stream.indirect.scatter.add.f32 [tilespmem:s7], [sflag:$0x1], $0x1, s20, s8, $0xb8;
	[tilespmem:$0x3248] =	vst v63  }
0x9d: {  	_ = 	snop  }
0x9e: {  	[spmem:s3] =	stream.indirect.scatter.add.f32 [tilespmem:s7], [sflag:$0x1], $0x1, s21, s8, $0xb8;
	[tilespmem:$0x3248] =	vst v63  }
0x9f: {  	_ = 	snop  }
0xa0: {  	[spmem:s3] =	stream.indirect.scatter.add.f32 [tilespmem:s7], [sflag:$0x1], $0x1, s22, s8, $0xb8;
	[tilespmem:$0x3248] =	vst v63  }
0xa1: {  	_ = 	snop  }
0xa2: {  	[spmem:s3] =	stream.indirect.scatter.add.f32 [tilespmem:s7], [sflag:$0x1], $0x1, s23, s8, $0xb8;
	[tilespmem:$0x3248] =	vst v63  }
0xa3: {  	_ = 	snop  }
0xa4: {  	[spmem:s3] =	stream.indirect.scatter.add.f32 [tilespmem:s7], [sflag:$0x1], $0x1, s24, s8, $0xb8;
	[tilespmem:$0x3248] =	vst v63  }
0xa5: {  	_ = 	snop  }
0xa6: {  	[spmem:s3] =	stream.indirect.scatter.add.f32 [tilespmem:s7], [sflag:$0x1], $0x1, s25, s8, $0xb8;
	[tilespmem:$0x3248] =	vst v63  }
0xa7: {  	_ = 	snop  }
0xa8: {  	[spmem:s3] =	stream.indirect.scatter.add.f32 [tilespmem:s7], [sflag:$0x1], $0x1, s26, s8, $0xb8;
	[tilespmem:$0x3248] =	vst v63  }
0xa9: {  	_ = 	snop  }
0xaa: {  	[spmem:s3] =	stream.indirect.scatter.add.f32 [tilespmem:s7], [sflag:$0x1], $0x1, s28, s8, $0xb8;
	[tilespmem:$0x3248] =	vst v63  }
0xab: {  	_ =	swait.ge [sflag:s6], $0xFA  }
0xac: {  	[sflag:s6] =	ssyncset.done $0x0  }
0xad: {  	[sflag:s6] =	ssyncadd.s32 $0xFFFFFF06  }
0xae: {  	_ =	swait.ge [sflag:s6], $0xFA  }
0xaf: {  	[sflag:s6] =	ssyncset.done $0x0  }
0xb0: {  	[sflag:s6] =	ssyncadd.s32 $0xFFFFFF06  }
0xb1: {  	_ =	swait.ge [sflag:s6], $0xFA  }
0xb2: {  	[sflag:s6] =	ssyncset.done $0x0  }
0xb3: {  	[sflag:s6] =	ssyncadd.s32 $0xFFFFFF06  }
0xb4: {  	_ =	swait.ge [sflag:s6], $0xFA  }
0xb5: {  	[sflag:s6] =	ssyncset.done $0x0  }
0xb6: {  	[sflag:s6] =	ssyncadd.s32 $0xFFFFFF06  }
0xb7: {  	_ =	swait.ge [sflag:s6], $0xFA  }
0xb8: {  	[sflag:s6] =	ssyncset.done $0x0  }
0xb9: {  	[sflag:s6] =	ssyncadd.s32 $0xFFFFFF06  }
0xba: {  	_ =	swait.ge [sflag:s6], $0xFA  }
0xbb: {  	[sflag:s6] =	ssyncset.done $0x0  }
0xbc: {  	[sflag:s6] =	ssyncadd.s32 $0xFFFFFF06  }
0xbd: {  	_ =	swait.ge [sflag:s6], $0xFA  }
0xbe: {  	[sflag:s6] =	ssyncset.done $0x0  }
0xbf: {  	[sflag:s6] =	ssyncadd.s32 $0xFFFFFF06  }
0xc0: {  	_ =	swait.ge [sflag:s6], $0xFA  }
0xc1: {  	[sflag:s6] =	ssyncset.done $0x0  }
0xc2: {  	[sflag:s6] =	ssyncadd.s32 $0xFFFFFF06  }
0xc3: {  	_ =	swait.ge [sflag:s6], $0xFA  }
0xc4: {  	[sflag:s6] =	ssyncset.done $0x0  }
0xc5: {  	[sflag:s6] =	ssyncadd.s32 $0xFFFFFF06  }
0xc6: {  	_ =	swait.ge [sflag:s6], $0xFA  }
0xc7: {  	[sflag:s6] =	ssyncset.done $0x0  }
0xc8: {  	[sflag:s6] =	ssyncadd.s32 $0xFFFFFF06  }
0xc9: {  	[spmem:s3] =	stream.indirect.scatter.add.f32 [tilespmem:s7], [sflag:$0x1], $0x1, s9, s8, $0xb8;
	[tilespmem:$0x3248] =	vst v63  }
0xca: {  	_ = 	snop  }
0xcb: {  	[spmem:s3] =	stream.indirect.scatter.add.f32 [tilespmem:s7], [sflag:$0x1], $0x1, s10, s8, $0xb8;
	[tilespmem:$0x3248] =	vst v63  }
0xcc: {  	_ = 	snop  }
0xcd: {  	[spmem:s3] =	stream.indirect.scatter.add.f32 [tilespmem:s7], [sflag:$0x1], $0x1, s11, s8, $0xb8;
	[tilespmem:$0x3248] =	vst v63  }
0xce: {  	_ = 	snop  }
0xcf: {  	[spmem:s3] =	stream.indirect.scatter.add.f32 [tilespmem:s7], [sflag:$0x1], $0x1, s12, s8, $0xb8;
	[tilespmem:$0x3248] =	vst v63  }
0xd0: {  	_ = 	snop  }
0xd1: {  	[spmem:s3] =	stream.indirect.scatter.add.f32 [tilespmem:s7], [sflag:$0x1], $0x1, s13, s8, $0xb8;
	[tilespmem:$0x3248] =	vst v63  }
0xd2: {  	_ = 	snop  }
0xd3: {  	[spmem:s3] =	stream.indirect.scatter.add.f32 [tilespmem:s7], [sflag:$0x1], $0x1, s14, s8, $0xb8;
	[tilespmem:$0x3248] =	vst v63  }
0xd4: {  	_ = 	snop  }
0xd5: {  	[spmem:s3] =	stream.indirect.scatter.add.f32 [tilespmem:s7], [sflag:$0x1], $0x1, s15, s8, $0xb8;
	[tilespmem:$0x3248] =	vst v63  }
0xd6: {  	_ = 	snop  }
0xd7: {  	[spmem:s3] =	stream.indirect.scatter.add.f32 [tilespmem:s7], [sflag:$0x1], $0x1, s16, s8, $0xb8;
	[tilespmem:$0x3248] =	vst v63  }
0xd8: {  	_ = 	snop  }
0xd9: {  	[spmem:s3] =	stream.indirect.scatter.add.f32 [tilespmem:s7], [sflag:$0x1], $0x1, s17, s8, $0xb8;
	[tilespmem:$0x3248] =	vst v63  }
0xda: {  	_ = 	snop  }
0xdb: {  	[spmem:s3] =	stream.indirect.scatter.add.f32 [tilespmem:s7], [sflag:$0x1], $0x1, s18, s8, $0xb8;
	[tilespmem:$0x3248] =	vst v63  }
0xdc: {  	_ =	swait.ge [sflag:s6], $0xFA  }
0xdd: {  	[sflag:s6] =	ssyncset.done $0x0  }
0xde: {  	[sflag:s6] =	ssyncadd.s32 $0xFFFFFF06  }
0xdf: {  	_ =	swait.ge [sflag:s6], $0xFA  }
0xe0: {  	[sflag:s6] =	ssyncset.done $0x0  }
0xe1: {  	[sflag:s6] =	ssyncadd.s32 $0xFFFFFF06  }
0xe2: {  	_ =	swait.ge [sflag:s6], $0xFA  }
0xe3: {  	[sflag:s6] =	ssyncset.done $0x0  }
0xe4: {  	[sflag:s6] =	ssyncadd.s32 $0xFFFFFF06  }
0xe5: {  	_ =	swait.ge [sflag:s6], $0xFA  }
0xe6: {  	[sflag:s6] =	ssyncset.done $0x0  }
0xe7: {  	[sflag:s6] =	ssyncadd.s32 $0xFFFFFF06  }
0xe8: {  	_ =	swait.ge [sflag:s6], $0xFA  }
0xe9: {  	[sflag:s6] =	ssyncset.done $0x0  }
0xea: {  	[sflag:s6] =	ssyncadd.s32 $0xFFFFFF06  }
0xeb: {  	_ =	swait.ge [sflag:s6], $0xFA  }
0xec: {  	[sflag:s6] =	ssyncset.done $0x0  }
0xed: {  	[sflag:s6] =	ssyncadd.s32 $0xFFFFFF06  }
0xee: {  	_ =	swait.ge [sflag:s6], $0xFA  }
0xef: {  	[sflag:s6] =	ssyncset.done $0x0  }
0xf0: {  	[sflag:s6] =	ssyncadd.s32 $0xFFFFFF06  }
0xf1: {  	_ =	swait.ge [sflag:s6], $0xFA  }
0xf2: {  	[sflag:s6] =	ssyncset.done $0x0  }
0xf3: {  	[sflag:s6] =	ssyncadd.s32 $0xFFFFFF06  }
0xf4: {  	_ =	swait.ge [sflag:s6], $0xFA  }
0xf5: {  	[sflag:s6] =	ssyncset.done $0x0  }
0xf6: {  	[sflag:s6] =	ssyncadd.s32 $0xFFFFFF06  }
0xf7: {  	_ =	swait.ge [sflag:s6], $0xFA  }
0xf8: {  	[sflag:s6] =	ssyncset.done $0x0  }
0xf9: {  	[sflag:s6] =	ssyncadd.s32 $0xFFFFFF06  }
0xfa: {  	p1 =	sne.s32 s0, $0x1;
	[bflag:$0x0] =	sbarrier.arrive $0xFFFF  }
.Ltmp1:
0xfb: {  	s1 =	rddreg [dreg:$0x8];
	(pc) =	sbr.rel @!p1 .LBB2_2-.Ltmp1, $4  }
0xfc: {  	s31 =	sor.u32 $0x1C03, s2;
	[dreg:$0x1d] =	wrdreg s2  }
0xfd: {  	[hbm:s1], [sflag:s31] =	dma.local [spmem:s4], $0x278  }
0xfe: {  	s0 =	sadd.s32 $0xFFFFFFFF, s0;
	_ =	swait.ge [sflag:s5], $0x278  }
0xff: {  	p0 =	por $0x1, $0x1;
	s1 =	rddreg [dreg:$0x5];
	[sflag:s5] =	ssyncset.done $0x0  }
.LBB2_3:
0x100: {  	s2 =	rddreg [dreg:$0x6];
	[sflag:s5] =	ssyncadd.s32 $0xFFFFFD88  }
0x101: {  	[spmem:s4], [sflag:s2] =	dma.local [hbm:s1], $0x278  }
0x102: {  	s1 =	rddreg [dreg:$0x7]  }
0x103: {  	[tilespmem:s29], [sflag:$0x3] =	stream.linear.gather [hbm4b:s1+s29], $0x2800, $0x38;
	[tilespmem:$0x3248] =	vst v63  }
0x104: {  	_ =	swait.ge [sflag:s5], $0x2800  }
0x105: {  	[sflag:s5] =	ssyncset.done $0x0  }
0x106: {  	s2 =	rddreg [dreg:$0x4];
	[sflag:s5] =	ssyncadd.s32 $0xFFFFD800  }
0x107: {  	[tilespmem:s7], [sflag:$0x3] =	stream.linear.gather [hbm4b:s2+s29], $0x7D0, $0x38;
	[tilespmem:$0x3248] =	vst v63  }
0x108: {  	_ =	swait.ge [sflag:s5], $0x7D0  }
0x109: {  	[sflag:s5] =	ssyncset.done $0x0  }
0x10a: {  	[sflag:s5] =	ssyncadd.s32 $0xFFFFF830  }
0x10b: {  	_ =	swait.ge [sflag:s30], $0x278  }
0x10c: {  	[sflag:s30] =	ssyncset.done $0x0  }
0x10d: {  	[sflag:s30] =	ssyncadd.s32 $0xFFFFFD88  }
0x10e: {  	[bflag:$0x0] =	sbarrier.arrive $0xFFFF  }
0x10f: {  	[spmem:s3] =	stream.indirect.scatter.add.f32 [tilespmem:s7], [sflag:$0x1], $0x1, s29, s8, $0xb8;
	[tilespmem:$0x3248] =	vst v63  }
0x110: {  	s1 =	rddreg [dreg:$0x9]  }
0x111: {  	[spmem:s3] =	stream.indirect.scatter.add.f32 [tilespmem:s7], [sflag:$0x1], $0x1, s1, s8, $0xb8;
	[tilespmem:$0x3248] =	vst v63  }
0x112: {  	s2 =	rddreg [dreg:$0xa]  }
0x113: {  	[spmem:s3] =	stream.indirect.scatter.add.f32 [tilespmem:s7], [sflag:$0x1], $0x1, s2, s8, $0xb8;
	[tilespmem:$0x3248] =	vst v63  }
0x114: {  	s1 =	rddreg [dreg:$0xb]  }
0x115: {  	[spmem:s3] =	stream.indirect.scatter.add.f32 [tilespmem:s7], [sflag:$0x1], $0x1, s1, s8, $0xb8;
	[tilespmem:$0x3248] =	vst v63  }
0x116: {  	s2 =	rddreg [dreg:$0xc]  }
0x117: {  	[spmem:s3] =	stream.indirect.scatter.add.f32 [tilespmem:s7], [sflag:$0x1], $0x1, s2, s8, $0xb8;
	[tilespmem:$0x3248] =	vst v63  }
0x118: {  	s1 =	rddreg [dreg:$0xd]  }
0x119: {  	[spmem:s3] =	stream.indirect.scatter.add.f32 [tilespmem:s7], [sflag:$0x1], $0x1, s1, s8, $0xb8;
	[tilespmem:$0x3248] =	vst v63  }
0x11a: {  	s2 =	rddreg [dreg:$0xe]  }
0x11b: {  	[spmem:s3] =	stream.indirect.scatter.add.f32 [tilespmem:s7], [sflag:$0x1], $0x1, s2, s8, $0xb8;
	[tilespmem:$0x3248] =	vst v63  }
0x11c: {  	s1 =	rddreg [dreg:$0xf]  }
0x11d: {  	[spmem:s3] =	stream.indirect.scatter.add.f32 [tilespmem:s7], [sflag:$0x1], $0x1, s1, s8, $0xb8;
	[tilespmem:$0x3248] =	vst v63  }
0x11e: {  	s2 =	rddreg [dreg:$0x10]  }
0x11f: {  	[spmem:s3] =	stream.indirect.scatter.add.f32 [tilespmem:s7], [sflag:$0x1], $0x1, s2, s8, $0xb8;
	[tilespmem:$0x3248] =	vst v63  }
0x120: {  	s1 =	rddreg [dreg:$0x11]  }
0x121: {  	[spmem:s3] =	stream.indirect.scatter.add.f32 [tilespmem:s7], [sflag:$0x1], $0x1, s1, s8, $0xb8;
	[tilespmem:$0x3248] =	vst v63  }
0x122: {  	_ =	swait.ge [sflag:s6], $0xFA  }
0x123: {  	[sflag:s6] =	ssyncset.done $0x0  }
0x124: {  	[sflag:s6] =	ssyncadd.s32 $0xFFFFFF06  }
0x125: {  	_ =	swait.ge [sflag:s6], $0xFA  }
0x126: {  	[sflag:s6] =	ssyncset.done $0x0  }
0x127: {  	[sflag:s6] =	ssyncadd.s32 $0xFFFFFF06  }
0x128: {  	_ =	swait.ge [sflag:s6], $0xFA  }
0x129: {  	[sflag:s6] =	ssyncset.done $0x0  }
0x12a: {  	[sflag:s6] =	ssyncadd.s32 $0xFFFFFF06  }
0x12b: {  	_ =	swait.ge [sflag:s6], $0xFA  }
0x12c: {  	[sflag:s6] =	ssyncset.done $0x0  }
0x12d: {  	[sflag:s6] =	ssyncadd.s32 $0xFFFFFF06  }
0x12e: {  	_ =	swait.ge [sflag:s6], $0xFA  }
0x12f: {  	[sflag:s6] =	ssyncset.done $0x0  }
0x130: {  	[sflag:s6] =	ssyncadd.s32 $0xFFFFFF06  }
0x131: {  	_ =	swait.ge [sflag:s6], $0xFA  }
0x132: {  	[sflag:s6] =	ssyncset.done $0x0  }
0x133: {  	[sflag:s6] =	ssyncadd.s32 $0xFFFFFF06  }
0x134: {  	_ =	swait.ge [sflag:s6], $0xFA  }
0x135: {  	[sflag:s6] =	ssyncset.done $0x0  }
0x136: {  	[sflag:s6] =	ssyncadd.s32 $0xFFFFFF06  }
0x137: {  	_ =	swait.ge [sflag:s6], $0xFA  }
0x138: {  	[sflag:s6] =	ssyncset.done $0x0  }
0x139: {  	[sflag:s6] =	ssyncadd.s32 $0xFFFFFF06  }
0x13a: {  	_ =	swait.ge [sflag:s6], $0xFA  }
0x13b: {  	[sflag:s6] =	ssyncset.done $0x0  }
0x13c: {  	[sflag:s6] =	ssyncadd.s32 $0xFFFFFF06  }
0x13d: {  	_ =	swait.ge [sflag:s6], $0xFA  }
0x13e: {  	[sflag:s6] =	ssyncset.done $0x0  }
0x13f: {  	s1 =	rddreg [dreg:$0x12];
	[sflag:s6] =	ssyncadd.s32 $0xFFFFFF06  }
0x140: {  	[spmem:s3] =	stream.indirect.scatter.add.f32 [tilespmem:s7], [sflag:$0x1], $0x1, s1, s8, $0xb8;
	[tilespmem:$0x3248] =	vst v63  }
0x141: {  	s2 =	rddreg [dreg:$0x13]  }
0x142: {  	[spmem:s3] =	stream.indirect.scatter.add.f32 [tilespmem:s7], [sflag:$0x1], $0x1, s2, s8, $0xb8;
	[tilespmem:$0x3248] =	vst v63  }
0x143: {  	s1 =	rddreg [dreg:$0x14]  }
0x144: {  	[spmem:s3] =	stream.indirect.scatter.add.f32 [tilespmem:s7], [sflag:$0x1], $0x1, s1, s8, $0xb8;
	[tilespmem:$0x3248] =	vst v63  }
0x145: {  	s2 =	rddreg [dreg:$0x15]  }
0x146: {  	[spmem:s3] =	stream.indirect.scatter.add.f32 [tilespmem:s7], [sflag:$0x1], $0x1, s2, s8, $0xb8;
	[tilespmem:$0x3248] =	vst v63  }
0x147: {  	s1 =	rddreg [dreg:$0x16]  }
0x148: {  	[spmem:s3] =	stream.indirect.scatter.add.f32 [tilespmem:s7], [sflag:$0x1], $0x1, s1, s8, $0xb8;
	[tilespmem:$0x3248] =	vst v63  }
0x149: {  	s2 =	rddreg [dreg:$0x17]  }
0x14a: {  	[spmem:s3] =	stream.indirect.scatter.add.f32 [tilespmem:s7], [sflag:$0x1], $0x1, s2, s8, $0xb8;
	[tilespmem:$0x3248] =	vst v63  }
0x14b: {  	s1 =	rddreg [dreg:$0x18]  }
0x14c: {  	[spmem:s3] =	stream.indirect.scatter.add.f32 [tilespmem:s7], [sflag:$0x1], $0x1, s1, s8, $0xb8;
	[tilespmem:$0x3248] =	vst v63  }
0x14d: {  	s2 =	rddreg [dreg:$0x19]  }
0x14e: {  	[spmem:s3] =	stream.indirect.scatter.add.f32 [tilespmem:s7], [sflag:$0x1], $0x1, s2, s8, $0xb8;
	[tilespmem:$0x3248] =	vst v63  }
0x14f: {  	s1 =	rddreg [dreg:$0x1a]  }
0x150: {  	[spmem:s3] =	stream.indirect.scatter.add.f32 [tilespmem:s7], [sflag:$0x1], $0x1, s1, s8, $0xb8;
	[tilespmem:$0x3248] =	vst v63  }
0x151: {  	s2 =	rddreg [dreg:$0x1b]  }
0x152: {  	[spmem:s3] =	stream.indirect.scatter.add.f32 [tilespmem:s7], [sflag:$0x1], $0x1, s2, s8, $0xb8;
	[tilespmem:$0x3248] =	vst v63  }
0x153: {  	_ =	swait.ge [sflag:s6], $0xFA  }
0x154: {  	[sflag:s6] =	ssyncset.done $0x0  }
0x155: {  	[sflag:s6] =	ssyncadd.s32 $0xFFFFFF06  }
0x156: {  	_ =	swait.ge [sflag:s6], $0xFA  }
0x157: {  	[sflag:s6] =	ssyncset.done $0x0  }
0x158: {  	[sflag:s6] =	ssyncadd.s32 $0xFFFFFF06  }
0x159: {  	_ =	swait.ge [sflag:s6], $0xFA  }
0x15a: {  	[sflag:s6] =	ssyncset.done $0x0  }
0x15b: {  	[sflag:s6] =	ssyncadd.s32 $0xFFFFFF06  }
0x15c: {  	_ =	swait.ge [sflag:s6], $0xFA  }
0x15d: {  	[sflag:s6] =	ssyncset.done $0x0  }
0x15e: {  	[sflag:s6] =	ssyncadd.s32 $0xFFFFFF06  }
0x15f: {  	_ =	swait.ge [sflag:s6], $0xFA  }
0x160: {  	[sflag:s6] =	ssyncset.done $0x0  }
0x161: {  	[sflag:s6] =	ssyncadd.s32 $0xFFFFFF06  }
0x162: {  	_ =	swait.ge [sflag:s6], $0xFA  }
0x163: {  	[sflag:s6] =	ssyncset.done $0x0  }
0x164: {  	[sflag:s6] =	ssyncadd.s32 $0xFFFFFF06  }
0x165: {  	_ =	swait.ge [sflag:s6], $0xFA  }
0x166: {  	[sflag:s6] =	ssyncset.done $0x0  }
0x167: {  	[sflag:s6] =	ssyncadd.s32 $0xFFFFFF06  }
0x168: {  	_ =	swait.ge [sflag:s6], $0xFA  }
0x169: {  	[sflag:s6] =	ssyncset.done $0x0  }
0x16a: {  	[sflag:s6] =	ssyncadd.s32 $0xFFFFFF06  }
0x16b: {  	_ =	swait.ge [sflag:s6], $0xFA  }
0x16c: {  	[sflag:s6] =	ssyncset.done $0x0  }
0x16d: {  	[sflag:s6] =	ssyncadd.s32 $0xFFFFFF06  }
0x16e: {  	_ =	swait.ge [sflag:s6], $0xFA  }
0x16f: {  	[sflag:s6] =	ssyncset.done $0x0  }
0x170: {  	s2 =	rddreg [dreg:$0x1c];
	[sflag:s6] =	ssyncadd.s32 $0xFFFFFF06  }
0x171: {  	[spmem:s3] =	stream.indirect.scatter.add.f32 [tilespmem:s7], [sflag:$0x1], $0x1, s2, s8, $0xb8;
	[tilespmem:$0x3248] =	vst v63  }
0x172: {  	_ = 	snop  }
0x173: {  	[spmem:s3] =	stream.indirect.scatter.add.f32 [tilespmem:s7], [sflag:$0x1], $0x1, s19, s8, $0xb8;
	[tilespmem:$0x3248] =	vst v63  }
0x174: {  	_ = 	snop  }
0x175: {  	[spmem:s3] =	stream.indirect.scatter.add.f32 [tilespmem:s7], [sflag:$0x1], $0x1, s20, s8, $0xb8;
	[tilespmem:$0x3248] =	vst v63  }
0x176: {  	_ = 	snop  }
0x177: {  	[spmem:s3] =	stream.indirect.scatter.add.f32 [tilespmem:s7], [sflag:$0x1], $0x1, s21, s8, $0xb8;
	[tilespmem:$0x3248] =	vst v63  }
0x178: {  	_ = 	snop  }
0x179: {  	[spmem:s3] =	stream.indirect.scatter.add.f32 [tilespmem:s7], [sflag:$0x1], $0x1, s22, s8, $0xb8;
	[tilespmem:$0x3248] =	vst v63  }
0x17a: {  	_ = 	snop  }
0x17b: {  	[spmem:s3] =	stream.indirect.scatter.add.f32 [tilespmem:s7], [sflag:$0x1], $0x1, s23, s8, $0xb8;
	[tilespmem:$0x3248] =	vst v63  }
0x17c: {  	_ = 	snop  }
0x17d: {  	[spmem:s3] =	stream.indirect.scatter.add.f32 [tilespmem:s7], [sflag:$0x1], $0x1, s24, s8, $0xb8;
	[tilespmem:$0x3248] =	vst v63  }
0x17e: {  	_ = 	snop  }
0x17f: {  	[spmem:s3] =	stream.indirect.scatter.add.f32 [tilespmem:s7], [sflag:$0x1], $0x1, s25, s8, $0xb8;
	[tilespmem:$0x3248] =	vst v63  }
0x180: {  	_ = 	snop  }
0x181: {  	[spmem:s3] =	stream.indirect.scatter.add.f32 [tilespmem:s7], [sflag:$0x1], $0x1, s26, s8, $0xb8;
	[tilespmem:$0x3248] =	vst v63  }
0x182: {  	_ = 	snop  }
0x183: {  	[spmem:s3] =	stream.indirect.scatter.add.f32 [tilespmem:s7], [sflag:$0x1], $0x1, s28, s8, $0xb8;
	[tilespmem:$0x3248] =	vst v63  }
0x184: {  	_ =	swait.ge [sflag:s6], $0xFA  }
0x185: {  	[sflag:s6] =	ssyncset.done $0x0  }
0x186: {  	[sflag:s6] =	ssyncadd.s32 $0xFFFFFF06  }
0x187: {  	_ =	swait.ge [sflag:s6], $0xFA  }
0x188: {  	[sflag:s6] =	ssyncset.done $0x0  }
0x189: {  	[sflag:s6] =	ssyncadd.s32 $0xFFFFFF06  }
0x18a: {  	_ =	swait.ge [sflag:s6], $0xFA  }
0x18b: {  	[sflag:s6] =	ssyncset.done $0x0  }
0x18c: {  	[sflag:s6] =	ssyncadd.s32 $0xFFFFFF06  }
0x18d: {  	_ =	swait.ge [sflag:s6], $0xFA  }
0x18e: {  	[sflag:s6] =	ssyncset.done $0x0  }
0x18f: {  	[sflag:s6] =	ssyncadd.s32 $0xFFFFFF06  }
0x190: {  	_ =	swait.ge [sflag:s6], $0xFA  }
0x191: {  	[sflag:s6] =	ssyncset.done $0x0  }
0x192: {  	[sflag:s6] =	ssyncadd.s32 $0xFFFFFF06  }
0x193: {  	_ =	swait.ge [sflag:s6], $0xFA  }
0x194: {  	[sflag:s6] =	ssyncset.done $0x0  }
0x195: {  	[sflag:s6] =	ssyncadd.s32 $0xFFFFFF06  }
0x196: {  	_ =	swait.ge [sflag:s6], $0xFA  }
0x197: {  	[sflag:s6] =	ssyncset.done $0x0  }
0x198: {  	[sflag:s6] =	ssyncadd.s32 $0xFFFFFF06  }
0x199: {  	_ =	swait.ge [sflag:s6], $0xFA  }
0x19a: {  	[sflag:s6] =	ssyncset.done $0x0  }
0x19b: {  	[sflag:s6] =	ssyncadd.s32 $0xFFFFFF06  }
0x19c: {  	_ =	swait.ge [sflag:s6], $0xFA  }
0x19d: {  	[sflag:s6] =	ssyncset.done $0x0  }
0x19e: {  	[sflag:s6] =	ssyncadd.s32 $0xFFFFFF06  }
0x19f: {  	_ =	swait.ge [sflag:s6], $0xFA  }
0x1a0: {  	[sflag:s6] =	ssyncset.done $0x0  }
0x1a1: {  	[sflag:s6] =	ssyncadd.s32 $0xFFFFFF06  }
0x1a2: {  	[spmem:s3] =	stream.indirect.scatter.add.f32 [tilespmem:s7], [sflag:$0x1], $0x1, s9, s8, $0xb8;
	[tilespmem:$0x3248] =	vst v63  }
0x1a3: {  	_ = 	snop  }
0x1a4: {  	[spmem:s3] =	stream.indirect.scatter.add.f32 [tilespmem:s7], [sflag:$0x1], $0x1, s10, s8, $0xb8;
	[tilespmem:$0x3248] =	vst v63  }
0x1a5: {  	_ = 	snop  }
0x1a6: {  	[spmem:s3] =	stream.indirect.scatter.add.f32 [tilespmem:s7], [sflag:$0x1], $0x1, s11, s8, $0xb8;
	[tilespmem:$0x3248] =	vst v63  }
0x1a7: {  	_ = 	snop  }
0x1a8: {  	[spmem:s3] =	stream.indirect.scatter.add.f32 [tilespmem:s7], [sflag:$0x1], $0x1, s12, s8, $0xb8;
	[tilespmem:$0x3248] =	vst v63  }
0x1a9: {  	_ = 	snop  }
0x1aa: {  	[spmem:s3] =	stream.indirect.scatter.add.f32 [tilespmem:s7], [sflag:$0x1], $0x1, s13, s8, $0xb8;
	[tilespmem:$0x3248] =	vst v63  }
0x1ab: {  	_ = 	snop  }
0x1ac: {  	[spmem:s3] =	stream.indirect.scatter.add.f32 [tilespmem:s7], [sflag:$0x1], $0x1, s14, s8, $0xb8;
	[tilespmem:$0x3248] =	vst v63  }
0x1ad: {  	_ = 	snop  }
0x1ae: {  	[spmem:s3] =	stream.indirect.scatter.add.f32 [tilespmem:s7], [sflag:$0x1], $0x1, s15, s8, $0xb8;
	[tilespmem:$0x3248] =	vst v63  }
0x1af: {  	_ = 	snop  }
0x1b0: {  	[spmem:s3] =	stream.indirect.scatter.add.f32 [tilespmem:s7], [sflag:$0x1], $0x1, s16, s8, $0xb8;
	[tilespmem:$0x3248] =	vst v63  }
0x1b1: {  	_ = 	snop  }
0x1b2: {  	[spmem:s3] =	stream.indirect.scatter.add.f32 [tilespmem:s7], [sflag:$0x1], $0x1, s17, s8, $0xb8;
	[tilespmem:$0x3248] =	vst v63  }
0x1b3: {  	_ = 	snop  }
0x1b4: {  	[spmem:s3] =	stream.indirect.scatter.add.f32 [tilespmem:s7], [sflag:$0x1], $0x1, s18, s8, $0xb8;
	[tilespmem:$0x3248] =	vst v63  }
0x1b5: {  	_ =	swait.ge [sflag:s6], $0xFA  }
0x1b6: {  	[sflag:s6] =	ssyncset.done $0x0  }
0x1b7: {  	[sflag:s6] =	ssyncadd.s32 $0xFFFFFF06  }
0x1b8: {  	_ =	swait.ge [sflag:s6], $0xFA  }
0x1b9: {  	[sflag:s6] =	ssyncset.done $0x0  }
0x1ba: {  	[sflag:s6] =	ssyncadd.s32 $0xFFFFFF06  }
0x1bb: {  	_ =	swait.ge [sflag:s6], $0xFA  }
0x1bc: {  	[sflag:s6] =	ssyncset.done $0x0  }
0x1bd: {  	[sflag:s6] =	ssyncadd.s32 $0xFFFFFF06  }
0x1be: {  	_ =	swait.ge [sflag:s6], $0xFA  }
0x1bf: {  	[sflag:s6] =	ssyncset.done $0x0  }
0x1c0: {  	[sflag:s6] =	ssyncadd.s32 $0xFFFFFF06  }
0x1c1: {  	_ =	swait.ge [sflag:s6], $0xFA  }
0x1c2: {  	[sflag:s6] =	ssyncset.done $0x0  }
0x1c3: {  	[sflag:s6] =	ssyncadd.s32 $0xFFFFFF06  }
0x1c4: {  	_ =	swait.ge [sflag:s6], $0xFA  }
0x1c5: {  	[sflag:s6] =	ssyncset.done $0x0  }
0x1c6: {  	[sflag:s6] =	ssyncadd.s32 $0xFFFFFF06  }
0x1c7: {  	_ =	swait.ge [sflag:s6], $0xFA  }
0x1c8: {  	[sflag:s6] =	ssyncset.done $0x0  }
0x1c9: {  	[sflag:s6] =	ssyncadd.s32 $0xFFFFFF06  }
0x1ca: {  	_ =	swait.ge [sflag:s6], $0xFA  }
0x1cb: {  	[sflag:s6] =	ssyncset.done $0x0  }
0x1cc: {  	[sflag:s6] =	ssyncadd.s32 $0xFFFFFF06  }
0x1cd: {  	_ =	swait.ge [sflag:s6], $0xFA  }
0x1ce: {  	[sflag:s6] =	ssyncset.done $0x0  }
0x1cf: {  	[sflag:s6] =	ssyncadd.s32 $0xFFFFFF06  }
0x1d0: {  	_ =	swait.ge [sflag:s6], $0xFA  }
0x1d1: {  	[sflag:s6] =	ssyncset.done $0x0  }
0x1d2: {  	p1 =	sne.s32 s0, $0x1;
	[sflag:s6] =	ssyncadd.s32 $0xFFFFFF06  }
.Ltmp2:
0x1d3: {  	[bflag:$0x0] =	sbarrier.arrive $0xFFFF;
	(pc) =	sbr.rel @p1 .LBB2_3-.Ltmp2, $4  }
0x1d4: {  	s2 =	rddreg [dreg:$0x8]  }
0x1d5: {  	[hbm:s2], [sflag:s31] =	dma.local [spmem:s4], $0x278  }
0x1d6: {  	_ =	swait.ge [sflag:s5], $0x278  }
0x1d7: {  	s0 =	sadd.s32 $0xFFFFFFFF, s0;
	s1 =	rddreg [dreg:$0x5];
	[sflag:s5] =	ssyncset.done $0x0  }
0x1d8: {  	s31 =	rddreg [dreg:$0x3]  }
0x1d9: {  	s2 =	rddreg [dreg:$0x1d]  }
.LBB2_5:
0x1da: {  	s0 =	rddreg [dreg:$0x6];
	[sflag:s5] =	ssyncadd.s32 @p0 $0xFFFFFD88  }
0x1db: {  	[spmem:s4], [sflag:s0] =	dma.local [hbm:s1], $0x278  }
0x1dc: {  	s0 =	rddreg [dreg:$0x7]  }
0x1dd: {  	[tilespmem:s29], [sflag:$0x3] =	stream.linear.gather [hbm4b:s0+s29], $0x2800, $0x38;
	[tilespmem:$0x3248] =	vst v63  }
0x1de: {  	_ =	swait.ge [sflag:s5], $0x2800  }
0x1df: {  	[sflag:s5] =	ssyncset.done $0x0  }
0x1e0: {  	s1 =	rddreg [dreg:$0x4];
	[sflag:s5] =	ssyncadd.s32 $0xFFFFD800  }
0x1e1: {  	[tilespmem:s7], [sflag:$0x3] =	stream.linear.gather [hbm4b:s1+s29], $0x7D0, $0x38;
	[tilespmem:$0x3248] =	vst v63  }
0x1e2: {  	_ =	swait.ge [sflag:s5], $0x7D0  }
0x1e3: {  	[sflag:s5] =	ssyncset.done $0x0  }
0x1e4: {  	[sflag:s5] =	ssyncadd.s32 $0xFFFFF830  }
0x1e5: {  	_ =	swait.ge [sflag:s30], $0x278  }
0x1e6: {  	[sflag:s30] =	ssyncset.done $0x0  }
0x1e7: {  	[sflag:s30] =	ssyncadd.s32 $0xFFFFFD88  }
0x1e8: {  	[bflag:$0x0] =	sbarrier.arrive $0xFFFF  }
0x1e9: {  	[spmem:s3] =	stream.indirect.scatter.add.f32 [tilespmem:s7], [sflag:$0x1], $0x1, s29, s8, $0xb8;
	[tilespmem:$0x3248] =	vst v63  }
0x1ea: {  	s1 =	rddreg [dreg:$0x9]  }
0x1eb: {  	[spmem:s3] =	stream.indirect.scatter.add.f32 [tilespmem:s7], [sflag:$0x1], $0x1, s1, s8, $0xb8;
	[tilespmem:$0x3248] =	vst v63  }
0x1ec: {  	s29 =	rddreg [dreg:$0xa]  }
0x1ed: {  	[spmem:s3] =	stream.indirect.scatter.add.f32 [tilespmem:s7], [sflag:$0x1], $0x1, s29, s8, $0xb8;
	[tilespmem:$0x3248] =	vst v63  }
0x1ee: {  	s30 =	rddreg [dreg:$0xb]  }
0x1ef: {  	[spmem:s3] =	stream.indirect.scatter.add.f32 [tilespmem:s7], [sflag:$0x1], $0x1, s30, s8, $0xb8;
	[tilespmem:$0x3248] =	vst v63  }
0x1f0: {  	s29 =	rddreg [dreg:$0xc]  }
0x1f1: {  	[spmem:s3] =	stream.indirect.scatter.add.f32 [tilespmem:s7], [sflag:$0x1], $0x1, s29, s8, $0xb8;
	[tilespmem:$0x3248] =	vst v63  }
0x1f2: {  	s30 =	rddreg [dreg:$0xd]  }
0x1f3: {  	[spmem:s3] =	stream.indirect.scatter.add.f32 [tilespmem:s7], [sflag:$0x1], $0x1, s30, s8, $0xb8;
	[tilespmem:$0x3248] =	vst v63  }
0x1f4: {  	s29 =	rddreg [dreg:$0xe]  }
0x1f5: {  	[spmem:s3] =	stream.indirect.scatter.add.f32 [tilespmem:s7], [sflag:$0x1], $0x1, s29, s8, $0xb8;
	[tilespmem:$0x3248] =	vst v63  }
0x1f6: {  	s30 =	rddreg [dreg:$0xf]  }
0x1f7: {  	[spmem:s3] =	stream.indirect.scatter.add.f32 [tilespmem:s7], [sflag:$0x1], $0x1, s30, s8, $0xb8;
	[tilespmem:$0x3248] =	vst v63  }
0x1f8: {  	s29 =	rddreg [dreg:$0x10]  }
0x1f9: {  	[spmem:s3] =	stream.indirect.scatter.add.f32 [tilespmem:s7], [sflag:$0x1], $0x1, s29, s8, $0xb8;
	[tilespmem:$0x3248] =	vst v63  }
0x1fa: {  	s30 =	rddreg [dreg:$0x11]  }
0x1fb: {  	[spmem:s3] =	stream.indirect.scatter.add.f32 [tilespmem:s7], [sflag:$0x1], $0x1, s30, s8, $0xb8;
	[tilespmem:$0x3248] =	vst v63  }
0x1fc: {  	_ =	swait.ge [sflag:s6], $0xFA  }
0x1fd: {  	[sflag:s6] =	ssyncset.done $0x0  }
0x1fe: {  	[sflag:s6] =	ssyncadd.s32 $0xFFFFFF06  }
0x1ff: {  	_ =	swait.ge [sflag:s6], $0xFA  }
0x200: {  	[sflag:s6] =	ssyncset.done $0x0  }
0x201: {  	[sflag:s6] =	ssyncadd.s32 $0xFFFFFF06  }
0x202: {  	_ =	swait.ge [sflag:s6], $0xFA  }
0x203: {  	[sflag:s6] =	ssyncset.done $0x0  }
0x204: {  	[sflag:s6] =	ssyncadd.s32 $0xFFFFFF06  }
0x205: {  	_ =	swait.ge [sflag:s6], $0xFA  }
0x206: {  	[sflag:s6] =	ssyncset.done $0x0  }
0x207: {  	[sflag:s6] =	ssyncadd.s32 $0xFFFFFF06  }
0x208: {  	_ =	swait.ge [sflag:s6], $0xFA  }
0x209: {  	[sflag:s6] =	ssyncset.done $0x0  }
0x20a: {  	[sflag:s6] =	ssyncadd.s32 $0xFFFFFF06  }
0x20b: {  	_ =	swait.ge [sflag:s6], $0xFA  }
0x20c: {  	[sflag:s6] =	ssyncset.done $0x0  }
0x20d: {  	[sflag:s6] =	ssyncadd.s32 $0xFFFFFF06  }
0x20e: {  	_ =	swait.ge [sflag:s6], $0xFA  }
0x20f: {  	[sflag:s6] =	ssyncset.done $0x0  }
0x210: {  	[sflag:s6] =	ssyncadd.s32 $0xFFFFFF06  }
0x211: {  	_ =	swait.ge [sflag:s6], $0xFA  }
0x212: {  	[sflag:s6] =	ssyncset.done $0x0  }
0x213: {  	[sflag:s6] =	ssyncadd.s32 $0xFFFFFF06  }
0x214: {  	_ =	swait.ge [sflag:s6], $0xFA  }
0x215: {  	[sflag:s6] =	ssyncset.done $0x0  }
0x216: {  	[sflag:s6] =	ssyncadd.s32 $0xFFFFFF06  }
0x217: {  	_ =	swait.ge [sflag:s6], $0xFA  }
0x218: {  	[sflag:s6] =	ssyncset.done $0x0  }
0x219: {  	s29 =	rddreg [dreg:$0x12];
	[sflag:s6] =	ssyncadd.s32 $0xFFFFFF06  }
0x21a: {  	[spmem:s3] =	stream.indirect.scatter.add.f32 [tilespmem:s7], [sflag:$0x1], $0x1, s29, s8, $0xb8;
	[tilespmem:$0x3248] =	vst v63  }
0x21b: {  	s30 =	rddreg [dreg:$0x13]  }
0x21c: {  	[spmem:s3] =	stream.indirect.scatter.add.f32 [tilespmem:s7], [sflag:$0x1], $0x1, s30, s8, $0xb8;
	[tilespmem:$0x3248] =	vst v63  }
0x21d: {  	s29 =	rddreg [dreg:$0x14]  }
0x21e: {  	[spmem:s3] =	stream.indirect.scatter.add.f32 [tilespmem:s7], [sflag:$0x1], $0x1, s29, s8, $0xb8;
	[tilespmem:$0x3248] =	vst v63  }
0x21f: {  	s30 =	rddreg [dreg:$0x15]  }
0x220: {  	[spmem:s3] =	stream.indirect.scatter.add.f32 [tilespmem:s7], [sflag:$0x1], $0x1, s30, s8, $0xb8;
	[tilespmem:$0x3248] =	vst v63  }
0x221: {  	s29 =	rddreg [dreg:$0x16]  }
0x222: {  	[spmem:s3] =	stream.indirect.scatter.add.f32 [tilespmem:s7], [sflag:$0x1], $0x1, s29, s8, $0xb8;
	[tilespmem:$0x3248] =	vst v63  }
0x223: {  	s30 =	rddreg [dreg:$0x17]  }
0x224: {  	[spmem:s3] =	stream.indirect.scatter.add.f32 [tilespmem:s7], [sflag:$0x1], $0x1, s30, s8, $0xb8;
	[tilespmem:$0x3248] =	vst v63  }
0x225: {  	s29 =	rddreg [dreg:$0x18]  }
0x226: {  	[spmem:s3] =	stream.indirect.scatter.add.f32 [tilespmem:s7], [sflag:$0x1], $0x1, s29, s8, $0xb8;
	[tilespmem:$0x3248] =	vst v63  }
0x227: {  	s30 =	rddreg [dreg:$0x19]  }
0x228: {  	[spmem:s3] =	stream.indirect.scatter.add.f32 [tilespmem:s7], [sflag:$0x1], $0x1, s30, s8, $0xb8;
	[tilespmem:$0x3248] =	vst v63  }
0x229: {  	s29 =	rddreg [dreg:$0x1a]  }
0x22a: {  	[spmem:s3] =	stream.indirect.scatter.add.f32 [tilespmem:s7], [sflag:$0x1], $0x1, s29, s8, $0xb8;
	[tilespmem:$0x3248] =	vst v63  }
0x22b: {  	s30 =	rddreg [dreg:$0x1b]  }
0x22c: {  	[spmem:s3] =	stream.indirect.scatter.add.f32 [tilespmem:s7], [sflag:$0x1], $0x1, s30, s8, $0xb8;
	[tilespmem:$0x3248] =	vst v63  }
0x22d: {  	_ =	swait.ge [sflag:s6], $0xFA  }
0x22e: {  	[sflag:s6] =	ssyncset.done $0x0  }
0x22f: {  	[sflag:s6] =	ssyncadd.s32 $0xFFFFFF06  }
0x230: {  	_ =	swait.ge [sflag:s6], $0xFA  }
0x231: {  	[sflag:s6] =	ssyncset.done $0x0  }
0x232: {  	[sflag:s6] =	ssyncadd.s32 $0xFFFFFF06  }
0x233: {  	_ =	swait.ge [sflag:s6], $0xFA  }
0x234: {  	[sflag:s6] =	ssyncset.done $0x0  }
0x235: {  	[sflag:s6] =	ssyncadd.s32 $0xFFFFFF06  }
0x236: {  	_ =	swait.ge [sflag:s6], $0xFA  }
0x237: {  	[sflag:s6] =	ssyncset.done $0x0  }
0x238: {  	[sflag:s6] =	ssyncadd.s32 $0xFFFFFF06  }
0x239: {  	_ =	swait.ge [sflag:s6], $0xFA  }
0x23a: {  	[sflag:s6] =	ssyncset.done $0x0  }
0x23b: {  	[sflag:s6] =	ssyncadd.s32 $0xFFFFFF06  }
0x23c: {  	_ =	swait.ge [sflag:s6], $0xFA  }
0x23d: {  	[sflag:s6] =	ssyncset.done $0x0  }
0x23e: {  	[sflag:s6] =	ssyncadd.s32 $0xFFFFFF06  }
0x23f: {  	_ =	swait.ge [sflag:s6], $0xFA  }
0x240: {  	[sflag:s6] =	ssyncset.done $0x0  }
0x241: {  	[sflag:s6] =	ssyncadd.s32 $0xFFFFFF06  }
0x242: {  	_ =	swait.ge [sflag:s6], $0xFA  }
0x243: {  	[sflag:s6] =	ssyncset.done $0x0  }
0x244: {  	[sflag:s6] =	ssyncadd.s32 $0xFFFFFF06  }
0x245: {  	_ =	swait.ge [sflag:s6], $0xFA  }
0x246: {  	[sflag:s6] =	ssyncset.done $0x0  }
0x247: {  	[sflag:s6] =	ssyncadd.s32 $0xFFFFFF06  }
0x248: {  	_ =	swait.ge [sflag:s6], $0xFA  }
0x249: {  	[sflag:s6] =	ssyncset.done $0x0  }
0x24a: {  	s1 =	rddreg [dreg:$0x1c];
	[sflag:s6] =	ssyncadd.s32 $0xFFFFFF06  }
0x24b: {  	[spmem:s3] =	stream.indirect.scatter.add.f32 [tilespmem:s7], [sflag:$0x1], $0x1, s1, s8, $0xb8;
	[tilespmem:$0x3248] =	vst v63  }
0x24c: {  	_ = 	snop  }
0x24d: {  	[spmem:s3] =	stream.indirect.scatter.add.f32 [tilespmem:s7], [sflag:$0x1], $0x1, s19, s8, $0xb8;
	[tilespmem:$0x3248] =	vst v63  }
0x24e: {  	_ = 	snop  }
0x24f: {  	[spmem:s3] =	stream.indirect.scatter.add.f32 [tilespmem:s7], [sflag:$0x1], $0x1, s20, s8, $0xb8;
	[tilespmem:$0x3248] =	vst v63  }
0x250: {  	_ = 	snop  }
0x251: {  	[spmem:s3] =	stream.indirect.scatter.add.f32 [tilespmem:s7], [sflag:$0x1], $0x1, s21, s8, $0xb8;
	[tilespmem:$0x3248] =	vst v63  }
0x252: {  	_ = 	snop  }
0x253: {  	[spmem:s3] =	stream.indirect.scatter.add.f32 [tilespmem:s7], [sflag:$0x1], $0x1, s22, s8, $0xb8;
	[tilespmem:$0x3248] =	vst v63  }
0x254: {  	_ = 	snop  }
0x255: {  	[spmem:s3] =	stream.indirect.scatter.add.f32 [tilespmem:s7], [sflag:$0x1], $0x1, s23, s8, $0xb8;
	[tilespmem:$0x3248] =	vst v63  }
0x256: {  	_ = 	snop  }
0x257: {  	[spmem:s3] =	stream.indirect.scatter.add.f32 [tilespmem:s7], [sflag:$0x1], $0x1, s24, s8, $0xb8;
	[tilespmem:$0x3248] =	vst v63  }
0x258: {  	_ = 	snop  }
0x259: {  	[spmem:s3] =	stream.indirect.scatter.add.f32 [tilespmem:s7], [sflag:$0x1], $0x1, s25, s8, $0xb8;
	[tilespmem:$0x3248] =	vst v63  }
0x25a: {  	_ = 	snop  }
0x25b: {  	[spmem:s3] =	stream.indirect.scatter.add.f32 [tilespmem:s7], [sflag:$0x1], $0x1, s26, s8, $0xb8;
	[tilespmem:$0x3248] =	vst v63  }
0x25c: {  	_ = 	snop  }
0x25d: {  	[spmem:s3] =	stream.indirect.scatter.add.f32 [tilespmem:s7], [sflag:$0x1], $0x1, s28, s8, $0xb8;
	[tilespmem:$0x3248] =	vst v63  }
0x25e: {  	_ =	swait.ge [sflag:s6], $0xFA  }
0x25f: {  	[sflag:s6] =	ssyncset.done $0x0  }
0x260: {  	[sflag:s6] =	ssyncadd.s32 $0xFFFFFF06  }
0x261: {  	_ =	swait.ge [sflag:s6], $0xFA  }
0x262: {  	[sflag:s6] =	ssyncset.done $0x0  }
0x263: {  	[sflag:s6] =	ssyncadd.s32 $0xFFFFFF06  }
0x264: {  	_ =	swait.ge [sflag:s6], $0xFA  }
0x265: {  	[sflag:s6] =	ssyncset.done $0x0  }
0x266: {  	[sflag:s6] =	ssyncadd.s32 $0xFFFFFF06  }
0x267: {  	_ =	swait.ge [sflag:s6], $0xFA  }
0x268: {  	[sflag:s6] =	ssyncset.done $0x0  }
0x269: {  	[sflag:s6] =	ssyncadd.s32 $0xFFFFFF06  }
0x26a: {  	_ =	swait.ge [sflag:s6], $0xFA  }
0x26b: {  	[sflag:s6] =	ssyncset.done $0x0  }
0x26c: {  	[sflag:s6] =	ssyncadd.s32 $0xFFFFFF06  }
0x26d: {  	_ =	swait.ge [sflag:s6], $0xFA  }
0x26e: {  	[sflag:s6] =	ssyncset.done $0x0  }
0x26f: {  	[sflag:s6] =	ssyncadd.s32 $0xFFFFFF06  }
0x270: {  	_ =	swait.ge [sflag:s6], $0xFA  }
0x271: {  	[sflag:s6] =	ssyncset.done $0x0  }
0x272: {  	[sflag:s6] =	ssyncadd.s32 $0xFFFFFF06  }
0x273: {  	_ =	swait.ge [sflag:s6], $0xFA  }
0x274: {  	[sflag:s6] =	ssyncset.done $0x0  }
0x275: {  	[sflag:s6] =	ssyncadd.s32 $0xFFFFFF06  }
0x276: {  	_ =	swait.ge [sflag:s6], $0xFA  }
0x277: {  	[sflag:s6] =	ssyncset.done $0x0  }
0x278: {  	[sflag:s6] =	ssyncadd.s32 $0xFFFFFF06  }
0x279: {  	_ =	swait.ge [sflag:s6], $0xFA  }
0x27a: {  	[sflag:s6] =	ssyncset.done $0x0  }
0x27b: {  	[sflag:s6] =	ssyncadd.s32 $0xFFFFFF06  }
0x27c: {  	[spmem:s3] =	stream.indirect.scatter.add.f32 [tilespmem:s7], [sflag:$0x1], $0x1, s9, s8, $0xb8;
	[tilespmem:$0x3248] =	vst v63  }
0x27d: {  	_ = 	snop  }
0x27e: {  	[spmem:s3] =	stream.indirect.scatter.add.f32 [tilespmem:s7], [sflag:$0x1], $0x1, s10, s8, $0xb8;
	[tilespmem:$0x3248] =	vst v63  }
0x27f: {  	_ = 	snop  }
0x280: {  	[spmem:s3] =	stream.indirect.scatter.add.f32 [tilespmem:s7], [sflag:$0x1], $0x1, s11, s8, $0xb8;
	[tilespmem:$0x3248] =	vst v63  }
0x281: {  	_ = 	snop  }
0x282: {  	[spmem:s3] =	stream.indirect.scatter.add.f32 [tilespmem:s7], [sflag:$0x1], $0x1, s12, s8, $0xb8;
	[tilespmem:$0x3248] =	vst v63  }
0x283: {  	_ = 	snop  }
0x284: {  	[spmem:s3] =	stream.indirect.scatter.add.f32 [tilespmem:s7], [sflag:$0x1], $0x1, s13, s8, $0xb8;
	[tilespmem:$0x3248] =	vst v63  }
0x285: {  	_ = 	snop  }
0x286: {  	[spmem:s3] =	stream.indirect.scatter.add.f32 [tilespmem:s7], [sflag:$0x1], $0x1, s14, s8, $0xb8;
	[tilespmem:$0x3248] =	vst v63  }
0x287: {  	_ = 	snop  }
0x288: {  	[spmem:s3] =	stream.indirect.scatter.add.f32 [tilespmem:s7], [sflag:$0x1], $0x1, s15, s8, $0xb8;
	[tilespmem:$0x3248] =	vst v63  }
0x289: {  	_ = 	snop  }
0x28a: {  	[spmem:s3] =	stream.indirect.scatter.add.f32 [tilespmem:s7], [sflag:$0x1], $0x1, s16, s8, $0xb8;
	[tilespmem:$0x3248] =	vst v63  }
0x28b: {  	_ = 	snop  }
0x28c: {  	[spmem:s3] =	stream.indirect.scatter.add.f32 [tilespmem:s7], [sflag:$0x1], $0x1, s17, s8, $0xb8;
	[tilespmem:$0x3248] =	vst v63  }
0x28d: {  	_ = 	snop  }
0x28e: {  	[spmem:s3] =	stream.indirect.scatter.add.f32 [tilespmem:s7], [sflag:$0x1], $0x1, s18, s8, $0xb8;
	[tilespmem:$0x3248] =	vst v63  }
0x28f: {  	_ =	swait.ge [sflag:s6], $0xFA  }
0x290: {  	[sflag:s6] =	ssyncset.done $0x0  }
0x291: {  	[sflag:s6] =	ssyncadd.s32 $0xFFFFFF06  }
0x292: {  	_ =	swait.ge [sflag:s6], $0xFA  }
0x293: {  	[sflag:s6] =	ssyncset.done $0x0  }
0x294: {  	[sflag:s6] =	ssyncadd.s32 $0xFFFFFF06  }
0x295: {  	_ =	swait.ge [sflag:s6], $0xFA  }
0x296: {  	[sflag:s6] =	ssyncset.done $0x0  }
0x297: {  	[sflag:s6] =	ssyncadd.s32 $0xFFFFFF06  }
0x298: {  	_ =	swait.ge [sflag:s6], $0xFA  }
0x299: {  	[sflag:s6] =	ssyncset.done $0x0  }
0x29a: {  	[sflag:s6] =	ssyncadd.s32 $0xFFFFFF06  }
0x29b: {  	_ =	swait.ge [sflag:s6], $0xFA  }
0x29c: {  	[sflag:s6] =	ssyncset.done $0x0  }
0x29d: {  	[sflag:s6] =	ssyncadd.s32 $0xFFFFFF06  }
0x29e: {  	_ =	swait.ge [sflag:s6], $0xFA  }
0x29f: {  	[sflag:s6] =	ssyncset.done $0x0  }
0x2a0: {  	[sflag:s6] =	ssyncadd.s32 $0xFFFFFF06  }
0x2a1: {  	_ =	swait.ge [sflag:s6], $0xFA  }
0x2a2: {  	[sflag:s6] =	ssyncset.done $0x0  }
0x2a3: {  	[sflag:s6] =	ssyncadd.s32 $0xFFFFFF06  }
0x2a4: {  	_ =	swait.ge [sflag:s6], $0xFA  }
0x2a5: {  	[sflag:s6] =	ssyncset.done $0x0  }
0x2a6: {  	[sflag:s6] =	ssyncadd.s32 $0xFFFFFF06  }
0x2a7: {  	_ =	swait.ge [sflag:s6], $0xFA  }
0x2a8: {  	[sflag:s6] =	ssyncset.done $0x0  }
0x2a9: {  	[sflag:s6] =	ssyncadd.s32 $0xFFFFFF06  }
0x2aa: {  	_ =	swait.ge [sflag:s6], $0xFA  }
0x2ab: {  	[sflag:s6] =	ssyncset.done $0x0  }
0x2ac: {  	[sflag:s6] =	ssyncadd.s32 $0xFFFFFF06  }
0x2ad: {  	[bflag:$0x0] =	sbarrier.arrive $0xFFFF  }
0x2ae: {  	s29 =	sor.u32 $0x1C03, s2;
	s28 =	rddreg [dreg:$0x8]  }
0x2af: {  	[hbm:s28], [sflag:s29] =	dma.local [spmem:s4], $0x278  }
0x2b0: {  	_ =	swait.ge [sflag:s5], $0x278  }
0x2b1: {  	[sflag:s5] =	ssyncset.done $0x0  }
0x2b2: {  	[sflag:s5] =	ssyncadd.s32 $0xFFFFFD88  }
0x2b3: {  	_ =	sfence.sel $0x180000  }
0x2b4: {  	s30 =	stileid.u32;
	[bflag:$0x0] =	sbarrier.arrive $0xFFFF  }
0x2b5: {  	p0 =	sne.s32 s30, $0x0;
	_ =	strace $0x90000047  }
0x2b6: {  	s0 =	sadd.s32 @!p0 $0x100000, s31;
	[bflag:$0x2] =	sbarrier.arrive $0xFFFF  }
0x2b7: {  	[sflag:s0] =	ssyncadd.tile.s32 @!p0 $0x1;
	_ =	shalt  }
.LBB2_2:
.Ltmp3:
0x2b8: {  	(pc) =	sbr.rel .LBB2_5-.Ltmp3, $3  }
0x2b9: {  	_ =	sdelay $0x1  }
0x2ba: {  	s31 =	rddreg [dreg:$0x3]  }
0x2bb: {  	s2 =	rddreg [dreg:$0x1d]  }
.Lfunc_end2:
_tile_overlayer_lowered:
.L_overlay_start_2:
0x2bc: {  	(tag) =	ssettag $0x2  }
0x2bd: {  	s0 =	rddreg [dreg:$0x0];
	s2 =	stileid.u32  }
0x2be: {  	s1 =	rddreg [dreg:$0x1];
	p0 =	sne.s32 s2, $0x0  }
0x2bf: {  	s3 =	rddreg [dreg:$0x2];
	[bflag:$0x3] =	sbarrier.arrive $0xFFFF;
	s2 =	simm.s32 @!p0 $0x1C03  }
0x2c0: {  	[timem:s3], [sflag:s2] =	dma.local @!p0 [hbm:s0], s1  }
0x2c1: {  	s0 =	simm.s32 @!p0 $0x3  }
0x2c2: {  	_ =	swait.ge @!p0 [sflag:s0], s1  }
0x2c3: {  	s1 =	ssub.s32 @!p0 $0x0, s1;
	[sflag:s0] =	ssyncset.done @!p0 $0x0  }
0x2c4: {  	[sflag:s0] =	ssyncadd.s32 @!p0 s1  }
0x2c5: {  	[bflag:$0x3] =	sbarrier.arrive $0xFFFF  }
0x2c6: {  	_ =	shalt  }

</sc_bundles>
